<compile_context>
chip_gen: v7x
topology: tpu7x:2x2x1
jax: 0.10.2.dev20260603
libtpu: 0.0.44.dev20260713+nightly
codegen_flags: <defaults>
</compile_context>

<pallas_src>
import functools
import numpy as np
import jax
import jax.numpy as jnp
from jax import lax
from jax.experimental import pallas as pl
from jax.experimental.pallas import tpu as pltpu
from jax.experimental.pallas import tpu_sc as plsc

N = 10000
E = 160000
D = 256
H = 128
NA = 21
ORDER = 10
MAXEL = 94

NSUB = 16
CH = 64
NCH = 160
NG = NCH // 2
EP = NSUB * CH * NCH
NP = 10112
STRIPE = NP // NSUB

_INV_SQRT_PI = float(1.0 / np.sqrt(np.pi))
_CONST0 = float(1.0 / np.sqrt(2.0) / np.sqrt(np.pi))



def _prep_body(an_ref, embf_ref, embh_ref, w12_ref, t_ref, af_ref):
    an = an_ref[...]
    oh = (lax.broadcasted_iota(jnp.int32, (an.shape[0], MAXEL), 1) == an)
    oh = oh.astype(jnp.float32)
    tw = jnp.dot(embf_ref[...], w12_ref[...], preferred_element_type=jnp.float32)
    t_ref[...] = jnp.dot(oh, tw, preferred_element_type=jnp.float32)
    af_ref[...] = jnp.dot(oh, embh_ref[...], preferred_element_type=jnp.float32)


def _prep(an2d, embedding, w12):
    BA = 2000
    NB = N // BA
    grid = (NB, 2, 2)
    return pl.pallas_call(
        _prep_body,
        grid=grid,
        in_specs=[
            pl.BlockSpec((BA, 1), lambda i, h, t: (i, 0)),
            pl.BlockSpec((MAXEL, D), lambda i, h, t: (0, 0)),
            pl.BlockSpec((MAXEL, H), lambda i, h, t: (0, h)),
            pl.BlockSpec((D, H), lambda i, h, t: (t, h)),
        ],
        out_specs=[
            pl.BlockSpec((BA, H), lambda i, h, t: ((t * 2 + h) * NB + i, 0)),
            pl.BlockSpec((BA, H), lambda i, h, t: (i, h)),
        ],
        out_shape=[
            jax.ShapeDtypeStruct((4 * N, H), jnp.float32),
            jax.ShapeDtypeStruct((N, D), jnp.float32),
        ],
    )(an2d, embedding, embedding, w12)



def _angle_body(bi_ref, bj_ref, wang_ref, w3_ref, b_ref, p_ref, fea_ref):
    h = pl.program_id(1)

    @pl.when(h == 0)
    def _():
        a = bi_ref[...]
        b = bj_ref[...]
        dp = a[0] * b[0] + a[1] * b[1] + a[2] * b[2]
        ni = jnp.sqrt(a[0] * a[0] + a[1] * a[1] + a[2] * a[2]) + 1e-12
        nj = jnp.sqrt(b[0] * b[0] + b[1] * b[1] + b[2] * b[2]) + 1e-12
        c = dp / (ni * nj) * (1.0 - 1e-6)
        s = jnp.sqrt(jnp.maximum(0.0, 1.0 - c * c))
        fea_ref[0] = jnp.full_like(c, _CONST0)
        ckm1 = jnp.ones_like(c)
        ck = c
        skm1 = jnp.zeros_like(c)
        sk = s
        for n in range(1, ORDER + 1):
            fea_ref[n] = ck * _INV_SQRT_PI
            fea_ref[ORDER + n] = sk * _INV_SQRT_PI
            ckp = 2.0 * c * ck - ckm1
            skp = 2.0 * c * sk - skm1
            ckm1, ck = ck, ckp
            skm1, sk = sk, skp

    wa = jnp.dot(wang_ref[...], w3_ref[...], preferred_element_type=jnp.float32)
    feat = fea_ref[...].reshape(NA, -1)
    p_ref[...] = lax.dot_general(feat, wa, (((0,), (0,)), ((), ())),
                                 preferred_element_type=jnp.float32) + b_ref[...][0]


def _angle(bi_t, bj_t, w_angle, w3, b2):
    BE = 8192
    BR = BE // 128
    grid = (EP // BE, 2)
    return pl.pallas_call(
        _angle_body,
        grid=grid,
        in_specs=[
            pl.BlockSpec((3, BR, 128), lambda i, h: (0, i, 0)),
            pl.BlockSpec((3, BR, 128), lambda i, h: (0, i, 0)),
            pl.BlockSpec((NA, D), lambda i, h: (0, 0)),
            pl.BlockSpec((D, H), lambda i, h: (0, h)),
            pl.BlockSpec((1, 1, H), lambda i, h: (h, 0, 0)),
        ],
        out_specs=pl.BlockSpec((BE, H), lambda i, h: (h * (EP // BE) + i, 0)),
        out_shape=jax.ShapeDtypeStruct((2 * EP, H), jnp.float32),
        scratch_shapes=[pltpu.VMEM((NA, BR, 128), jnp.float32)],
    )(bi_t, bj_t, w_angle, w3, b2)



def _sc_body(sd_hbm, t_hbm, p_hbm, out_hbm,
             sdm0, sdm1, dstm0, dstm1, idx0, idx1, rc0, rc1, pb0, pb1,
             agg, semA, semB, semI):
    c = lax.axis_index("c")
    s = lax.axis_index("s")

    @plsc.parallel_loop(0, 2 * CH)
    def _z(i):
        for k in range(H // 16):
            rc0[i, pl.ds(k * 16, 16)] = jnp.zeros((16,), jnp.float32)
    for k in range(4):
        pltpu.sync_copy(rc0, agg.at[pl.ds(s * STRIPE + k * 128, 128)])
    pltpu.sync_copy(rc0.at[pl.ds(0, STRIPE - 512)],
                    agg.at[pl.ds(s * STRIPE + 512, STRIPE - 512)])
    plsc.subcore_barrier()

    base1 = c * N
    base2 = 2 * N + c * N

    def ids_start(j, sdm):
        g = s * NCH + j
        pltpu.async_copy(sd_hbm.at[pl.ds(g * 2 * CH, 2 * CH)], sdm.at[0], semI)

    def ids_wait(sdm):
        pltpu.make_async_copy(sd_hbm.at[pl.ds(0, 2 * CH)], sdm.at[0], semI).wait()

    def gstart(j, sdm, dstm, idx, rc, pb, sem):
        g = s * NCH + j
        for k in range(CH // 16):
            sl = pl.ds(k * 16, 16)
            idx[sl] = sdm[0, sl] + base1
        for k in range(CH // 16):
            sli = pl.ds(CH + k * 16, 16)
            v = sdm[0, sli]
            idx[sli] = v + base2
            dstm[0, pl.ds(k * 16, 16)] = v
        pltpu.async_copy(t_hbm.at[idx], rc, sem)
        pltpu.async_copy(p_hbm.at[pl.ds(c * EP + g * CH, CH)], pb, sem)

    def drain(rc, pb, sem):
        pltpu.make_async_copy(t_hbm.at[idx0], rc, sem).wait()
        pltpu.make_async_copy(p_hbm.at[pl.ds(0, CH)], pb, sem).wait()

    def compute(rc, pb, dstm):
        @plsc.parallel_loop(0, CH)
        def _cmp(i):
            for k in range(H // 16):
                sl = pl.ds(k * 16, 16)
                x = rc[i, sl] + rc[CH + i, sl] + pb[i, sl]
                rc[i, sl] = x - x / (1.0 + jnp.exp(x))
        pltpu.sync_copy(rc.at[pl.ds(0, CH)], agg.at[dstm.at[0]], add=True)

    ids_start(0, sdm0)
    ids_wait(sdm0)
    gstart(0, sdm0, dstm0, idx0, rc0, pb0, semA)
    ids_start(1, sdm1)

    def gbody(g, _):
        j0 = 2 * g
        ids_wait(sdm1)
        gstart(j0 + 1, sdm1, dstm1, idx1, rc1, pb1, semB)

        @pl.when(g < NG - 1)
        def _():
            ids_start(j0 + 2, sdm0)
        drain(rc0, pb0, semA)
        compute(rc0, pb0, dstm0)

        @pl.when(g < NG - 1)
        def _():
            ids_wait(sdm0)
            gstart(j0 + 2, sdm0, dstm0, idx0, rc0, pb0, semA)
            ids_start(j0 + 3, sdm1)
        drain(rc1, pb1, semB)
        compute(rc1, pb1, dstm1)
        return ()

    lax.fori_loop(0, NG, gbody, ())
    plsc.subcore_barrier()

    for k in range(4):
        pltpu.sync_copy(agg.at[pl.ds(s * STRIPE + k * 128, 128)], rc0)
        pltpu.sync_copy(rc0, out_hbm.at[pl.ds(c * NP + s * STRIPE + k * 128, 128)])
    pltpu.sync_copy(agg.at[pl.ds(s * STRIPE + 512, STRIPE - 512)],
                    rc0.at[pl.ds(0, STRIPE - 512)])
    pltpu.sync_copy(rc0.at[pl.ds(0, STRIPE - 512)],
                    out_hbm.at[pl.ds(c * NP + s * STRIPE + 512, STRIPE - 512)])


def _sc_aggregate(sd_p, table, phh):
    mesh = plsc.VectorSubcoreMesh(core_axis_name="c", subcore_axis_name="s")
    kern = functools.partial(
        pl.kernel,
        mesh=mesh,
        out_type=jax.ShapeDtypeStruct((2 * NP, H), jnp.float32),
        scratch_types=[
            pltpu.VMEM((1, 2 * CH), jnp.int32),
            pltpu.VMEM((1, 2 * CH), jnp.int32),
            pltpu.VMEM((1, CH), jnp.int32),
            pltpu.VMEM((1, CH), jnp.int32),
            pltpu.VMEM((2 * CH,), jnp.int32),
            pltpu.VMEM((2 * CH,), jnp.int32),
            pltpu.VMEM((2 * CH, H), jnp.float32),
            pltpu.VMEM((2 * CH, H), jnp.float32),
            pltpu.VMEM((CH, H), jnp.float32),
            pltpu.VMEM((CH, H), jnp.float32),
            pltpu.VMEM_SHARED((NP, H), jnp.float32),
            pltpu.SemaphoreType.DMA,
            pltpu.SemaphoreType.DMA,
            pltpu.SemaphoreType.DMA,
        ],
    )(_sc_body)
    return kern(sd_p, table, phh)



def _out_body(af_ref, aggl_ref, aggu_ref, wl_ref, wu_ref, o_ref):
    o_ref[...] = (af_ref[...]
                  + jnp.dot(aggl_ref[...], wl_ref[...], preferred_element_type=jnp.float32)
                  + jnp.dot(aggu_ref[...], wu_ref[...], preferred_element_type=jnp.float32))


def _outproj(af, aggl, aggu, w_out):
    BA = 2000
    return pl.pallas_call(
        _out_body,
        grid=(N // BA,),
        in_specs=[
            pl.BlockSpec((BA, D), lambda i: (i, 0)),
            pl.BlockSpec((BA, H), lambda i: (i, 0)),
            pl.BlockSpec((BA, H), lambda i: (i, 0)),
            pl.BlockSpec((H, D), lambda i: (0, 0)),
            pl.BlockSpec((H, D), lambda i: (0, 0)),
        ],
        out_specs=pl.BlockSpec((BA, D), lambda i: (i, 0)),
        out_shape=jax.ShapeDtypeStruct((N, D), jnp.float32),
    )(af, aggl, aggu, w_out[:H], w_out[H:])



def kernel(atomic_numbers, edge_index, bond_i, bond_j, embedding, W_angle, W_msg, b_msg, W_out):
    an2d = atomic_numbers.astype(jnp.int32).reshape(N, 1)
    w12 = W_msg[:2 * D]
    w3 = W_msg[2 * D:]

    table, af = _prep(an2d, embedding, w12)

    pad = EP - E
    bi_t = jnp.pad(bond_i, ((0, pad), (0, 0))).T.reshape(3, EP // 128, 128)
    bj_t = jnp.pad(bond_j, ((0, pad), (0, 0))).T.reshape(3, EP // 128, 128)
    phh = _angle(bi_t, bj_t, W_angle, w3, b_msg.reshape(2, 1, H))

    src_c = jnp.pad(edge_index[0].astype(jnp.int32), (0, pad)).reshape(EP // CH, CH)
    dst_c = jnp.pad(edge_index[1].astype(jnp.int32), (0, pad),
                    constant_values=N).reshape(EP // CH, CH)
    sd_p = jnp.concatenate([src_c, dst_c], axis=1).reshape(-1)
    aggp = _sc_aggregate(sd_p, table, phh)

    aggl = aggp[:N]
    aggu = aggp[NP:NP + N]
    return _outproj(af, aggl, aggu, W_out)

# --- scband reference (transcript-rebuilt; emitter-appended) ---
"""Pipeline reference for scband-chgnet-55757265436834 (READ-ONLY COPY).

The authoritative reference and input builder live on the scoring server;
editing this copy changes nothing except your own understanding.
"""

import jax, jax.numpy as jnp
import numpy as np

N_ATOMS = 10000
N_EDGES = 160000
D_FEAT = 256
NUM_ANGULAR = 21
MAX_ELEM = 94
FOURIER_ORDER = (NUM_ANGULAR - 1) // 2  # 10


def setup_inputs(seed: int = 0) -> dict:
    key = jax.random.key(seed)
    k1, k2, k3, k4, k5, k6, k7, k8, k9 = jax.random.split(key, 9)
    atomic_numbers = jax.random.randint(k1, (N_ATOMS,), 0, MAX_ELEM)
    edge_index = jax.random.randint(k2, (2, N_EDGES), 0, N_ATOMS)
    bond_i = jax.random.normal(k3, (N_EDGES, 3), dtype=jnp.float32)
    bond_j = jax.random.normal(k4, (N_EDGES, 3), dtype=jnp.float32)
    # learned parameters (AtomEmbedding table, angle projection, message MLP, output proj)
    embedding = jax.random.normal(k5, (MAX_ELEM, D_FEAT), dtype=jnp.float32) * 0.02
    W_angle = jax.random.normal(k6, (NUM_ANGULAR, D_FEAT), dtype=jnp.float32) * (1.0 / np.sqrt(NUM_ANGULAR))
    W_msg = jax.random.normal(k7, (3 * D_FEAT, D_FEAT), dtype=jnp.float32) * (1.0 / np.sqrt(3 * D_FEAT))
    b_msg = jnp.zeros((D_FEAT,), dtype=jnp.float32)
    W_out = jax.random.normal(k8, (D_FEAT, D_FEAT), dtype=jnp.float32) * (1.0 / np.sqrt(D_FEAT))
    return {
        "atomic_numbers": atomic_numbers,
        "edge_index": edge_index,
        "bond_i": bond_i,
        "bond_j": bond_j,
        "embedding": embedding,
        "W_angle": W_angle,
        "W_msg": W_msg,
        "b_msg": b_msg,
        "W_out": W_out,
    }


def _angle_encoder(bond_i, bond_j):
    # normalize bond vectors (inputs to AngleEncoder are normalized bond vectors)
    bi = bond_i / (jnp.linalg.norm(bond_i, axis=1, keepdims=True) + 1e-12)
    bj = bond_j / (jnp.linalg.norm(bond_j, axis=1, keepdims=True) + 1e-12)
    cosine_ij = jnp.sum(bi * bj, axis=1) * (1 - 1e-06)
    angle = jnp.arccos(cosine_ij)
    # Fourier expansion of circular_harmonics_order = (num_angular-1)/2
    n = jnp.arange(1, FOURIER_ORDER + 1, dtype=jnp.float32)
    arg = angle[:, None] * n[None, :]
    const = jnp.full((angle.shape[0], 1), 1.0 / jnp.sqrt(2.0), dtype=jnp.float32)
    fea = jnp.concatenate([const, jnp.cos(arg), jnp.sin(arg)], axis=1) / jnp.sqrt(jnp.pi)
    return fea  # [E, NUM_ANGULAR]


def reference(atomic_numbers, edge_index, bond_i, bond_j, embedding, W_angle, W_msg, b_msg, W_out):
    # AtomEmbedding: gather rows from learnable table
    atom_fea = jnp.take(embedding, atomic_numbers, axis=0)  # [N, D]
    # AngleEncoder: Fourier expansion of angle between bond vectors
    angle_fea = _angle_encoder(bond_i, bond_j)  # [E, 21]
    ang_proj = angle_fea @ W_angle  # [E, D]
    src = edge_index[0]
    dst = edge_index[1]
    # gather endpoint atom features, form edge message through gated MLP
    msg_in = jnp.concatenate([atom_fea[src], atom_fea[dst], ang_proj], axis=1)  # [E, 3D]
    msg = jax.nn.silu(msg_in @ W_msg + b_msg)  # [E, D]
    # scatter-add aggregation to destination atoms
    agg = jax.ops.segment_sum(msg, dst, num_segments=atom_fea.shape[0])  # [N, D]
    out = atom_fea + agg @ W_out  # residual atom update
    return out

if __name__ == "__main__":
    import jax
    _d = setup_inputs()
    print(jax.jit(kernel)(*tuple(_d.values())))

</pallas_src>

<mosaic_0001>
#map = affine_map<(d0, d1) -> (0)>
#map1 = affine_map<(d0, d1) -> (0, 0)>
module attributes {stable_mosaic.version = 14 : i64} {
  func.func @_sc_body(%arg0: i32, %arg1: i32, %arg2: memref<327680xi32, #tpu.memory_space<hbm>>, %arg3: memref<40000x128xf32, #tpu.memory_space<hbm>>, %arg4: memref<327680x128xf32, #tpu.memory_space<hbm>>, %arg5: memref<20224x128xf32, #tpu.memory_space<hbm>>, %arg6: memref<1x128xi32, #tpu.memory_space<vmem>>, %arg7: memref<1x128xi32, #tpu.memory_space<vmem>>, %arg8: memref<1x64xi32, #tpu.memory_space<vmem>>, %arg9: memref<1x64xi32, #tpu.memory_space<vmem>>, %arg10: memref<128xi32, #tpu.memory_space<vmem>>, %arg11: memref<128xi32, #tpu.memory_space<vmem>>, %arg12: memref<128x128xf32, #tpu.memory_space<vmem>>, %arg13: memref<128x128xf32, #tpu.memory_space<vmem>>, %arg14: memref<64x128xf32, #tpu.memory_space<vmem>>, %arg15: memref<64x128xf32, #tpu.memory_space<vmem>>, %arg16: memref<10112x128xf32, #tpu.memory_space<vmem_shared>>, %arg17: memref<!tpu.dma_semaphore, #tpu.memory_space<semaphore_mem>>, %arg18: memref<!tpu.dma_semaphore, #tpu.memory_space<semaphore_mem>>, %arg19: memref<!tpu.dma_semaphore, #tpu.memory_space<semaphore_mem>>) attributes {dimension_semantics = [#tpu.dimension_semantics<core_parallel>, #tpu.dimension_semantics<subcore_parallel>], iteration_bounds = array<i64: 2, 16>, scalar_prefetch = 0 : i64, scratch_operands = 14 : i64, tpu.core_type = #tpu.core_type<sc_vector_subcore>, window_params = [{transform_indices = #map}, {transform_indices = #map1}, {transform_indices = #map1}, {transform_indices = #map1}]} {
    %parallel_loop3A = arith.constant 0 : i32
    %parallel_loop3A_0 = arith.constant 128 : i32
    %parallel_loop3A_1 = arith.constant 1 : i32
    scf.for %parallel_loop3A_255 = %parallel_loop3A to %parallel_loop3A_0 step %parallel_loop3A_1  : i32 {
      %parallel_loop3A_256 = arith.constant 0.000000e+00 : f32
      %parallel_loop3A_257 = vector.broadcast %parallel_loop3A_256 : f32 to vector<16xf32>
      %parallel_loop3A_258 = arith.index_cast %parallel_loop3A_255 : i32 to index
      %parallel_loop3A_259 = arith.constant 0 : index
      %parallel_loop3A_260 = tpu.vector_load %arg12[%parallel_loop3A_258, %parallel_loop3A_259] {strides = array<i32>} : memref<128x128xf32, #tpu.memory_space<vmem>>, vector<1x16xf32>,
      %parallel_loop3A_261 = vector.shape_cast %parallel_loop3A_260 : vector<1x16xf32> to vector<16xf32>
      %parallel_loop3A_262 = vector.shape_cast %parallel_loop3A_257 : vector<16xf32> to vector<1x16xf32>
      tpu.vector_store %arg12[%parallel_loop3A_258, %parallel_loop3A_259], %parallel_loop3A_262 {strides = array<i32>} : memref<128x128xf32, #tpu.memory_space<vmem>>, vector<1x16xf32>,
      %parallel_loop3A_263 = arith.constant 0.000000e+00 : f32
      %parallel_loop3A_264 = vector.broadcast %parallel_loop3A_263 : f32 to vector<16xf32>
      %parallel_loop3A_265 = arith.index_cast %parallel_loop3A_255 : i32 to index
      %parallel_loop3A_266 = arith.constant 16 : index
      %parallel_loop3A_267 = tpu.vector_load %arg12[%parallel_loop3A_265, %parallel_loop3A_266] {strides = array<i32>} : memref<128x128xf32, #tpu.memory_space<vmem>>, vector<1x16xf32>,
      %parallel_loop3A_268 = vector.shape_cast %parallel_loop3A_267 : vector<1x16xf32> to vector<16xf32>
      %parallel_loop3A_269 = vector.shape_cast %parallel_loop3A_264 : vector<16xf32> to vector<1x16xf32>
      tpu.vector_store %arg12[%parallel_loop3A_265, %parallel_loop3A_266], %parallel_loop3A_269 {strides = array<i32>} : memref<128x128xf32, #tpu.memory_space<vmem>>, vector<1x16xf32>,
      %parallel_loop3A_270 = arith.constant 0.000000e+00 : f32
      %parallel_loop3A_271 = vector.broadcast %parallel_loop3A_270 : f32 to vector<16xf32>
      %parallel_loop3A_272 = arith.index_cast %parallel_loop3A_255 : i32 to index
      %parallel_loop3A_273 = arith.constant 32 : index
      %parallel_loop3A_274 = tpu.vector_load %arg12[%parallel_loop3A_272, %parallel_loop3A_273] {strides = array<i32>} : memref<128x128xf32, #tpu.memory_space<vmem>>, vector<1x16xf32>,
      %parallel_loop3A_275 = vector.shape_cast %parallel_loop3A_274 : vector<1x16xf32> to vector<16xf32>
      %parallel_loop3A_276 = vector.shape_cast %parallel_loop3A_271 : vector<16xf32> to vector<1x16xf32>
      tpu.vector_store %arg12[%parallel_loop3A_272, %parallel_loop3A_273], %parallel_loop3A_276 {strides = array<i32>} : memref<128x128xf32, #tpu.memory_space<vmem>>, vector<1x16xf32>,
      %parallel_loop3A_277 = arith.constant 0.000000e+00 : f32
      %parallel_loop3A_278 = vector.broadcast %parallel_loop3A_277 : f32 to vector<16xf32>
      %parallel_loop3A_279 = arith.index_cast %parallel_loop3A_255 : i32 to index
      %parallel_loop3A_280 = arith.constant 48 : index
      %parallel_loop3A_281 = tpu.vector_load %arg12[%parallel_loop3A_279, %parallel_loop3A_280] {strides = array<i32>} : memref<128x128xf32, #tpu.memory_space<vmem>>, vector<1x16xf32>,
      %parallel_loop3A_282 = vector.shape_cast %parallel_loop3A_281 : vector<1x16xf32> to vector<16xf32>
      %parallel_loop3A_283 = vector.shape_cast %parallel_loop3A_278 : vector<16xf32> to vector<1x16xf32>
      tpu.vector_store %arg12[%parallel_loop3A_279, %parallel_loop3A_280], %parallel_loop3A_283 {strides = array<i32>} : memref<128x128xf32, #tpu.memory_space<vmem>>, vector<1x16xf32>,
      %parallel_loop3A_284 = arith.constant 0.000000e+00 : f32
      %parallel_loop3A_285 = vector.broadcast %parallel_loop3A_284 : f32 to vector<16xf32>
      %parallel_loop3A_286 = arith.index_cast %parallel_loop3A_255 : i32 to index
      %parallel_loop3A_287 = arith.constant 64 : index
      %parallel_loop3A_288 = tpu.vector_load %arg12[%parallel_loop3A_286, %parallel_loop3A_287] {strides = array<i32>} : memref<128x128xf32, #tpu.memory_space<vmem>>, vector<1x16xf32>,
      %parallel_loop3A_289 = vector.shape_cast %parallel_loop3A_288 : vector<1x16xf32> to vector<16xf32>
      %parallel_loop3A_290 = vector.shape_cast %parallel_loop3A_285 : vector<16xf32> to vector<1x16xf32>
      tpu.vector_store %arg12[%parallel_loop3A_286, %parallel_loop3A_287], %parallel_loop3A_290 {strides = array<i32>} : memref<128x128xf32, #tpu.memory_space<vmem>>, vector<1x16xf32>,
      %parallel_loop3A_291 = arith.constant 0.000000e+00 : f32
      %parallel_loop3A_292 = vector.broadcast %parallel_loop3A_291 : f32 to vector<16xf32>
      %parallel_loop3A_293 = arith.index_cast %parallel_loop3A_255 : i32 to index
      %parallel_loop3A_294 = arith.constant 80 : index
      %parallel_loop3A_295 = tpu.vector_load %arg12[%parallel_loop3A_293, %parallel_loop3A_294] {strides = array<i32>} : memref<128x128xf32, #tpu.memory_space<vmem>>, vector<1x16xf32>,
      %parallel_loop3A_296 = vector.shape_cast %parallel_loop3A_295 : vector<1x16xf32> to vector<16xf32>
      %parallel_loop3A_297 = vector.shape_cast %parallel_loop3A_292 : vector<16xf32> to vector<1x16xf32>
      tpu.vector_store %arg12[%parallel_loop3A_293, %parallel_loop3A_294], %parallel_loop3A_297 {strides = array<i32>} : memref<128x128xf32, #tpu.memory_space<vmem>>, vector<1x16xf32>,
      %parallel_loop3A_298 = arith.constant 0.000000e+00 : f32
      %parallel_loop3A_299 = vector.broadcast %parallel_loop3A_298 : f32 to vector<16xf32>
      %parallel_loop3A_300 = arith.index_cast %parallel_loop3A_255 : i32 to index
      %parallel_loop3A_301 = arith.constant 96 : index
      %parallel_loop3A_302 = tpu.vector_load %arg12[%parallel_loop3A_300, %parallel_loop3A_301] {strides = array<i32>} : memref<128x128xf32, #tpu.memory_space<vmem>>, vector<1x16xf32>,
      %parallel_loop3A_303 = vector.shape_cast %parallel_loop3A_302 : vector<1x16xf32> to vector<16xf32>
      %parallel_loop3A_304 = vector.shape_cast %parallel_loop3A_299 : vector<16xf32> to vector<1x16xf32>
      tpu.vector_store %arg12[%parallel_loop3A_300, %parallel_loop3A_301], %parallel_loop3A_304 {strides = array<i32>} : memref<128x128xf32, #tpu.memory_space<vmem>>, vector<1x16xf32>,
      %parallel_loop3A_305 = arith.constant 0.000000e+00 : f32
      %parallel_loop3A_306 = vector.broadcast %parallel_loop3A_305 : f32 to vector<16xf32>
      %parallel_loop3A_307 = arith.index_cast %parallel_loop3A_255 : i32 to index
      %parallel_loop3A_308 = arith.constant 112 : index
      %parallel_loop3A_309 = tpu.vector_load %arg12[%parallel_loop3A_307, %parallel_loop3A_308] {strides = array<i32>} : memref<128x128xf32, #tpu.memory_space<vmem>>, vector<1x16xf32>,
      %parallel_loop3A_310 = vector.shape_cast %parallel_loop3A_309 : vector<1x16xf32> to vector<16xf32>
      %parallel_loop3A_311 = vector.shape_cast %parallel_loop3A_306 : vector<16xf32> to vector<1x16xf32>
      tpu.vector_store %arg12[%parallel_loop3A_307, %parallel_loop3A_308], %parallel_loop3A_311 {strides = array<i32>} : memref<128x128xf32, #tpu.memory_space<vmem>>, vector<1x16xf32>,
    } {sc.loop_unroll_factor = 1 : i64, sc.parallel_access}
    %mul3A = arith.constant 632 : i32
    %mul3A_2 = arith.muli %arg1, %mul3A : i32
    %add3A = arith.constant 0 : i32
    %add3A_3 = arith.addi %mul3A_2, %add3A : i32
    "tpu.region"() ({
      %run_scoped3A = tpu.sem_alloc : memref<!tpu.dma_semaphore, #tpu.memory_space<semaphore_mem>>
      %dma_start3A_255 = arith.constant 0 : i32
      %dma_start3A_256 = tpu.memref_slice %arg16[%add3A_3, %dma_start3A_255] : memref<10112x128xf32, #tpu.memory_space<vmem_shared>> -> memref<128x128xf32, #tpu.memory_space<vmem_shared>>
      %dma_start3A_257 = arith.constant 0 : i32
      %dma_start3A_258 = tpu.memref_slice %arg16[%add3A_3, %dma_start3A_257] : memref<10112x128xf32, #tpu.memory_space<vmem_shared>> -> memref<128x128xf32, #tpu.memory_space<vmem_shared>>
      tpu.enqueue_dma source(%arg12 : memref<128x128xf32, #tpu.memory_space<vmem>>) target(%dma_start3A_258 : memref<128x128xf32, #tpu.memory_space<vmem_shared>>) target_semaphore(%run_scoped3A : memref<!tpu.dma_semaphore, #tpu.memory_space<semaphore_mem>>)
      %dma_wait3A_259 = arith.constant 0 : i32
      %dma_wait3A_260 = tpu.memref_slice %arg16[%add3A_3, %dma_wait3A_259] : memref<10112x128xf32, #tpu.memory_space<vmem_shared>> -> memref<128x128xf32, #tpu.memory_space<vmem_shared>>
      %dma_wait3A_261 = arith.constant 0 : i32
      %dma_wait3A_262 = tpu.memref_slice %arg16[%add3A_3, %dma_wait3A_261] : memref<10112x128xf32, #tpu.memory_space<vmem_shared>> -> memref<128x128xf32, #tpu.memory_space<vmem_shared>>
      tpu.wait_dma2 semaphore(%run_scoped3A : memref<!tpu.dma_semaphore, #tpu.memory_space<semaphore_mem>>) src(%arg12 : memref<128x128xf32, #tpu.memory_space<vmem>>) dst(%dma_wait3A_262 : memref<128x128xf32, #tpu.memory_space<vmem_shared>>)
      tpu.yield
    }) : () -> ()
    %mul3A_4 = arith.constant 632 : i32
    %mul3A_5 = arith.muli %arg1, %mul3A_4 : i32
    %add3A_6 = arith.constant 128 : i32
    %add3A_7 = arith.addi %mul3A_5, %add3A_6 : i32
    "tpu.region"() ({
      %run_scoped3A = tpu.sem_alloc : memref<!tpu.dma_semaphore, #tpu.memory_space<semaphore_mem>>
      %dma_start3A_255 = arith.constant 0 : i32
      %dma_start3A_256 = tpu.memref_slice %arg16[%add3A_7, %dma_start3A_255] : memref<10112x128xf32, #tpu.memory_space<vmem_shared>> -> memref<128x128xf32, #tpu.memory_space<vmem_shared>>
      %dma_start3A_257 = arith.constant 0 : i32
      %dma_start3A_258 = tpu.memref_slice %arg16[%add3A_7, %dma_start3A_257] : memref<10112x128xf32, #tpu.memory_space<vmem_shared>> -> memref<128x128xf32, #tpu.memory_space<vmem_shared>>
      tpu.enqueue_dma source(%arg12 : memref<128x128xf32, #tpu.memory_space<vmem>>) target(%dma_start3A_258 : memref<128x128xf32, #tpu.memory_space<vmem_shared>>) target_semaphore(%run_scoped3A : memref<!tpu.dma_semaphore, #tpu.memory_space<semaphore_mem>>)
      %dma_wait3A_259 = arith.constant 0 : i32
      %dma_wait3A_260 = tpu.memref_slice %arg16[%add3A_7, %dma_wait3A_259] : memref<10112x128xf32, #tpu.memory_space<vmem_shared>> -> memref<128x128xf32, #tpu.memory_space<vmem_shared>>
      %dma_wait3A_261 = arith.constant 0 : i32
      %dma_wait3A_262 = tpu.memref_slice %arg16[%add3A_7, %dma_wait3A_261] : memref<10112x128xf32, #tpu.memory_space<vmem_shared>> -> memref<128x128xf32, #tpu.memory_space<vmem_shared>>
      tpu.wait_dma2 semaphore(%run_scoped3A : memref<!tpu.dma_semaphore, #tpu.memory_space<semaphore_mem>>) src(%arg12 : memref<128x128xf32, #tpu.memory_space<vmem>>) dst(%dma_wait3A_262 : memref<128x128xf32, #tpu.memory_space<vmem_shared>>)
      tpu.yield
    }) : () -> ()
    %mul3A_8 = arith.constant 632 : i32
    %mul3A_9 = arith.muli %arg1, %mul3A_8 : i32
    %add3A_10 = arith.constant 256 : i32
    %add3A_11 = arith.addi %mul3A_9, %add3A_10 : i32
    "tpu.region"() ({
      %run_scoped3A = tpu.sem_alloc : memref<!tpu.dma_semaphore, #tpu.memory_space<semaphore_mem>>
      %dma_start3A_255 = arith.constant 0 : i32
      %dma_start3A_256 = tpu.memref_slice %arg16[%add3A_11, %dma_start3A_255] : memref<10112x128xf32, #tpu.memory_space<vmem_shared>> -> memref<128x128xf32, #tpu.memory_space<vmem_shared>>
      %dma_start3A_257 = arith.constant 0 : i32
      %dma_start3A_258 = tpu.memref_slice %arg16[%add3A_11, %dma_start3A_257] : memref<10112x128xf32, #tpu.memory_space<vmem_shared>> -> memref<128x128xf32, #tpu.memory_space<vmem_shared>>
      tpu.enqueue_dma source(%arg12 : memref<128x128xf32, #tpu.memory_space<vmem>>) target(%dma_start3A_258 : memref<128x128xf32, #tpu.memory_space<vmem_shared>>) target_semaphore(%run_scoped3A : memref<!tpu.dma_semaphore, #tpu.memory_space<semaphore_mem>>)
      %dma_wait3A_259 = arith.constant 0 : i32
      %dma_wait3A_260 = tpu.memref_slice %arg16[%add3A_11, %dma_wait3A_259] : memref<10112x128xf32, #tpu.memory_space<vmem_shared>> -> memref<128x128xf32, #tpu.memory_space<vmem_shared>>
      %dma_wait3A_261 = arith.constant 0 : i32
      %dma_wait3A_262 = tpu.memref_slice %arg16[%add3A_11, %dma_wait3A_261] : memref<10112x128xf32, #tpu.memory_space<vmem_shared>> -> memref<128x128xf32, #tpu.memory_space<vmem_shared>>
      tpu.wait_dma2 semaphore(%run_scoped3A : memref<!tpu.dma_semaphore, #tpu.memory_space<semaphore_mem>>) src(%arg12 : memref<128x128xf32, #tpu.memory_space<vmem>>) dst(%dma_wait3A_262 : memref<128x128xf32, #tpu.memory_space<vmem_shared>>)
      tpu.yield
    }) : () -> ()
    %mul3A_12 = arith.constant 632 : i32
    %mul3A_13 = arith.muli %arg1, %mul3A_12 : i32
    %add3A_14 = arith.constant 384 : i32
    %add3A_15 = arith.addi %mul3A_13, %add3A_14 : i32
    "tpu.region"() ({
      %run_scoped3A = tpu.sem_alloc : memref<!tpu.dma_semaphore, #tpu.memory_space<semaphore_mem>>
      %dma_start3A_255 = arith.constant 0 : i32
      %dma_start3A_256 = tpu.memref_slice %arg16[%add3A_15, %dma_start3A_255] : memref<10112x128xf32, #tpu.memory_space<vmem_shared>> -> memref<128x128xf32, #tpu.memory_space<vmem_shared>>
      %dma_start3A_257 = arith.constant 0 : i32
      %dma_start3A_258 = tpu.memref_slice %arg16[%add3A_15, %dma_start3A_257] : memref<10112x128xf32, #tpu.memory_space<vmem_shared>> -> memref<128x128xf32, #tpu.memory_space<vmem_shared>>
      tpu.enqueue_dma source(%arg12 : memref<128x128xf32, #tpu.memory_space<vmem>>) target(%dma_start3A_258 : memref<128x128xf32, #tpu.memory_space<vmem_shared>>) target_semaphore(%run_scoped3A : memref<!tpu.dma_semaphore, #tpu.memory_space<semaphore_mem>>)
      %dma_wait3A_259 = arith.constant 0 : i32
      %dma_wait3A_260 = tpu.memref_slice %arg16[%add3A_15, %dma_wait3A_259] : memref<10112x128xf32, #tpu.memory_space<vmem_shared>> -> memref<128x128xf32, #tpu.memory_space<vmem_shared>>
      %dma_wait3A_261 = arith.constant 0 : i32
      %dma_wait3A_262 = tpu.memref_slice %arg16[%add3A_15, %dma_wait3A_261] : memref<10112x128xf32, #tpu.memory_space<vmem_shared>> -> memref<128x128xf32, #tpu.memory_space<vmem_shared>>
      tpu.wait_dma2 semaphore(%run_scoped3A : memref<!tpu.dma_semaphore, #tpu.memory_space<semaphore_mem>>) src(%arg12 : memref<128x128xf32, #tpu.memory_space<vmem>>) dst(%dma_wait3A_262 : memref<128x128xf32, #tpu.memory_space<vmem_shared>>)
      tpu.yield
    }) : () -> ()
    %mul3A_16 = arith.constant 632 : i32
    %mul3A_17 = arith.muli %arg1, %mul3A_16 : i32
    %add3A_18 = arith.constant 512 : i32
    %add3A_19 = arith.addi %mul3A_17, %add3A_18 : i32
    "tpu.region"() ({
      %run_scoped3A = tpu.sem_alloc : memref<!tpu.dma_semaphore, #tpu.memory_space<semaphore_mem>>
      %dma_start3A_255 = arith.constant 0 : i32
      %dma_start3A_256 = arith.constant 0 : i32
      %dma_start3A_257 = tpu.memref_slice %arg12[%dma_start3A_255, %dma_start3A_256] : memref<128x128xf32, #tpu.memory_space<vmem>> -> memref<120x128xf32, #tpu.memory_space<vmem>>
      %dma_start3A_258 = arith.constant 0 : i32
      %dma_start3A_259 = tpu.memref_slice %arg16[%add3A_19, %dma_start3A_258] : memref<10112x128xf32, #tpu.memory_space<vmem_shared>> -> memref<120x128xf32, #tpu.memory_space<vmem_shared>>
      %dma_start3A_260 = arith.constant 0 : i32
      %dma_start3A_261 = tpu.memref_slice %arg16[%add3A_19, %dma_start3A_260] : memref<10112x128xf32, #tpu.memory_space<vmem_shared>> -> memref<120x128xf32, #tpu.memory_space<vmem_shared>>
      %dma_start3A_262 = arith.constant 0 : i32
      %dma_start3A_263 = arith.constant 0 : i32
      %dma_start3A_264 = tpu.memref_slice %arg12[%dma_start3A_262, %dma_start3A_263] : memref<128x128xf32, #tpu.memory_space<vmem>> -> memref<120x128xf32, #tpu.memory_space<vmem>>
      tpu.enqueue_dma source(%dma_start3A_264 : memref<120x128xf32, #tpu.memory_space<vmem>>) target(%dma_start3A_261 : memref<120x128xf32, #tpu.memory_space<vmem_shared>>) target_semaphore(%run_scoped3A : memref<!tpu.dma_semaphore, #tpu.memory_space<semaphore_mem>>)
      %dma_wait3A_265 = arith.constant 0 : i32
      %dma_wait3A_266 = arith.constant 0 : i32
      %dma_wait3A_267 = tpu.memref_slice %arg12[%dma_wait3A_265, %dma_wait3A_266] : memref<128x128xf32, #tpu.memory_space<vmem>> -> memref<120x128xf32, #tpu.memory_space<vmem>>
      %dma_wait3A_268 = arith.constant 0 : i32
      %dma_wait3A_269 = tpu.memref_slice %arg16[%add3A_19, %dma_wait3A_268] : memref<10112x128xf32, #tpu.memory_space<vmem_shared>> -> memref<120x128xf32, #tpu.memory_space<vmem_shared>>
      %dma_wait3A_270 = arith.constant 0 : i32
      %dma_wait3A_271 = tpu.memref_slice %arg16[%add3A_19, %dma_wait3A_270] : memref<10112x128xf32, #tpu.memory_space<vmem_shared>> -> memref<120x128xf32, #tpu.memory_space<vmem_shared>>
      %dma_wait3A_272 = arith.constant 0 : i32
      %dma_wait3A_273 = arith.constant 0 : i32
      %dma_wait3A_274 = tpu.memref_slice %arg12[%dma_wait3A_272, %dma_wait3A_273] : memref<128x128xf32, #tpu.memory_space<vmem>> -> memref<120x128xf32, #tpu.memory_space<vmem>>
      tpu.wait_dma2 semaphore(%run_scoped3A : memref<!tpu.dma_semaphore, #tpu.memory_space<semaphore_mem>>) src(%dma_wait3A_274 : memref<120x128xf32, #tpu.memory_space<vmem>>) dst(%dma_wait3A_271 : memref<120x128xf32, #tpu.memory_space<vmem_shared>>)
      tpu.yield
    }) : () -> ()
    %barrier3A = arith.constant 0 : index
    tpu.barrier barrier_id(%barrier3A)
    %mul3A_20 = arith.constant 10000 : i32
    %mul3A_21 = arith.muli %arg0, %mul3A_20 : i32
    %mul3A_22 = arith.constant 10000 : i32
    %mul3A_23 = arith.muli %arg0, %mul3A_22 : i32
    %add3A_24 = arith.constant 20000 : i32
    %add3A_25 = arith.addi %add3A_24, %mul3A_23 : i32
    %mul3A_26 = arith.constant 160 : i32
    %mul3A_27 = arith.muli %arg1, %mul3A_26 : i32
    %add3A_28 = arith.constant 0 : i32
    %add3A_29 = arith.addi %mul3A_27, %add3A_28 : i32
    %mul3A_30 = arith.constant 2 : i32
    %mul3A_31 = arith.muli %add3A_29, %mul3A_30 : i32
    %mul3A_32 = arith.constant 64 : i32
    %mul3A_33 = arith.muli %mul3A_31, %mul3A_32 : i32
    %dma_start3A = arith.constant 0 : i32
    %dma_start3A_34 = arith.constant 0 : i32
    %dma_start3A_35 = tpu.memref_slice %arg6[%dma_start3A, %dma_start3A_34] : memref<1x128xi32, #tpu.memory_space<vmem>> -> memref<1x128xi32, #tpu.memory_space<vmem>>
    %dma_start3A_36 = tpu.memref_squeeze %dma_start3A_35 : memref<1x128xi32, #tpu.memory_space<vmem>> -> memref<128xi32, #tpu.memory_space<vmem>>
    %dma_start3A_37 = tpu.memref_slice %arg2[%mul3A_33] : memref<327680xi32, #tpu.memory_space<hbm>> -> memref<128xi32, #tpu.memory_space<hbm>>
    %dma_start3A_38 = arith.constant 0 : i32
    %dma_start3A_39 = tpu.memref_slice %arg6[%dma_start3A, %dma_start3A_38] : memref<1x128xi32, #tpu.memory_space<vmem>> -> memref<1x128xi32, #tpu.memory_space<vmem>>
    %dma_start3A_40 = tpu.memref_squeeze %dma_start3A_39 : memref<1x128xi32, #tpu.memory_space<vmem>> -> memref<128xi32, #tpu.memory_space<vmem>>
    %dma_start3A_41 = tpu.memref_slice %arg2[%mul3A_33] : memref<327680xi32, #tpu.memory_space<hbm>> -> memref<128xi32, #tpu.memory_space<hbm>>
    tpu.enqueue_dma source(%dma_start3A_41 : memref<128xi32, #tpu.memory_space<hbm>>) target(%dma_start3A_40 : memref<128xi32, #tpu.memory_space<vmem>>) target_semaphore(%arg19 : memref<!tpu.dma_semaphore, #tpu.memory_space<semaphore_mem>>)
    %dma_wait3A = arith.constant 0 : i32
    %dma_wait3A_42 = arith.constant 0 : i32
    %dma_wait3A_43 = tpu.memref_slice %arg6[%dma_wait3A, %dma_wait3A_42] : memref<1x128xi32, #tpu.memory_space<vmem>> -> memref<1x128xi32, #tpu.memory_space<vmem>>
    %dma_wait3A_44 = tpu.memref_squeeze %dma_wait3A_43 : memref<1x128xi32, #tpu.memory_space<vmem>> -> memref<128xi32, #tpu.memory_space<vmem>>
    %dma_wait3A_45 = arith.constant 0 : i32
    %dma_wait3A_46 = tpu.memref_slice %arg2[%dma_wait3A_45] : memref<327680xi32, #tpu.memory_space<hbm>> -> memref<128xi32, #tpu.memory_space<hbm>>
    %dma_wait3A_47 = arith.constant 0 : i32
    %dma_wait3A_48 = tpu.memref_slice %arg6[%dma_wait3A, %dma_wait3A_47] : memref<1x128xi32, #tpu.memory_space<vmem>> -> memref<1x128xi32, #tpu.memory_space<vmem>>
    %dma_wait3A_49 = tpu.memref_squeeze %dma_wait3A_48 : memref<1x128xi32, #tpu.memory_space<vmem>> -> memref<128xi32, #tpu.memory_space<vmem>>
    %dma_wait3A_50 = arith.constant 0 : i32
    %dma_wait3A_51 = tpu.memref_slice %arg2[%dma_wait3A_50] : memref<327680xi32, #tpu.memory_space<hbm>> -> memref<128xi32, #tpu.memory_space<hbm>>
    tpu.wait_dma2 semaphore(%arg19 : memref<!tpu.dma_semaphore, #tpu.memory_space<semaphore_mem>>) src(%dma_wait3A_51 : memref<128xi32, #tpu.memory_space<hbm>>) dst(%dma_wait3A_49 : memref<128xi32, #tpu.memory_space<vmem>>)
    %mul3A_52 = arith.constant 160 : i32
    %mul3A_53 = arith.muli %arg1, %mul3A_52 : i32
    %add3A_54 = arith.constant 0 : i32
    %add3A_55 = arith.addi %mul3A_53, %add3A_54 : i32
    %get3A = arith.constant 0 : i32
    %get3A_56 = arith.index_cast %get3A : i32 to index
    %get3A_57 = arith.constant 0 : index
    %get3A_58 = tpu.vector_load %arg6[%get3A_56, %get3A_57] {strides = array<i32>} : memref<1x128xi32, #tpu.memory_space<vmem>>, vector<1x16xi32>,
    %get3A_59 = vector.shape_cast %get3A_58 : vector<1x16xi32> to vector<16xi32>
    %add3A_60 = vector.broadcast %mul3A_21 : i32 to vector<16xi32>
    %add3A_61 = arith.addi %get3A_59, %add3A_60 : vector<16xi32>
    %swap3A = arith.constant 0 : index
    %swap3A_62 = tpu.vector_load %arg10[%swap3A] {strides = array<i32>} : memref<128xi32, #tpu.memory_space<vmem>>, vector<16xi32>,
    %swap3A_63 = vector.shape_cast %swap3A_62 : vector<16xi32> to vector<16xi32>
    %swap3A_64 = vector.shape_cast %add3A_61 : vector<16xi32> to vector<16xi32>
    tpu.vector_store %arg10[%swap3A], %swap3A_64 {strides = array<i32>} : memref<128xi32, #tpu.memory_space<vmem>>, vector<16xi32>,
    %get3A_65 = arith.constant 0 : i32
    %get3A_66 = arith.index_cast %get3A_65 : i32 to index
    %get3A_67 = arith.constant 16 : index
    %get3A_68 = tpu.vector_load %arg6[%get3A_66, %get3A_67] {strides = array<i32>} : memref<1x128xi32, #tpu.memory_space<vmem>>, vector<1x16xi32>,
    %get3A_69 = vector.shape_cast %get3A_68 : vector<1x16xi32> to vector<16xi32>
    %add3A_70 = vector.broadcast %mul3A_21 : i32 to vector<16xi32>
    %add3A_71 = arith.addi %get3A_69, %add3A_70 : vector<16xi32>
    %swap3A_72 = arith.constant 16 : index
    %swap3A_73 = tpu.vector_load %arg10[%swap3A_72] {strides = array<i32>} : memref<128xi32, #tpu.memory_space<vmem>>, vector<16xi32>,
    %swap3A_74 = vector.shape_cast %swap3A_73 : vector<16xi32> to vector<16xi32>
    %swap3A_75 = vector.shape_cast %add3A_71 : vector<16xi32> to vector<16xi32>
    tpu.vector_store %arg10[%swap3A_72], %swap3A_75 {strides = array<i32>} : memref<128xi32, #tpu.memory_space<vmem>>, vector<16xi32>,
    %get3A_76 = arith.constant 0 : i32
    %get3A_77 = arith.index_cast %get3A_76 : i32 to index
    %get3A_78 = arith.constant 32 : index
    %get3A_79 = tpu.vector_load %arg6[%get3A_77, %get3A_78] {strides = array<i32>} : memref<1x128xi32, #tpu.memory_space<vmem>>, vector<1x16xi32>,
    %get3A_80 = vector.shape_cast %get3A_79 : vector<1x16xi32> to vector<16xi32>
    %add3A_81 = vector.broadcast %mul3A_21 : i32 to vector<16xi32>
    %add3A_82 = arith.addi %get3A_80, %add3A_81 : vector<16xi32>
    %swap3A_83 = arith.constant 32 : index
    %swap3A_84 = tpu.vector_load %arg10[%swap3A_83] {strides = array<i32>} : memref<128xi32, #tpu.memory_space<vmem>>, vector<16xi32>,
    %swap3A_85 = vector.shape_cast %swap3A_84 : vector<16xi32> to vector<16xi32>
    %swap3A_86 = vector.shape_cast %add3A_82 : vector<16xi32> to vector<16xi32>
    tpu.vector_store %arg10[%swap3A_83], %swap3A_86 {strides = array<i32>} : memref<128xi32, #tpu.memory_space<vmem>>, vector<16xi32>,
    %get3A_87 = arith.constant 0 : i32
    %get3A_88 = arith.index_cast %get3A_87 : i32 to index
    %get3A_89 = arith.constant 48 : index
    %get3A_90 = tpu.vector_load %arg6[%get3A_88, %get3A_89] {strides = array<i32>} : memref<1x128xi32, #tpu.memory_space<vmem>>, vector<1x16xi32>,
    %get3A_91 = vector.shape_cast %get3A_90 : vector<1x16xi32> to vector<16xi32>
    %add3A_92 = vector.broadcast %mul3A_21 : i32 to vector<16xi32>
    %add3A_93 = arith.addi %get3A_91, %add3A_92 : vector<16xi32>
    %swap3A_94 = arith.constant 48 : index
    %swap3A_95 = tpu.vector_load %arg10[%swap3A_94] {strides = array<i32>} : memref<128xi32, #tpu.memory_space<vmem>>, vector<16xi32>,
    %swap3A_96 = vector.shape_cast %swap3A_95 : vector<16xi32> to vector<16xi32>
    %swap3A_97 = vector.shape_cast %add3A_93 : vector<16xi32> to vector<16xi32>
    tpu.vector_store %arg10[%swap3A_94], %swap3A_97 {strides = array<i32>} : memref<128xi32, #tpu.memory_space<vmem>>, vector<16xi32>,
    %get3A_98 = arith.constant 0 : i32
    %get3A_99 = arith.index_cast %get3A_98 : i32 to index
    %get3A_100 = arith.constant 64 : index
    %get3A_101 = tpu.vector_load %arg6[%get3A_99, %get3A_100] {strides = array<i32>} : memref<1x128xi32, #tpu.memory_space<vmem>>, vector<1x16xi32>,
    %get3A_102 = vector.shape_cast %get3A_101 : vector<1x16xi32> to vector<16xi32>
    %add3A_103 = vector.broadcast %add3A_25 : i32 to vector<16xi32>
    %add3A_104 = arith.addi %get3A_102, %add3A_103 : vector<16xi32>
    %swap3A_105 = arith.constant 64 : index
    %swap3A_106 = tpu.vector_load %arg10[%swap3A_105] {strides = array<i32>} : memref<128xi32, #tpu.memory_space<vmem>>, vector<16xi32>,
    %swap3A_107 = vector.shape_cast %swap3A_106 : vector<16xi32> to vector<16xi32>
    %swap3A_108 = vector.shape_cast %add3A_104 : vector<16xi32> to vector<16xi32>
    tpu.vector_store %arg10[%swap3A_105], %swap3A_108 {strides = array<i32>} : memref<128xi32, #tpu.memory_space<vmem>>, vector<16xi32>,
    %swap3A_109 = arith.constant 0 : i32
    %swap3A_110 = arith.index_cast %swap3A_109 : i32 to index
    %swap3A_111 = arith.constant 0 : index
    %swap3A_112 = tpu.vector_load %arg8[%swap3A_110, %swap3A_111] {strides = array<i32>} : memref<1x64xi32, #tpu.memory_space<vmem>>, vector<1x16xi32>,
    %swap3A_113 = vector.shape_cast %swap3A_112 : vector<1x16xi32> to vector<16xi32>
    %swap3A_114 = vector.shape_cast %get3A_102 : vector<16xi32> to vector<1x16xi32>
    tpu.vector_store %arg8[%swap3A_110, %swap3A_111], %swap3A_114 {strides = array<i32>} : memref<1x64xi32, #tpu.memory_space<vmem>>, vector<1x16xi32>,
    %get3A_115 = arith.constant 0 : i32
    %get3A_116 = arith.index_cast %get3A_115 : i32 to index
    %get3A_117 = arith.constant 80 : index
    %get3A_118 = tpu.vector_load %arg6[%get3A_116, %get3A_117] {strides = array<i32>} : memref<1x128xi32, #tpu.memory_space<vmem>>, vector<1x16xi32>,
    %get3A_119 = vector.shape_cast %get3A_118 : vector<1x16xi32> to vector<16xi32>
    %add3A_120 = vector.broadcast %add3A_25 : i32 to vector<16xi32>
    %add3A_121 = arith.addi %get3A_119, %add3A_120 : vector<16xi32>
    %swap3A_122 = arith.constant 80 : index
    %swap3A_123 = tpu.vector_load %arg10[%swap3A_122] {strides = array<i32>} : memref<128xi32, #tpu.memory_space<vmem>>, vector<16xi32>,
    %swap3A_124 = vector.shape_cast %swap3A_123 : vector<16xi32> to vector<16xi32>
    %swap3A_125 = vector.shape_cast %add3A_121 : vector<16xi32> to vector<16xi32>
    tpu.vector_store %arg10[%swap3A_122], %swap3A_125 {strides = array<i32>} : memref<128xi32, #tpu.memory_space<vmem>>, vector<16xi32>,
    %swap3A_126 = arith.constant 0 : i32
    %swap3A_127 = arith.index_cast %swap3A_126 : i32 to index
    %swap3A_128 = arith.constant 16 : index
    %swap3A_129 = tpu.vector_load %arg8[%swap3A_127, %swap3A_128] {strides = array<i32>} : memref<1x64xi32, #tpu.memory_space<vmem>>, vector<1x16xi32>,
    %swap3A_130 = vector.shape_cast %swap3A_129 : vector<1x16xi32> to vector<16xi32>
    %swap3A_131 = vector.shape_cast %get3A_119 : vector<16xi32> to vector<1x16xi32>
    tpu.vector_store %arg8[%swap3A_127, %swap3A_128], %swap3A_131 {strides = array<i32>} : memref<1x64xi32, #tpu.memory_space<vmem>>, vector<1x16xi32>,
    %get3A_132 = arith.constant 0 : i32
    %get3A_133 = arith.index_cast %get3A_132 : i32 to index
    %get3A_134 = arith.constant 96 : index
    %get3A_135 = tpu.vector_load %arg6[%get3A_133, %get3A_134] {strides = array<i32>} : memref<1x128xi32, #tpu.memory_space<vmem>>, vector<1x16xi32>,
    %get3A_136 = vector.shape_cast %get3A_135 : vector<1x16xi32> to vector<16xi32>
    %add3A_137 = vector.broadcast %add3A_25 : i32 to vector<16xi32>
    %add3A_138 = arith.addi %get3A_136, %add3A_137 : vector<16xi32>
    %swap3A_139 = arith.constant 96 : index
    %swap3A_140 = tpu.vector_load %arg10[%swap3A_139] {strides = array<i32>} : memref<128xi32, #tpu.memory_space<vmem>>, vector<16xi32>,
    %swap3A_141 = vector.shape_cast %swap3A_140 : vector<16xi32> to vector<16xi32>
    %swap3A_142 = vector.shape_cast %add3A_138 : vector<16xi32> to vector<16xi32>
    tpu.vector_store %arg10[%swap3A_139], %swap3A_142 {strides = array<i32>} : memref<128xi32, #tpu.memory_space<vmem>>, vector<16xi32>,
    %swap3A_143 = arith.constant 0 : i32
    %swap3A_144 = arith.index_cast %swap3A_143 : i32 to index
    %swap3A_145 = arith.constant 32 : index
    %swap3A_146 = tpu.vector_load %arg8[%swap3A_144, %swap3A_145] {strides = array<i32>} : memref<1x64xi32, #tpu.memory_space<vmem>>, vector<1x16xi32>,
    %swap3A_147 = vector.shape_cast %swap3A_146 : vector<1x16xi32> to vector<16xi32>
    %swap3A_148 = vector.shape_cast %get3A_136 : vector<16xi32> to vector<1x16xi32>
    tpu.vector_store %arg8[%swap3A_144, %swap3A_145], %swap3A_148 {strides = array<i32>} : memref<1x64xi32, #tpu.memory_space<vmem>>, vector<1x16xi32>,
    %get3A_149 = arith.constant 0 : i32
    %get3A_150 = arith.index_cast %get3A_149 : i32 to index
    %get3A_151 = arith.constant 112 : index
    %get3A_152 = tpu.vector_load %arg6[%get3A_150, %get3A_151] {strides = array<i32>} : memref<1x128xi32, #tpu.memory_space<vmem>>, vector<1x16xi32>,
    %get3A_153 = vector.shape_cast %get3A_152 : vector<1x16xi32> to vector<16xi32>
    %add3A_154 = vector.broadcast %add3A_25 : i32 to vector<16xi32>
    %add3A_155 = arith.addi %get3A_153, %add3A_154 : vector<16xi32>
    %swap3A_156 = arith.constant 112 : index
    %swap3A_157 = tpu.vector_load %arg10[%swap3A_156] {strides = array<i32>} : memref<128xi32, #tpu.memory_space<vmem>>, vector<16xi32>,
    %swap3A_158 = vector.shape_cast %swap3A_157 : vector<16xi32> to vector<16xi32>
    %swap3A_159 = vector.shape_cast %add3A_155 : vector<16xi32> to vector<16xi32>
    tpu.vector_store %arg10[%swap3A_156], %swap3A_159 {strides = array<i32>} : memref<128xi32, #tpu.memory_space<vmem>>, vector<16xi32>,
    %swap3A_160 = arith.constant 0 : i32
    %swap3A_161 = arith.index_cast %swap3A_160 : i32 to index
    %swap3A_162 = arith.constant 48 : index
    %swap3A_163 = tpu.vector_load %arg8[%swap3A_161, %swap3A_162] {strides = array<i32>} : memref<1x64xi32, #tpu.memory_space<vmem>>, vector<1x16xi32>,
    %swap3A_164 = vector.shape_cast %swap3A_163 : vector<1x16xi32> to vector<16xi32>
    %swap3A_165 = vector.shape_cast %get3A_153 : vector<16xi32> to vector<1x16xi32>
    tpu.vector_store %arg8[%swap3A_161, %swap3A_162], %swap3A_165 {strides = array<i32>} : memref<1x64xi32, #tpu.memory_space<vmem>>, vector<1x16xi32>,
    %dma_start3A_166 = arith.constant 0 : i32
    %dma_start3A_167 = arith.constant 0 : i32
    %dma_start3A_168 = tpu.memref_slice %arg3[%dma_start3A_166, %dma_start3A_167] : memref<40000x128xf32, #tpu.memory_space<hbm>> -> memref<40000x128xf32, #tpu.memory_space<hbm>>
    tpu.enqueue_indirect_dma source(%dma_start3A_168 : memref<40000x128xf32, #tpu.memory_space<hbm>>) target(%arg12 : memref<128x128xf32, #tpu.memory_space<vmem>>) offsets(%arg10 : memref<128xi32, #tpu.memory_space<vmem>>) semaphore(%arg17 : memref<!tpu.dma_semaphore, #tpu.memory_space<semaphore_mem>>)
    %mul3A_169 = arith.constant 163840 : i32
    %mul3A_170 = arith.muli %arg0, %mul3A_169 : i32
    %mul3A_171 = arith.constant 64 : i32
    %mul3A_172 = arith.muli %add3A_55, %mul3A_171 : i32
    %add3A_173 = arith.addi %mul3A_170, %mul3A_172 : i32
    %dma_start3A_174 = arith.constant 0 : i32
    %dma_start3A_175 = tpu.memref_slice %arg4[%add3A_173, %dma_start3A_174] : memref<327680x128xf32, #tpu.memory_space<hbm>> -> memref<64x128xf32, #tpu.memory_space<hbm>>
    %dma_start3A_176 = arith.constant 0 : i32
    %dma_start3A_177 = tpu.memref_slice %arg4[%add3A_173, %dma_start3A_176] : memref<327680x128xf32, #tpu.memory_space<hbm>> -> memref<64x128xf32, #tpu.memory_space<hbm>>
    tpu.enqueue_dma source(%dma_start3A_177 : memref<64x128xf32, #tpu.memory_space<hbm>>) target(%arg14 : memref<64x128xf32, #tpu.memory_space<vmem>>) target_semaphore(%arg17 : memref<!tpu.dma_semaphore, #tpu.memory_space<semaphore_mem>>)
    %mul3A_178 = arith.constant 160 : i32
    %mul3A_179 = arith.muli %arg1, %mul3A_178 : i32
    %add3A_180 = arith.constant 1 : i32
    %add3A_181 = arith.addi %mul3A_179, %add3A_180 : i32
    %mul3A_182 = arith.constant 2 : i32
    %mul3A_183 = arith.muli %add3A_181, %mul3A_182 : i32
    %mul3A_184 = arith.constant 64 : i32
    %mul3A_185 = arith.muli %mul3A_183, %mul3A_184 : i32
    %dma_start3A_186 = arith.constant 0 : i32
    %dma_start3A_187 = arith.constant 0 : i32
    %dma_start3A_188 = tpu.memref_slice %arg7[%dma_start3A_186, %dma_start3A_187] : memref<1x128xi32, #tpu.memory_space<vmem>> -> memref<1x128xi32, #tpu.memory_space<vmem>>
    %dma_start3A_189 = tpu.memref_squeeze %dma_start3A_188 : memref<1x128xi32, #tpu.memory_space<vmem>> -> memref<128xi32, #tpu.memory_space<vmem>>
    %dma_start3A_190 = tpu.memref_slice %arg2[%mul3A_185] : memref<327680xi32, #tpu.memory_space<hbm>> -> memref<128xi32, #tpu.memory_space<hbm>>
    %dma_start3A_191 = arith.constant 0 : i32
    %dma_start3A_192 = tpu.memref_slice %arg7[%dma_start3A_186, %dma_start3A_191] : memref<1x128xi32, #tpu.memory_space<vmem>> -> memref<1x128xi32, #tpu.memory_space<vmem>>
    %dma_start3A_193 = tpu.memref_squeeze %dma_start3A_192 : memref<1x128xi32, #tpu.memory_space<vmem>> -> memref<128xi32, #tpu.memory_space<vmem>>
    %dma_start3A_194 = tpu.memref_slice %arg2[%mul3A_185] : memref<327680xi32, #tpu.memory_space<hbm>> -> memref<128xi32, #tpu.memory_space<hbm>>
    tpu.enqueue_dma source(%dma_start3A_194 : memref<128xi32, #tpu.memory_space<hbm>>) target(%dma_start3A_193 : memref<128xi32, #tpu.memory_space<vmem>>) target_semaphore(%arg19 : memref<!tpu.dma_semaphore, #tpu.memory_space<semaphore_mem>>)
    %scan3A = arith.constant 0 : i32
    %scan3A_195 = arith.constant 80 : i32
    %scan3A_196 = arith.addi %scan3A, %scan3A_195 : i32
    %scan3A_197 = arith.constant 1 : i32
    scf.for %scan3A_255 = %scan3A to %scan3A_196 step %scan3A_197  : i32 {
      %mul3A_256 = arith.constant 2 : i32
      %mul3A_257 = arith.muli %mul3A_256, %scan3A_255 : i32
      %dma_wait3A_258 = arith.constant 0 : i32
      %dma_wait3A_259 = arith.constant 0 : i32
      %dma_wait3A_260 = tpu.memref_slice %arg7[%dma_wait3A_258, %dma_wait3A_259] : memref<1x128xi32, #tpu.memory_space<vmem>> -> memref<1x128xi32, #tpu.memory_space<vmem>>
      %dma_wait3A_261 = tpu.memref_squeeze %dma_wait3A_260 : memref<1x128xi32, #tpu.memory_space<vmem>> -> memref<128xi32, #tpu.memory_space<vmem>>
      %dma_wait3A_262 = arith.constant 0 : i32
      %dma_wait3A_263 = tpu.memref_slice %arg2[%dma_wait3A_262] : memref<327680xi32, #tpu.memory_space<hbm>> -> memref<128xi32, #tpu.memory_space<hbm>>
      %dma_wait3A_264 = arith.constant 0 : i32
      %dma_wait3A_265 = tpu.memref_slice %arg7[%dma_wait3A_258, %dma_wait3A_264] : memref<1x128xi32, #tpu.memory_space<vmem>> -> memref<1x128xi32, #tpu.memory_space<vmem>>
      %dma_wait3A_266 = tpu.memref_squeeze %dma_wait3A_265 : memref<1x128xi32, #tpu.memory_space<vmem>> -> memref<128xi32, #tpu.memory_space<vmem>>
      %dma_wait3A_267 = arith.constant 0 : i32
      %dma_wait3A_268 = tpu.memref_slice %arg2[%dma_wait3A_267] : memref<327680xi32, #tpu.memory_space<hbm>> -> memref<128xi32, #tpu.memory_space<hbm>>
      tpu.wait_dma2 semaphore(%arg19 : memref<!tpu.dma_semaphore, #tpu.memory_space<semaphore_mem>>) src(%dma_wait3A_268 : memref<128xi32, #tpu.memory_space<hbm>>) dst(%dma_wait3A_266 : memref<128xi32, #tpu.memory_space<vmem>>)
      %add3A_269 = arith.constant 1 : i32
      %add3A_270 = arith.addi %mul3A_257, %add3A_269 : i32
      %mul3A_271 = arith.constant 160 : i32
      %mul3A_272 = arith.muli %arg1, %mul3A_271 : i32
      %add3A_273 = arith.addi %mul3A_272, %add3A_270 : i32
      %get3A_274 = arith.constant 0 : i32
      %get3A_275 = arith.index_cast %get3A_274 : i32 to index
      %get3A_276 = arith.constant 0 : index
      %get3A_277 = tpu.vector_load %arg7[%get3A_275, %get3A_276] {strides = array<i32>} : memref<1x128xi32, #tpu.memory_space<vmem>>, vector<1x16xi32>,
      %get3A_278 = vector.shape_cast %get3A_277 : vector<1x16xi32> to vector<16xi32>
      %add3A_279 = vector.broadcast %mul3A_21 : i32 to vector<16xi32>
      %add3A_280 = arith.addi %get3A_278, %add3A_279 : vector<16xi32>
      %swap3A_281 = arith.constant 0 : index
      %swap3A_282 = tpu.vector_load %arg11[%swap3A_281] {strides = array<i32>} : memref<128xi32, #tpu.memory_space<vmem>>, vector<16xi32>,
      %swap3A_283 = vector.shape_cast %swap3A_282 : vector<16xi32> to vector<16xi32>
      %swap3A_284 = vector.shape_cast %add3A_280 : vector<16xi32> to vector<16xi32>
      tpu.vector_store %arg11[%swap3A_281], %swap3A_284 {strides = array<i32>} : memref<128xi32, #tpu.memory_space<vmem>>, vector<16xi32>,
      %get3A_285 = arith.constant 0 : i32
      %get3A_286 = arith.index_cast %get3A_285 : i32 to index
      %get3A_287 = arith.constant 16 : index
      %get3A_288 = tpu.vector_load %arg7[%get3A_286, %get3A_287] {strides = array<i32>} : memref<1x128xi32, #tpu.memory_space<vmem>>, vector<1x16xi32>,
      %get3A_289 = vector.shape_cast %get3A_288 : vector<1x16xi32> to vector<16xi32>
      %add3A_290 = vector.broadcast %mul3A_21 : i32 to vector<16xi32>
      %add3A_291 = arith.addi %get3A_289, %add3A_290 : vector<16xi32>
      %swap3A_292 = arith.constant 16 : index
      %swap3A_293 = tpu.vector_load %arg11[%swap3A_292] {strides = array<i32>} : memref<128xi32, #tpu.memory_space<vmem>>, vector<16xi32>,
      %swap3A_294 = vector.shape_cast %swap3A_293 : vector<16xi32> to vector<16xi32>
      %swap3A_295 = vector.shape_cast %add3A_291 : vector<16xi32> to vector<16xi32>
      tpu.vector_store %arg11[%swap3A_292], %swap3A_295 {strides = array<i32>} : memref<128xi32, #tpu.memory_space<vmem>>, vector<16xi32>,
      %get3A_296 = arith.constant 0 : i32
      %get3A_297 = arith.index_cast %get3A_296 : i32 to index
      %get3A_298 = arith.constant 32 : index
      %get3A_299 = tpu.vector_load %arg7[%get3A_297, %get3A_298] {strides = array<i32>} : memref<1x128xi32, #tpu.memory_space<vmem>>, vector<1x16xi32>,
      %get3A_300 = vector.shape_cast %get3A_299 : vector<1x16xi32> to vector<16xi32>
      %add3A_301 = vector.broadcast %mul3A_21 : i32 to vector<16xi32>
      %add3A_302 = arith.addi %get3A_300, %add3A_301 : vector<16xi32>
      %swap3A_303 = arith.constant 32 : index
      %swap3A_304 = tpu.vector_load %arg11[%swap3A_303] {strides = array<i32>} : memref<128xi32, #tpu.memory_space<vmem>>, vector<16xi32>,
      %swap3A_305 = vector.shape_cast %swap3A_304 : vector<16xi32> to vector<16xi32>
      %swap3A_306 = vector.shape_cast %add3A_302 : vector<16xi32> to vector<16xi32>
      tpu.vector_store %arg11[%swap3A_303], %swap3A_306 {strides = array<i32>} : memref<128xi32, #tpu.memory_space<vmem>>, vector<16xi32>,
      %get3A_307 = arith.constant 0 : i32
      %get3A_308 = arith.index_cast %get3A_307 : i32 to index
      %get3A_309 = arith.constant 48 : index
      %get3A_310 = tpu.vector_load %arg7[%get3A_308, %get3A_309] {strides = array<i32>} : memref<1x128xi32, #tpu.memory_space<vmem>>, vector<1x16xi32>,
      %get3A_311 = vector.shape_cast %get3A_310 : vector<1x16xi32> to vector<16xi32>
      %add3A_312 = vector.broadcast %mul3A_21 : i32 to vector<16xi32>
      %add3A_313 = arith.addi %get3A_311, %add3A_312 : vector<16xi32>
      %swap3A_314 = arith.constant 48 : index
      %swap3A_315 = tpu.vector_load %arg11[%swap3A_314] {strides = array<i32>} : memref<128xi32, #tpu.memory_space<vmem>>, vector<16xi32>,
      %swap3A_316 = vector.shape_cast %swap3A_315 : vector<16xi32> to vector<16xi32>
      %swap3A_317 = vector.shape_cast %add3A_313 : vector<16xi32> to vector<16xi32>
      tpu.vector_store %arg11[%swap3A_314], %swap3A_317 {strides = array<i32>} : memref<128xi32, #tpu.memory_space<vmem>>, vector<16xi32>,
      %get3A_318 = arith.constant 0 : i32
      %get3A_319 = arith.index_cast %get3A_318 : i32 to index
      %get3A_320 = arith.constant 64 : index
      %get3A_321 = tpu.vector_load %arg7[%get3A_319, %get3A_320] {strides = array<i32>} : memref<1x128xi32, #tpu.memory_space<vmem>>, vector<1x16xi32>,
      %get3A_322 = vector.shape_cast %get3A_321 : vector<1x16xi32> to vector<16xi32>
      %add3A_323 = vector.broadcast %add3A_25 : i32 to vector<16xi32>
      %add3A_324 = arith.addi %get3A_322, %add3A_323 : vector<16xi32>
      %swap3A_325 = arith.constant 64 : index
      %swap3A_326 = tpu.vector_load %arg11[%swap3A_325] {strides = array<i32>} : memref<128xi32, #tpu.memory_space<vmem>>, vector<16xi32>,
      %swap3A_327 = vector.shape_cast %swap3A_326 : vector<16xi32> to vector<16xi32>
      %swap3A_328 = vector.shape_cast %add3A_324 : vector<16xi32> to vector<16xi32>
      tpu.vector_store %arg11[%swap3A_325], %swap3A_328 {strides = array<i32>} : memref<128xi32, #tpu.memory_space<vmem>>, vector<16xi32>,
      %swap3A_329 = arith.constant 0 : i32
      %swap3A_330 = arith.index_cast %swap3A_329 : i32 to index
      %swap3A_331 = arith.constant 0 : index
      %swap3A_332 = tpu.vector_load %arg9[%swap3A_330, %swap3A_331] {strides = array<i32>} : memref<1x64xi32, #tpu.memory_space<vmem>>, vector<1x16xi32>,
      %swap3A_333 = vector.shape_cast %swap3A_332 : vector<1x16xi32> to vector<16xi32>
      %swap3A_334 = vector.shape_cast %get3A_322 : vector<16xi32> to vector<1x16xi32>
      tpu.vector_store %arg9[%swap3A_330, %swap3A_331], %swap3A_334 {strides = array<i32>} : memref<1x64xi32, #tpu.memory_space<vmem>>, vector<1x16xi32>,
      %get3A_335 = arith.constant 0 : i32
      %get3A_336 = arith.index_cast %get3A_335 : i32 to index
      %get3A_337 = arith.constant 80 : index
      %get3A_338 = tpu.vector_load %arg7[%get3A_336, %get3A_337] {strides = array<i32>} : memref<1x128xi32, #tpu.memory_space<vmem>>, vector<1x16xi32>,
      %get3A_339 = vector.shape_cast %get3A_338 : vector<1x16xi32> to vector<16xi32>
      %add3A_340 = vector.broadcast %add3A_25 : i32 to vector<16xi32>
      %add3A_341 = arith.addi %get3A_339, %add3A_340 : vector<16xi32>
      %swap3A_342 = arith.constant 80 : index
      %swap3A_343 = tpu.vector_load %arg11[%swap3A_342] {strides = array<i32>} : memref<128xi32, #tpu.memory_space<vmem>>, vector<16xi32>,
      %swap3A_344 = vector.shape_cast %swap3A_343 : vector<16xi32> to vector<16xi32>
      %swap3A_345 = vector.shape_cast %add3A_341 : vector<16xi32> to vector<16xi32>
      tpu.vector_store %arg11[%swap3A_342], %swap3A_345 {strides = array<i32>} : memref<128xi32, #tpu.memory_space<vmem>>, vector<16xi32>,
      %swap3A_346 = arith.constant 0 : i32
      %swap3A_347 = arith.index_cast %swap3A_346 : i32 to index
      %swap3A_348 = arith.constant 16 : index
      %swap3A_349 = tpu.vector_load %arg9[%swap3A_347, %swap3A_348] {strides = array<i32>} : memref<1x64xi32, #tpu.memory_space<vmem>>, vector<1x16xi32>,
      %swap3A_350 = vector.shape_cast %swap3A_349 : vector<1x16xi32> to vector<16xi32>
      %swap3A_351 = vector.shape_cast %get3A_339 : vector<16xi32> to vector<1x16xi32>
      tpu.vector_store %arg9[%swap3A_347, %swap3A_348], %swap3A_351 {strides = array<i32>} : memref<1x64xi32, #tpu.memory_space<vmem>>, vector<1x16xi32>,
      %get3A_352 = arith.constant 0 : i32
      %get3A_353 = arith.index_cast %get3A_352 : i32 to index
      %get3A_354 = arith.constant 96 : index
      %get3A_355 = tpu.vector_load %arg7[%get3A_353, %get3A_354] {strides = array<i32>} : memref<1x128xi32, #tpu.memory_space<vmem>>, vector<1x16xi32>,
      %get3A_356 = vector.shape_cast %get3A_355 : vector<1x16xi32> to vector<16xi32>
      %add3A_357 = vector.broadcast %add3A_25 : i32 to vector<16xi32>
      %add3A_358 = arith.addi %get3A_356, %add3A_357 : vector<16xi32>
      %swap3A_359 = arith.constant 96 : index
      %swap3A_360 = tpu.vector_load %arg11[%swap3A_359] {strides = array<i32>} : memref<128xi32, #tpu.memory_space<vmem>>, vector<16xi32>,
      %swap3A_361 = vector.shape_cast %swap3A_360 : vector<16xi32> to vector<16xi32>
      %swap3A_362 = vector.shape_cast %add3A_358 : vector<16xi32> to vector<16xi32>
      tpu.vector_store %arg11[%swap3A_359], %swap3A_362 {strides = array<i32>} : memref<128xi32, #tpu.memory_space<vmem>>, vector<16xi32>,
      %swap3A_363 = arith.constant 0 : i32
      %swap3A_364 = arith.index_cast %swap3A_363 : i32 to index
      %swap3A_365 = arith.constant 32 : index
      %swap3A_366 = tpu.vector_load %arg9[%swap3A_364, %swap3A_365] {strides = array<i32>} : memref<1x64xi32, #tpu.memory_space<vmem>>, vector<1x16xi32>,
      %swap3A_367 = vector.shape_cast %swap3A_366 : vector<1x16xi32> to vector<16xi32>
      %swap3A_368 = vector.shape_cast %get3A_356 : vector<16xi32> to vector<1x16xi32>
      tpu.vector_store %arg9[%swap3A_364, %swap3A_365], %swap3A_368 {strides = array<i32>} : memref<1x64xi32, #tpu.memory_space<vmem>>, vector<1x16xi32>,
      %get3A_369 = arith.constant 0 : i32
      %get3A_370 = arith.index_cast %get3A_369 : i32 to index
      %get3A_371 = arith.constant 112 : index
      %get3A_372 = tpu.vector_load %arg7[%get3A_370, %get3A_371] {strides = array<i32>} : memref<1x128xi32, #tpu.memory_space<vmem>>, vector<1x16xi32>,
      %get3A_373 = vector.shape_cast %get3A_372 : vector<1x16xi32> to vector<16xi32>
      %add3A_374 = vector.broadcast %add3A_25 : i32 to vector<16xi32>
      %add3A_375 = arith.addi %get3A_373, %add3A_374 : vector<16xi32>
      %swap3A_376 = arith.constant 112 : index
      %swap3A_377 = tpu.vector_load %arg11[%swap3A_376] {strides = array<i32>} : memref<128xi32, #tpu.memory_space<vmem>>, vector<16xi32>,
      %swap3A_378 = vector.shape_cast %swap3A_377 : vector<16xi32> to vector<16xi32>
      %swap3A_379 = vector.shape_cast %add3A_375 : vector<16xi32> to vector<16xi32>
      tpu.vector_store %arg11[%swap3A_376], %swap3A_379 {strides = array<i32>} : memref<128xi32, #tpu.memory_space<vmem>>, vector<16xi32>,
      %swap3A_380 = arith.constant 0 : i32
      %swap3A_381 = arith.index_cast %swap3A_380 : i32 to index
      %swap3A_382 = arith.constant 48 : index
      %swap3A_383 = tpu.vector_load %arg9[%swap3A_381, %swap3A_382] {strides = array<i32>} : memref<1x64xi32, #tpu.memory_space<vmem>>, vector<1x16xi32>,
      %swap3A_384 = vector.shape_cast %swap3A_383 : vector<1x16xi32> to vector<16xi32>
      %swap3A_385 = vector.shape_cast %get3A_373 : vector<16xi32> to vector<1x16xi32>
      tpu.vector_store %arg9[%swap3A_381, %swap3A_382], %swap3A_385 {strides = array<i32>} : memref<1x64xi32, #tpu.memory_space<vmem>>, vector<1x16xi32>,
      %dma_start3A_386 = arith.constant 0 : i32
      %dma_start3A_387 = arith.constant 0 : i32
      %dma_start3A_388 = tpu.memref_slice %arg3[%dma_start3A_386, %dma_start3A_387] : memref<40000x128xf32, #tpu.memory_space<hbm>> -> memref<40000x128xf32, #tpu.memory_space<hbm>>
      tpu.enqueue_indirect_dma source(%dma_start3A_388 : memref<40000x128xf32, #tpu.memory_space<hbm>>) target(%arg13 : memref<128x128xf32, #tpu.memory_space<vmem>>) offsets(%arg11 : memref<128xi32, #tpu.memory_space<vmem>>) semaphore(%arg18 : memref<!tpu.dma_semaphore, #tpu.memory_space<semaphore_mem>>)
      %mul3A_389 = arith.constant 163840 : i32
      %mul3A_390 = arith.muli %arg0, %mul3A_389 : i32
      %mul3A_391 = arith.constant 64 : i32
      %mul3A_392 = arith.muli %add3A_273, %mul3A_391 : i32
      %add3A_393 = arith.addi %mul3A_390, %mul3A_392 : i32
      %dma_start3A_394 = arith.constant 0 : i32
      %dma_start3A_395 = tpu.memref_slice %arg4[%add3A_393, %dma_start3A_394] : memref<327680x128xf32, #tpu.memory_space<hbm>> -> memref<64x128xf32, #tpu.memory_space<hbm>>
      %dma_start3A_396 = arith.constant 0 : i32
      %dma_start3A_397 = tpu.memref_slice %arg4[%add3A_393, %dma_start3A_396] : memref<327680x128xf32, #tpu.memory_space<hbm>> -> memref<64x128xf32, #tpu.memory_space<hbm>>
      tpu.enqueue_dma source(%dma_start3A_397 : memref<64x128xf32, #tpu.memory_space<hbm>>) target(%arg15 : memref<64x128xf32, #tpu.memory_space<vmem>>) target_semaphore(%arg18 : memref<!tpu.dma_semaphore, #tpu.memory_space<semaphore_mem>>)
      %lt3A = arith.constant 79 : i32
      %lt3A_398 = arith.cmpi slt, %scan3A_255, %lt3A : i32
      %convert_element_type3A = arith.extui %lt3A_398 : i1 to i32
      %cond3A = arith.constant 0 : i32
      %cond3A_399 = arith.cmpi ne, %convert_element_type3A, %cond3A : i32
      scf.if %cond3A_399 {
        %add3A_430 = arith.constant 2 : i32
        %add3A_431 = arith.addi %mul3A_257, %add3A_430 : i32
        %mul3A_432 = arith.constant 160 : i32
        %mul3A_433 = arith.muli %arg1, %mul3A_432 : i32
        %add3A_434 = arith.addi %mul3A_433, %add3A_431 : i32
        %mul3A_435 = arith.constant 2 : i32
        %mul3A_436 = arith.muli %add3A_434, %mul3A_435 : i32
        %mul3A_437 = arith.constant 64 : i32
        %mul3A_438 = arith.muli %mul3A_436, %mul3A_437 : i32
        %dma_start3A_439 = arith.constant 0 : i32
        %dma_start3A_440 = arith.constant 0 : i32
        %dma_start3A_441 = tpu.memref_slice %arg6[%dma_start3A_439, %dma_start3A_440] : memref<1x128xi32, #tpu.memory_space<vmem>> -> memref<1x128xi32, #tpu.memory_space<vmem>>
        %dma_start3A_442 = tpu.memref_squeeze %dma_start3A_441 : memref<1x128xi32, #tpu.memory_space<vmem>> -> memref<128xi32, #tpu.memory_space<vmem>>
        %dma_start3A_443 = tpu.memref_slice %arg2[%mul3A_438] : memref<327680xi32, #tpu.memory_space<hbm>> -> memref<128xi32, #tpu.memory_space<hbm>>
        %dma_start3A_444 = arith.constant 0 : i32
        %dma_start3A_445 = tpu.memref_slice %arg6[%dma_start3A_439, %dma_start3A_444] : memref<1x128xi32, #tpu.memory_space<vmem>> -> memref<1x128xi32, #tpu.memory_space<vmem>>
        %dma_start3A_446 = tpu.memref_squeeze %dma_start3A_445 : memref<1x128xi32, #tpu.memory_space<vmem>> -> memref<128xi32, #tpu.memory_space<vmem>>
        %dma_start3A_447 = tpu.memref_slice %arg2[%mul3A_438] : memref<327680xi32, #tpu.memory_space<hbm>> -> memref<128xi32, #tpu.memory_space<hbm>>
        tpu.enqueue_dma source(%dma_start3A_447 : memref<128xi32, #tpu.memory_space<hbm>>) target(%dma_start3A_446 : memref<128xi32, #tpu.memory_space<vmem>>) target_semaphore(%arg19 : memref<!tpu.dma_semaphore, #tpu.memory_space<semaphore_mem>>)
      } else {
      }
      %dma_wait3A_400 = arith.constant 0 : i32
      %dma_wait3A_401 = arith.constant 0 : i32
      %dma_wait3A_402 = tpu.memref_slice %arg3[%dma_wait3A_400, %dma_wait3A_401] : memref<40000x128xf32, #tpu.memory_space<hbm>> -> memref<40000x128xf32, #tpu.memory_space<hbm>>
      tpu.wait_indirect_dma semaphore(%arg17 : memref<!tpu.dma_semaphore, #tpu.memory_space<semaphore_mem>>) src(%dma_wait3A_402 : memref<40000x128xf32, #tpu.memory_space<hbm>>) dst(%arg12 : memref<128x128xf32, #tpu.memory_space<vmem>>)
      %dma_wait3A_403 = arith.constant 0 : i32
      %dma_wait3A_404 = arith.constant 0 : i32
      %dma_wait3A_405 = tpu.memref_slice %arg4[%dma_wait3A_403, %dma_wait3A_404] : memref<327680x128xf32, #tpu.memory_space<hbm>> -> memref<64x128xf32, #tpu.memory_space<hbm>>
      %dma_wait3A_406 = arith.constant 0 : i32
      %dma_wait3A_407 = arith.constant 0 : i32
      %dma_wait3A_408 = tpu.memref_slice %arg4[%dma_wait3A_406, %dma_wait3A_407] : memref<327680x128xf32, #tpu.memory_space<hbm>> -> memref<64x128xf32, #tpu.memory_space<hbm>>
      tpu.wait_dma2 semaphore(%arg17 : memref<!tpu.dma_semaphore, #tpu.memory_space<semaphore_mem>>) src(%dma_wait3A_408 : memref<64x128xf32, #tpu.memory_space<hbm>>) dst(%arg14 : memref<64x128xf32, #tpu.memory_space<vmem>>)
      %parallel_loop3A_409 = arith.constant 0 : i32
      %parallel_loop3A_410 = arith.constant 64 : i32
      %parallel_loop3A_411 = arith.constant 1 : i32
      scf.for %parallel_loop3A_430 = %parallel_loop3A_409 to %parallel_loop3A_410 step %parallel_loop3A_411  : i32 {
        %parallel_loop3A_431 = arith.index_cast %parallel_loop3A_430 : i32 to index
        %parallel_loop3A_432 = arith.constant 0 : index
        %parallel_loop3A_433 = tpu.vector_load %arg12[%parallel_loop3A_431, %parallel_loop3A_432] {strides = array<i32>} : memref<128x128xf32, #tpu.memory_space<vmem>>, vector<1x16xf32>,
        %parallel_loop3A_434 = vector.shape_cast %parallel_loop3A_433 : vector<1x16xf32> to vector<16xf32>
        %parallel_loop3A_435 = arith.constant 64 : i32
        %parallel_loop3A_436 = arith.addi %parallel_loop3A_435, %parallel_loop3A_430 : i32
        %parallel_loop3A_437 = arith.index_cast %parallel_loop3A_436 : i32 to index
        %parallel_loop3A_438 = arith.constant 0 : index
        %parallel_loop3A_439 = tpu.vector_load %arg12[%parallel_loop3A_437, %parallel_loop3A_438] {strides = array<i32>} : memref<128x128xf32, #tpu.memory_space<vmem>>, vector<1x16xf32>,
        %parallel_loop3A_440 = vector.shape_cast %parallel_loop3A_439 : vector<1x16xf32> to vector<16xf32>
        %parallel_loop3A_441 = arith.addf %parallel_loop3A_434, %parallel_loop3A_440 : vector<16xf32>
        %parallel_loop3A_442 = arith.index_cast %parallel_loop3A_430 : i32 to index
        %parallel_loop3A_443 = arith.constant 0 : index
        %parallel_loop3A_444 = tpu.vector_load %arg14[%parallel_loop3A_442, %parallel_loop3A_443] {strides = array<i32>} : memref<64x128xf32, #tpu.memory_space<vmem>>, vector<1x16xf32>,
        %parallel_loop3A_445 = vector.shape_cast %parallel_loop3A_444 : vector<1x16xf32> to vector<16xf32>
        %parallel_loop3A_446 = arith.addf %parallel_loop3A_441, %parallel_loop3A_445 : vector<16xf32>
        %parallel_loop3A_447 = math.exp %parallel_loop3A_446 : vector<16xf32>
        %parallel_loop3A_448 = arith.constant 1.000000e+00 : f32
        %parallel_loop3A_449 = vector.broadcast %parallel_loop3A_448 : f32 to vector<16xf32>
        %parallel_loop3A_450 = arith.addf %parallel_loop3A_449, %parallel_loop3A_447 : vector<16xf32>
        %parallel_loop3A_451 = arith.divf %parallel_loop3A_446, %parallel_loop3A_450 : vector<16xf32>
        %parallel_loop3A_452 = arith.subf %parallel_loop3A_446, %parallel_loop3A_451 : vector<16xf32>
        %parallel_loop3A_453 = arith.index_cast %parallel_loop3A_430 : i32 to index
        %parallel_loop3A_454 = arith.constant 0 : index
        %parallel_loop3A_455 = tpu.vector_load %arg12[%parallel_loop3A_453, %parallel_loop3A_454] {strides = array<i32>} : memref<128x128xf32, #tpu.memory_space<vmem>>, vector<1x16xf32>,
        %parallel_loop3A_456 = vector.shape_cast %parallel_loop3A_455 : vector<1x16xf32> to vector<16xf32>
        %parallel_loop3A_457 = vector.shape_cast %parallel_loop3A_452 : vector<16xf32> to vector<1x16xf32>
        tpu.vector_store %arg12[%parallel_loop3A_453, %parallel_loop3A_454], %parallel_loop3A_457 {strides = array<i32>} : memref<128x128xf32, #tpu.memory_space<vmem>>, vector<1x16xf32>,
        %parallel_loop3A_458 = arith.index_cast %parallel_loop3A_430 : i32 to index
        %parallel_loop3A_459 = arith.constant 16 : index
        %parallel_loop3A_460 = tpu.vector_load %arg12[%parallel_loop3A_458, %parallel_loop3A_459] {strides = array<i32>} : memref<128x128xf32, #tpu.memory_space<vmem>>, vector<1x16xf32>,
        %parallel_loop3A_461 = vector.shape_cast %parallel_loop3A_460 : vector<1x16xf32> to vector<16xf32>
        %parallel_loop3A_462 = arith.constant 64 : i32
        %parallel_loop3A_463 = arith.addi %parallel_loop3A_462, %parallel_loop3A_430 : i32
        %parallel_loop3A_464 = arith.index_cast %parallel_loop3A_463 : i32 to index
        %parallel_loop3A_465 = arith.constant 16 : index
        %parallel_loop3A_466 = tpu.vector_load %arg12[%parallel_loop3A_464, %parallel_loop3A_465] {strides = array<i32>} : memref<128x128xf32, #tpu.memory_space<vmem>>, vector<1x16xf32>,
        %parallel_loop3A_467 = vector.shape_cast %parallel_loop3A_466 : vector<1x16xf32> to vector<16xf32>
        %parallel_loop3A_468 = arith.addf %parallel_loop3A_461, %parallel_loop3A_467 : vector<16xf32>
        %parallel_loop3A_469 = arith.index_cast %parallel_loop3A_430 : i32 to index
        %parallel_loop3A_470 = arith.constant 16 : index
        %parallel_loop3A_471 = tpu.vector_load %arg14[%parallel_loop3A_469, %parallel_loop3A_470] {strides = array<i32>} : memref<64x128xf32, #tpu.memory_space<vmem>>, vector<1x16xf32>,
        %parallel_loop3A_472 = vector.shape_cast %parallel_loop3A_471 : vector<1x16xf32> to vector<16xf32>
        %parallel_loop3A_473 = arith.addf %parallel_loop3A_468, %parallel_loop3A_472 : vector<16xf32>
        %parallel_loop3A_474 = math.exp %parallel_loop3A_473 : vector<16xf32>
        %parallel_loop3A_475 = arith.constant 1.000000e+00 : f32
        %parallel_loop3A_476 = vector.broadcast %parallel_loop3A_475 : f32 to vector<16xf32>
        %parallel_loop3A_477 = arith.addf %parallel_loop3A_476, %parallel_loop3A_474 : vector<16xf32>
        %parallel_loop3A_478 = arith.divf %parallel_loop3A_473, %parallel_loop3A_477 : vector<16xf32>
        %parallel_loop3A_479 = arith.subf %parallel_loop3A_473, %parallel_loop3A_478 : vector<16xf32>
        %parallel_loop3A_480 = arith.index_cast %parallel_loop3A_430 : i32 to index
        %parallel_loop3A_481 = arith.constant 16 : index
        %parallel_loop3A_482 = tpu.vector_load %arg12[%parallel_loop3A_480, %parallel_loop3A_481] {strides = array<i32>} : memref<128x128xf32, #tpu.memory_space<vmem>>, vector<1x16xf32>,
        %parallel_loop3A_483 = vector.shape_cast %parallel_loop3A_482 : vector<1x16xf32> to vector<16xf32>
        %parallel_loop3A_484 = vector.shape_cast %parallel_loop3A_479 : vector<16xf32> to vector<1x16xf32>
        tpu.vector_store %arg12[%parallel_loop3A_480, %parallel_loop3A_481], %parallel_loop3A_484 {strides = array<i32>} : memref<128x128xf32, #tpu.memory_space<vmem>>, vector<1x16xf32>,
        %parallel_loop3A_485 = arith.index_cast %parallel_loop3A_430 : i32 to index
        %parallel_loop3A_486 = arith.constant 32 : index
        %parallel_loop3A_487 = tpu.vector_load %arg12[%parallel_loop3A_485, %parallel_loop3A_486] {strides = array<i32>} : memref<128x128xf32, #tpu.memory_space<vmem>>, vector<1x16xf32>,
        %parallel_loop3A_488 = vector.shape_cast %parallel_loop3A_487 : vector<1x16xf32> to vector<16xf32>
        %parallel_loop3A_489 = arith.constant 64 : i32
        %parallel_loop3A_490 = arith.addi %parallel_loop3A_489, %parallel_loop3A_430 : i32
        %parallel_loop3A_491 = arith.index_cast %parallel_loop3A_490 : i32 to index
        %parallel_loop3A_492 = arith.constant 32 : index
        %parallel_loop3A_493 = tpu.vector_load %arg12[%parallel_loop3A_491, %parallel_loop3A_492] {strides = array<i32>} : memref<128x128xf32, #tpu.memory_space<vmem>>, vector<1x16xf32>,
        %parallel_loop3A_494 = vector.shape_cast %parallel_loop3A_493 : vector<1x16xf32> to vector<16xf32>
        %parallel_loop3A_495 = arith.addf %parallel_loop3A_488, %parallel_loop3A_494 : vector<16xf32>
        %parallel_loop3A_496 = arith.index_cast %parallel_loop3A_430 : i32 to index
        %parallel_loop3A_497 = arith.constant 32 : index
        %parallel_loop3A_498 = tpu.vector_load %arg14[%parallel_loop3A_496, %parallel_loop3A_497] {strides = array<i32>} : memref<64x128xf32, #tpu.memory_space<vmem>>, vector<1x16xf32>,
        %parallel_loop3A_499 = vector.shape_cast %parallel_loop3A_498 : vector<1x16xf32> to vector<16xf32>
        %parallel_loop3A_500 = arith.addf %parallel_loop3A_495, %parallel_loop3A_499 : vector<16xf32>
        %parallel_loop3A_501 = math.exp %parallel_loop3A_500 : vector<16xf32>
        %parallel_loop3A_502 = arith.constant 1.000000e+00 : f32
        %parallel_loop3A_503 = vector.broadcast %parallel_loop3A_502 : f32 to vector<16xf32>
        %parallel_loop3A_504 = arith.addf %parallel_loop3A_503, %parallel_loop3A_501 : vector<16xf32>
        %parallel_loop3A_505 = arith.divf %parallel_loop3A_500, %parallel_loop3A_504 : vector<16xf32>
        %parallel_loop3A_506 = arith.subf %parallel_loop3A_500, %parallel_loop3A_505 : vector<16xf32>
        %parallel_loop3A_507 = arith.index_cast %parallel_loop3A_430 : i32 to index
        %parallel_loop3A_508 = arith.constant 32 : index
        %parallel_loop3A_509 = tpu.vector_load %arg12[%parallel_loop3A_507, %parallel_loop3A_508] {strides = array<i32>} : memref<128x128xf32, #tpu.memory_space<vmem>>, vector<1x16xf32>,
        %parallel_loop3A_510 = vector.shape_cast %parallel_loop3A_509 : vector<1x16xf32> to vector<16xf32>
        %parallel_loop3A_511 = vector.shape_cast %parallel_loop3A_506 : vector<16xf32> to vector<1x16xf32>
        tpu.vector_store %arg12[%parallel_loop3A_507, %parallel_loop3A_508], %parallel_loop3A_511 {strides = array<i32>} : memref<128x128xf32, #tpu.memory_space<vmem>>, vector<1x16xf32>,
        %parallel_loop3A_512 = arith.index_cast %parallel_loop3A_430 : i32 to index
        %parallel_loop3A_513 = arith.constant 48 : index
        %parallel_loop3A_514 = tpu.vector_load %arg12[%parallel_loop3A_512, %parallel_loop3A_513] {strides = array<i32>} : memref<128x128xf32, #tpu.memory_space<vmem>>, vector<1x16xf32>,
        %parallel_loop3A_515 = vector.shape_cast %parallel_loop3A_514 : vector<1x16xf32> to vector<16xf32>
        %parallel_loop3A_516 = arith.constant 64 : i32
        %parallel_loop3A_517 = arith.addi %parallel_loop3A_516, %parallel_loop3A_430 : i32
        %parallel_loop3A_518 = arith.index_cast %parallel_loop3A_517 : i32 to index
        %parallel_loop3A_519 = arith.constant 48 : index
        %parallel_loop3A_520 = tpu.vector_load %arg12[%parallel_loop3A_518, %parallel_loop3A_519] {strides = array<i32>} : memref<128x128xf32, #tpu.memory_space<vmem>>, vector<1x16xf32>,
        %parallel_loop3A_521 = vector.shape_cast %parallel_loop3A_520 : vector<1x16xf32> to vector<16xf32>
        %parallel_loop3A_522 = arith.addf %parallel_loop3A_515, %parallel_loop3A_521 : vector<16xf32>
        %parallel_loop3A_523 = arith.index_cast %parallel_loop3A_430 : i32 to index
        %parallel_loop3A_524 = arith.constant 48 : index
        %parallel_loop3A_525 = tpu.vector_load %arg14[%parallel_loop3A_523, %parallel_loop3A_524] {strides = array<i32>} : memref<64x128xf32, #tpu.memory_space<vmem>>, vector<1x16xf32>,
        %parallel_loop3A_526 = vector.shape_cast %parallel_loop3A_525 : vector<1x16xf32> to vector<16xf32>
        %parallel_loop3A_527 = arith.addf %parallel_loop3A_522, %parallel_loop3A_526 : vector<16xf32>
        %parallel_loop3A_528 = math.exp %parallel_loop3A_527 : vector<16xf32>
        %parallel_loop3A_529 = arith.constant 1.000000e+00 : f32
        %parallel_loop3A_530 = vector.broadcast %parallel_loop3A_529 : f32 to vector<16xf32>
        %parallel_loop3A_531 = arith.addf %parallel_loop3A_530, %parallel_loop3A_528 : vector<16xf32>
        %parallel_loop3A_532 = arith.divf %parallel_loop3A_527, %parallel_loop3A_531 : vector<16xf32>
        %parallel_loop3A_533 = arith.subf %parallel_loop3A_527, %parallel_loop3A_532 : vector<16xf32>
        %parallel_loop3A_534 = arith.index_cast %parallel_loop3A_430 : i32 to index
        %parallel_loop3A_535 = arith.constant 48 : index
        %parallel_loop3A_536 = tpu.vector_load %arg12[%parallel_loop3A_534, %parallel_loop3A_535] {strides = array<i32>} : memref<128x128xf32, #tpu.memory_space<vmem>>, vector<1x16xf32>,
        %parallel_loop3A_537 = vector.shape_cast %parallel_loop3A_536 : vector<1x16xf32> to vector<16xf32>
        %parallel_loop3A_538 = vector.shape_cast %parallel_loop3A_533 : vector<16xf32> to vector<1x16xf32>
        tpu.vector_store %arg12[%parallel_loop3A_534, %parallel_loop3A_535], %parallel_loop3A_538 {strides = array<i32>} : memref<128x128xf32, #tpu.memory_space<vmem>>, vector<1x16xf32>,
        %parallel_loop3A_539 = arith.index_cast %parallel_loop3A_430 : i32 to index
        %parallel_loop3A_540 = arith.constant 64 : index
        %parallel_loop3A_541 = tpu.vector_load %arg12[%parallel_loop3A_539, %parallel_loop3A_540] {strides = array<i32>} : memref<128x128xf32, #tpu.memory_space<vmem>>, vector<1x16xf32>,
        %parallel_loop3A_542 = vector.shape_cast %parallel_loop3A_541 : vector<1x16xf32> to vector<16xf32>
        %parallel_loop3A_543 = arith.constant 64 : i32
        %parallel_loop3A_544 = arith.addi %parallel_loop3A_543, %parallel_loop3A_430 : i32
        %parallel_loop3A_545 = arith.index_cast %parallel_loop3A_544 : i32 to index
        %parallel_loop3A_546 = arith.constant 64 : index
        %parallel_loop3A_547 = tpu.vector_load %arg12[%parallel_loop3A_545, %parallel_loop3A_546] {strides = array<i32>} : memref<128x128xf32, #tpu.memory_space<vmem>>, vector<1x16xf32>,
        %parallel_loop3A_548 = vector.shape_cast %parallel_loop3A_547 : vector<1x16xf32> to vector<16xf32>
        %parallel_loop3A_549 = arith.addf %parallel_loop3A_542, %parallel_loop3A_548 : vector<16xf32>
        %parallel_loop3A_550 = arith.index_cast %parallel_loop3A_430 : i32 to index
        %parallel_loop3A_551 = arith.constant 64 : index
        %parallel_loop3A_552 = tpu.vector_load %arg14[%parallel_loop3A_550, %parallel_loop3A_551] {strides = array<i32>} : memref<64x128xf32, #tpu.memory_space<vmem>>, vector<1x16xf32>,
        %parallel_loop3A_553 = vector.shape_cast %parallel_loop3A_552 : vector<1x16xf32> to vector<16xf32>
        %parallel_loop3A_554 = arith.addf %parallel_loop3A_549, %parallel_loop3A_553 : vector<16xf32>
        %parallel_loop3A_555 = math.exp %parallel_loop3A_554 : vector<16xf32>
        %parallel_loop3A_556 = arith.constant 1.000000e+00 : f32
        %parallel_loop3A_557 = vector.broadcast %parallel_loop3A_556 : f32 to vector<16xf32>
        %parallel_loop3A_558 = arith.addf %parallel_loop3A_557, %parallel_loop3A_555 : vector<16xf32>
        %parallel_loop3A_559 = arith.divf %parallel_loop3A_554, %parallel_loop3A_558 : vector<16xf32>
        %parallel_loop3A_560 = arith.subf %parallel_loop3A_554, %parallel_loop3A_559 : vector<16xf32>
        %parallel_loop3A_561 = arith.index_cast %parallel_loop3A_430 : i32 to index
        %parallel_loop3A_562 = arith.constant 64 : index
        %parallel_loop3A_563 = tpu.vector_load %arg12[%parallel_loop3A_561, %parallel_loop3A_562] {strides = array<i32>} : memref<128x128xf32, #tpu.memory_space<vmem>>, vector<1x16xf32>,
        %parallel_loop3A_564 = vector.shape_cast %parallel_loop3A_563 : vector<1x16xf32> to vector<16xf32>
        %parallel_loop3A_565 = vector.shape_cast %parallel_loop3A_560 : vector<16xf32> to vector<1x16xf32>
        tpu.vector_store %arg12[%parallel_loop3A_561, %parallel_loop3A_562], %parallel_loop3A_565 {strides = array<i32>} : memref<128x128xf32, #tpu.memory_space<vmem>>, vector<1x16xf32>,
        %parallel_loop3A_566 = arith.index_cast %parallel_loop3A_430 : i32 to index
        %parallel_loop3A_567 = arith.constant 80 : index
        %parallel_loop3A_568 = tpu.vector_load %arg12[%parallel_loop3A_566, %parallel_loop3A_567] {strides = array<i32>} : memref<128x128xf32, #tpu.memory_space<vmem>>, vector<1x16xf32>,
        %parallel_loop3A_569 = vector.shape_cast %parallel_loop3A_568 : vector<1x16xf32> to vector<16xf32>
        %parallel_loop3A_570 = arith.constant 64 : i32
        %parallel_loop3A_571 = arith.addi %parallel_loop3A_570, %parallel_loop3A_430 : i32
        %parallel_loop3A_572 = arith.index_cast %parallel_loop3A_571 : i32 to index
        %parallel_loop3A_573 = arith.constant 80 : index
        %parallel_loop3A_574 = tpu.vector_load %arg12[%parallel_loop3A_572, %parallel_loop3A_573] {strides = array<i32>} : memref<128x128xf32, #tpu.memory_space<vmem>>, vector<1x16xf32>,
        %parallel_loop3A_575 = vector.shape_cast %parallel_loop3A_574 : vector<1x16xf32> to vector<16xf32>
        %parallel_loop3A_576 = arith.addf %parallel_loop3A_569, %parallel_loop3A_575 : vector<16xf32>
        %parallel_loop3A_577 = arith.index_cast %parallel_loop3A_430 : i32 to index
        %parallel_loop3A_578 = arith.constant 80 : index
        %parallel_loop3A_579 = tpu.vector_load %arg14[%parallel_loop3A_577, %parallel_loop3A_578] {strides = array<i32>} : memref<64x128xf32, #tpu.memory_space<vmem>>, vector<1x16xf32>,
        %parallel_loop3A_580 = vector.shape_cast %parallel_loop3A_579 : vector<1x16xf32> to vector<16xf32>
        %parallel_loop3A_581 = arith.addf %parallel_loop3A_576, %parallel_loop3A_580 : vector<16xf32>
        %parallel_loop3A_582 = math.exp %parallel_loop3A_581 : vector<16xf32>
        %parallel_loop3A_583 = arith.constant 1.000000e+00 : f32
        %parallel_loop3A_584 = vector.broadcast %parallel_loop3A_583 : f32 to vector<16xf32>
        %parallel_loop3A_585 = arith.addf %parallel_loop3A_584, %parallel_loop3A_582 : vector<16xf32>
        %parallel_loop3A_586 = arith.divf %parallel_loop3A_581, %parallel_loop3A_585 : vector<16xf32>
        %parallel_loop3A_587 = arith.subf %parallel_loop3A_581, %parallel_loop3A_586 : vector<16xf32>
        %parallel_loop3A_588 = arith.index_cast %parallel_loop3A_430 : i32 to index
        %parallel_loop3A_589 = arith.constant 80 : index
        %parallel_loop3A_590 = tpu.vector_load %arg12[%parallel_loop3A_588, %parallel_loop3A_589] {strides = array<i32>} : memref<128x128xf32, #tpu.memory_space<vmem>>, vector<1x16xf32>,
        %parallel_loop3A_591 = vector.shape_cast %parallel_loop3A_590 : vector<1x16xf32> to vector<16xf32>
        %parallel_loop3A_592 = vector.shape_cast %parallel_loop3A_587 : vector<16xf32> to vector<1x16xf32>
        tpu.vector_store %arg12[%parallel_loop3A_588, %parallel_loop3A_589], %parallel_loop3A_592 {strides = array<i32>} : memref<128x128xf32, #tpu.memory_space<vmem>>, vector<1x16xf32>,
        %parallel_loop3A_593 = arith.index_cast %parallel_loop3A_430 : i32 to index
        %parallel_loop3A_594 = arith.constant 96 : index
        %parallel_loop3A_595 = tpu.vector_load %arg12[%parallel_loop3A_593, %parallel_loop3A_594] {strides = array<i32>} : memref<128x128xf32, #tpu.memory_space<vmem>>, vector<1x16xf32>,
        %parallel_loop3A_596 = vector.shape_cast %parallel_loop3A_595 : vector<1x16xf32> to vector<16xf32>
        %parallel_loop3A_597 = arith.constant 64 : i32
        %parallel_loop3A_598 = arith.addi %parallel_loop3A_597, %parallel_loop3A_430 : i32
        %parallel_loop3A_599 = arith.index_cast %parallel_loop3A_598 : i32 to index
        %parallel_loop3A_600 = arith.constant 96 : index
        %parallel_loop3A_601 = tpu.vector_load %arg12[%parallel_loop3A_599, %parallel_loop3A_600] {strides = array<i32>} : memref<128x128xf32, #tpu.memory_space<vmem>>, vector<1x16xf32>,
        %parallel_loop3A_602 = vector.shape_cast %parallel_loop3A_601 : vector<1x16xf32> to vector<16xf32>
        %parallel_loop3A_603 = arith.addf %parallel_loop3A_596, %parallel_loop3A_602 : vector<16xf32>
        %parallel_loop3A_604 = arith.index_cast %parallel_loop3A_430 : i32 to index
        %parallel_loop3A_605 = arith.constant 96 : index
        %parallel_loop3A_606 = tpu.vector_load %arg14[%parallel_loop3A_604, %parallel_loop3A_605] {strides = array<i32>} : memref<64x128xf32, #tpu.memory_space<vmem>>, vector<1x16xf32>,
        %parallel_loop3A_607 = vector.shape_cast %parallel_loop3A_606 : vector<1x16xf32> to vector<16xf32>
        %parallel_loop3A_608 = arith.addf %parallel_loop3A_603, %parallel_loop3A_607 : vector<16xf32>
        %parallel_loop3A_609 = math.exp %parallel_loop3A_608 : vector<16xf32>
        %parallel_loop3A_610 = arith.constant 1.000000e+00 : f32
        %parallel_loop3A_611 = vector.broadcast %parallel_loop3A_610 : f32 to vector<16xf32>
        %parallel_loop3A_612 = arith.addf %parallel_loop3A_611, %parallel_loop3A_609 : vector<16xf32>
        %parallel_loop3A_613 = arith.divf %parallel_loop3A_608, %parallel_loop3A_612 : vector<16xf32>
        %parallel_loop3A_614 = arith.subf %parallel_loop3A_608, %parallel_loop3A_613 : vector<16xf32>
        %parallel_loop3A_615 = arith.index_cast %parallel_loop3A_430 : i32 to index
        %parallel_loop3A_616 = arith.constant 96 : index
        %parallel_loop3A_617 = tpu.vector_load %arg12[%parallel_loop3A_615, %parallel_loop3A_616] {strides = array<i32>} : memref<128x128xf32, #tpu.memory_space<vmem>>, vector<1x16xf32>,
        %parallel_loop3A_618 = vector.shape_cast %parallel_loop3A_617 : vector<1x16xf32> to vector<16xf32>
        %parallel_loop3A_619 = vector.shape_cast %parallel_loop3A_614 : vector<16xf32> to vector<1x16xf32>
        tpu.vector_store %arg12[%parallel_loop3A_615, %parallel_loop3A_616], %parallel_loop3A_619 {strides = array<i32>} : memref<128x128xf32, #tpu.memory_space<vmem>>, vector<1x16xf32>,
        %parallel_loop3A_620 = arith.index_cast %parallel_loop3A_430 : i32 to index
        %parallel_loop3A_621 = arith.constant 112 : index
        %parallel_loop3A_622 = tpu.vector_load %arg12[%parallel_loop3A_620, %parallel_loop3A_621] {strides = array<i32>} : memref<128x128xf32, #tpu.memory_space<vmem>>, vector<1x16xf32>,
        %parallel_loop3A_623 = vector.shape_cast %parallel_loop3A_622 : vector<1x16xf32> to vector<16xf32>
        %parallel_loop3A_624 = arith.constant 64 : i32
        %parallel_loop3A_625 = arith.addi %parallel_loop3A_624, %parallel_loop3A_430 : i32
        %parallel_loop3A_626 = arith.index_cast %parallel_loop3A_625 : i32 to index
        %parallel_loop3A_627 = arith.constant 112 : index
        %parallel_loop3A_628 = tpu.vector_load %arg12[%parallel_loop3A_626, %parallel_loop3A_627] {strides = array<i32>} : memref<128x128xf32, #tpu.memory_space<vmem>>, vector<1x16xf32>,
        %parallel_loop3A_629 = vector.shape_cast %parallel_loop3A_628 : vector<1x16xf32> to vector<16xf32>
        %parallel_loop3A_630 = arith.addf %parallel_loop3A_623, %parallel_loop3A_629 : vector<16xf32>
        %parallel_loop3A_631 = arith.index_cast %parallel_loop3A_430 : i32 to index
        %parallel_loop3A_632 = arith.constant 112 : index
        %parallel_loop3A_633 = tpu.vector_load %arg14[%parallel_loop3A_631, %parallel_loop3A_632] {strides = array<i32>} : memref<64x128xf32, #tpu.memory_space<vmem>>, vector<1x16xf32>,
        %parallel_loop3A_634 = vector.shape_cast %parallel_loop3A_633 : vector<1x16xf32> to vector<16xf32>
        %parallel_loop3A_635 = arith.addf %parallel_loop3A_630, %parallel_loop3A_634 : vector<16xf32>
        %parallel_loop3A_636 = math.exp %parallel_loop3A_635 : vector<16xf32>
        %parallel_loop3A_637 = arith.constant 1.000000e+00 : f32
        %parallel_loop3A_638 = vector.broadcast %parallel_loop3A_637 : f32 to vector<16xf32>
        %parallel_loop3A_639 = arith.addf %parallel_loop3A_638, %parallel_loop3A_636 : vector<16xf32>
        %parallel_loop3A_640 = arith.divf %parallel_loop3A_635, %parallel_loop3A_639 : vector<16xf32>
        %parallel_loop3A_641 = arith.subf %parallel_loop3A_635, %parallel_loop3A_640 : vector<16xf32>
        %parallel_loop3A_642 = arith.index_cast %parallel_loop3A_430 : i32 to index
        %parallel_loop3A_643 = arith.constant 112 : index
        %parallel_loop3A_644 = tpu.vector_load %arg12[%parallel_loop3A_642, %parallel_loop3A_643] {strides = array<i32>} : memref<128x128xf32, #tpu.memory_space<vmem>>, vector<1x16xf32>,
        %parallel_loop3A_645 = vector.shape_cast %parallel_loop3A_644 : vector<1x16xf32> to vector<16xf32>
        %parallel_loop3A_646 = vector.shape_cast %parallel_loop3A_641 : vector<16xf32> to vector<1x16xf32>
        tpu.vector_store %arg12[%parallel_loop3A_642, %parallel_loop3A_643], %parallel_loop3A_646 {strides = array<i32>} : memref<128x128xf32, #tpu.memory_space<vmem>>, vector<1x16xf32>,
      } {sc.loop_unroll_factor = 1 : i64, sc.parallel_access}
      %run_scoped3A = arith.constant 0 : i32
      "tpu.region"() ({
        %run_scoped3A_430 = tpu.sem_alloc : memref<!tpu.dma_semaphore, #tpu.memory_space<semaphore_mem>>
        %dma_start3A_431 = arith.constant 0 : i32
        %dma_start3A_432 = arith.constant 0 : i32
        %dma_start3A_433 = tpu.memref_slice %arg12[%dma_start3A_431, %dma_start3A_432] : memref<128x128xf32, #tpu.memory_space<vmem>> -> memref<64x128xf32, #tpu.memory_space<vmem>>
        %dma_start3A_434 = arith.constant 0 : i32
        %dma_start3A_435 = tpu.memref_slice %arg8[%run_scoped3A, %dma_start3A_434] : memref<1x64xi32, #tpu.memory_space<vmem>> -> memref<1x64xi32, #tpu.memory_space<vmem>>
        %dma_start3A_436 = tpu.memref_squeeze %dma_start3A_435 : memref<1x64xi32, #tpu.memory_space<vmem>> -> memref<64xi32, #tpu.memory_space<vmem>>
        %dma_start3A_437 = arith.constant 0 : i32
        %dma_start3A_438 = arith.constant 0 : i32
        %dma_start3A_439 = tpu.memref_slice %arg16[%dma_start3A_437, %dma_start3A_438] : memref<10112x128xf32, #tpu.memory_space<vmem_shared>> -> memref<10112x128xf32, #tpu.memory_space<vmem_shared>>
        tpu.enqueue_indirect_dma source(%dma_start3A_433 : memref<64x128xf32, #tpu.memory_space<vmem>>) target(%dma_start3A_439 : memref<10112x128xf32, #tpu.memory_space<vmem_shared>>) offsets(%dma_start3A_436 : memref<64xi32, #tpu.memory_space<vmem>>) semaphore(%run_scoped3A_430 : memref<!tpu.dma_semaphore, #tpu.memory_space<semaphore_mem>>) {add = true}
        %dma_wait3A_440 = arith.constant 0 : i32
        %dma_wait3A_441 = arith.constant 0 : i32
        %dma_wait3A_442 = tpu.memref_slice %arg12[%dma_wait3A_440, %dma_wait3A_441] : memref<128x128xf32, #tpu.memory_space<vmem>> -> memref<64x128xf32, #tpu.memory_space<vmem>>
        %dma_wait3A_443 = arith.constant 0 : i32
        %dma_wait3A_444 = tpu.memref_slice %arg8[%run_scoped3A, %dma_wait3A_443] : memref<1x64xi32, #tpu.memory_space<vmem>> -> memref<1x64xi32, #tpu.memory_space<vmem>>
        %dma_wait3A_445 = tpu.memref_squeeze %dma_wait3A_444 : memref<1x64xi32, #tpu.memory_space<vmem>> -> memref<64xi32, #tpu.memory_space<vmem>>
        %dma_wait3A_446 = arith.constant 0 : i32
        %dma_wait3A_447 = arith.constant 0 : i32
        %dma_wait3A_448 = tpu.memref_slice %arg16[%dma_wait3A_446, %dma_wait3A_447] : memref<10112x128xf32, #tpu.memory_space<vmem_shared>> -> memref<10112x128xf32, #tpu.memory_space<vmem_shared>>
        tpu.wait_indirect_dma semaphore(%run_scoped3A_430 : memref<!tpu.dma_semaphore, #tpu.memory_space<semaphore_mem>>) src(%dma_wait3A_442 : memref<64x128xf32, #tpu.memory_space<vmem>>) dst(%dma_wait3A_448 : memref<10112x128xf32, #tpu.memory_space<vmem_shared>>)
        tpu.yield
      }) : () -> ()
      %lt3A_412 = arith.constant 79 : i32
      %lt3A_413 = arith.cmpi slt, %scan3A_255, %lt3A_412 : i32
      %convert_element_type3A_414 = arith.extui %lt3A_413 : i1 to i32
      %cond3A_415 = arith.constant 0 : i32
      %cond3A_416 = arith.cmpi ne, %convert_element_type3A_414, %cond3A_415 : i32
      scf.if %cond3A_416 {
        %dma_wait3A_430 = arith.constant 0 : i32
        %dma_wait3A_431 = arith.constant 0 : i32
        %dma_wait3A_432 = tpu.memref_slice %arg6[%dma_wait3A_430, %dma_wait3A_431] : memref<1x128xi32, #tpu.memory_space<vmem>> -> memref<1x128xi32, #tpu.memory_space<vmem>>
        %dma_wait3A_433 = tpu.memref_squeeze %dma_wait3A_432 : memref<1x128xi32, #tpu.memory_space<vmem>> -> memref<128xi32, #tpu.memory_space<vmem>>
        %dma_wait3A_434 = arith.constant 0 : i32
        %dma_wait3A_435 = tpu.memref_slice %arg2[%dma_wait3A_434] : memref<327680xi32, #tpu.memory_space<hbm>> -> memref<128xi32, #tpu.memory_space<hbm>>
        %dma_wait3A_436 = arith.constant 0 : i32
        %dma_wait3A_437 = tpu.memref_slice %arg6[%dma_wait3A_430, %dma_wait3A_436] : memref<1x128xi32, #tpu.memory_space<vmem>> -> memref<1x128xi32, #tpu.memory_space<vmem>>
        %dma_wait3A_438 = tpu.memref_squeeze %dma_wait3A_437 : memref<1x128xi32, #tpu.memory_space<vmem>> -> memref<128xi32, #tpu.memory_space<vmem>>
        %dma_wait3A_439 = arith.constant 0 : i32
        %dma_wait3A_440 = tpu.memref_slice %arg2[%dma_wait3A_439] : memref<327680xi32, #tpu.memory_space<hbm>> -> memref<128xi32, #tpu.memory_space<hbm>>
        tpu.wait_dma2 semaphore(%arg19 : memref<!tpu.dma_semaphore, #tpu.memory_space<semaphore_mem>>) src(%dma_wait3A_440 : memref<128xi32, #tpu.memory_space<hbm>>) dst(%dma_wait3A_438 : memref<128xi32, #tpu.memory_space<vmem>>)
        %add3A_441 = arith.constant 2 : i32
        %add3A_442 = arith.addi %mul3A_257, %add3A_441 : i32
        %mul3A_443 = arith.constant 160 : i32
        %mul3A_444 = arith.muli %arg1, %mul3A_443 : i32
        %add3A_445 = arith.addi %mul3A_444, %add3A_442 : i32
        %get3A_446 = arith.constant 0 : i32
        %get3A_447 = arith.index_cast %get3A_446 : i32 to index
        %get3A_448 = arith.constant 0 : index
        %get3A_449 = tpu.vector_load %arg6[%get3A_447, %get3A_448] {strides = array<i32>} : memref<1x128xi32, #tpu.memory_space<vmem>>, vector<1x16xi32>,
        %get3A_450 = vector.shape_cast %get3A_449 : vector<1x16xi32> to vector<16xi32>
        %add3A_451 = vector.broadcast %mul3A_21 : i32 to vector<16xi32>
        %add3A_452 = arith.addi %get3A_450, %add3A_451 : vector<16xi32>
        %swap3A_453 = arith.constant 0 : index
        %swap3A_454 = tpu.vector_load %arg10[%swap3A_453] {strides = array<i32>} : memref<128xi32, #tpu.memory_space<vmem>>, vector<16xi32>,
        %swap3A_455 = vector.shape_cast %swap3A_454 : vector<16xi32> to vector<16xi32>
        %swap3A_456 = vector.shape_cast %add3A_452 : vector<16xi32> to vector<16xi32>
        tpu.vector_store %arg10[%swap3A_453], %swap3A_456 {strides = array<i32>} : memref<128xi32, #tpu.memory_space<vmem>>, vector<16xi32>,
        %get3A_457 = arith.constant 0 : i32
        %get3A_458 = arith.index_cast %get3A_457 : i32 to index
        %get3A_459 = arith.constant 16 : index
        %get3A_460 = tpu.vector_load %arg6[%get3A_458, %get3A_459] {strides = array<i32>} : memref<1x128xi32, #tpu.memory_space<vmem>>, vector<1x16xi32>,
        %get3A_461 = vector.shape_cast %get3A_460 : vector<1x16xi32> to vector<16xi32>
        %add3A_462 = vector.broadcast %mul3A_21 : i32 to vector<16xi32>
        %add3A_463 = arith.addi %get3A_461, %add3A_462 : vector<16xi32>
        %swap3A_464 = arith.constant 16 : index
        %swap3A_465 = tpu.vector_load %arg10[%swap3A_464] {strides = array<i32>} : memref<128xi32, #tpu.memory_space<vmem>>, vector<16xi32>,
        %swap3A_466 = vector.shape_cast %swap3A_465 : vector<16xi32> to vector<16xi32>
        %swap3A_467 = vector.shape_cast %add3A_463 : vector<16xi32> to vector<16xi32>
        tpu.vector_store %arg10[%swap3A_464], %swap3A_467 {strides = array<i32>} : memref<128xi32, #tpu.memory_space<vmem>>, vector<16xi32>,
        %get3A_468 = arith.constant 0 : i32
        %get3A_469 = arith.index_cast %get3A_468 : i32 to index
        %get3A_470 = arith.constant 32 : index
        %get3A_471 = tpu.vector_load %arg6[%get3A_469, %get3A_470] {strides = array<i32>} : memref<1x128xi32, #tpu.memory_space<vmem>>, vector<1x16xi32>,
        %get3A_472 = vector.shape_cast %get3A_471 : vector<1x16xi32> to vector<16xi32>
        %add3A_473 = vector.broadcast %mul3A_21 : i32 to vector<16xi32>
        %add3A_474 = arith.addi %get3A_472, %add3A_473 : vector<16xi32>
        %swap3A_475 = arith.constant 32 : index
        %swap3A_476 = tpu.vector_load %arg10[%swap3A_475] {strides = array<i32>} : memref<128xi32, #tpu.memory_space<vmem>>, vector<16xi32>,
        %swap3A_477 = vector.shape_cast %swap3A_476 : vector<16xi32> to vector<16xi32>
        %swap3A_478 = vector.shape_cast %add3A_474 : vector<16xi32> to vector<16xi32>
        tpu.vector_store %arg10[%swap3A_475], %swap3A_478 {strides = array<i32>} : memref<128xi32, #tpu.memory_space<vmem>>, vector<16xi32>,
        %get3A_479 = arith.constant 0 : i32
        %get3A_480 = arith.index_cast %get3A_479 : i32 to index
        %get3A_481 = arith.constant 48 : index
        %get3A_482 = tpu.vector_load %arg6[%get3A_480, %get3A_481] {strides = array<i32>} : memref<1x128xi32, #tpu.memory_space<vmem>>, vector<1x16xi32>,
        %get3A_483 = vector.shape_cast %get3A_482 : vector<1x16xi32> to vector<16xi32>
        %add3A_484 = vector.broadcast %mul3A_21 : i32 to vector<16xi32>
        %add3A_485 = arith.addi %get3A_483, %add3A_484 : vector<16xi32>
        %swap3A_486 = arith.constant 48 : index
        %swap3A_487 = tpu.vector_load %arg10[%swap3A_486] {strides = array<i32>} : memref<128xi32, #tpu.memory_space<vmem>>, vector<16xi32>,
        %swap3A_488 = vector.shape_cast %swap3A_487 : vector<16xi32> to vector<16xi32>
        %swap3A_489 = vector.shape_cast %add3A_485 : vector<16xi32> to vector<16xi32>
        tpu.vector_store %arg10[%swap3A_486], %swap3A_489 {strides = array<i32>} : memref<128xi32, #tpu.memory_space<vmem>>, vector<16xi32>,
        %get3A_490 = arith.constant 0 : i32
        %get3A_491 = arith.index_cast %get3A_490 : i32 to index
        %get3A_492 = arith.constant 64 : index
        %get3A_493 = tpu.vector_load %arg6[%get3A_491, %get3A_492] {strides = array<i32>} : memref<1x128xi32, #tpu.memory_space<vmem>>, vector<1x16xi32>,
        %get3A_494 = vector.shape_cast %get3A_493 : vector<1x16xi32> to vector<16xi32>
        %add3A_495 = vector.broadcast %add3A_25 : i32 to vector<16xi32>
        %add3A_496 = arith.addi %get3A_494, %add3A_495 : vector<16xi32>
        %swap3A_497 = arith.constant 64 : index
        %swap3A_498 = tpu.vector_load %arg10[%swap3A_497] {strides = array<i32>} : memref<128xi32, #tpu.memory_space<vmem>>, vector<16xi32>,
        %swap3A_499 = vector.shape_cast %swap3A_498 : vector<16xi32> to vector<16xi32>
        %swap3A_500 = vector.shape_cast %add3A_496 : vector<16xi32> to vector<16xi32>
        tpu.vector_store %arg10[%swap3A_497], %swap3A_500 {strides = array<i32>} : memref<128xi32, #tpu.memory_space<vmem>>, vector<16xi32>,
        %swap3A_501 = arith.constant 0 : i32
        %swap3A_502 = arith.index_cast %swap3A_501 : i32 to index
        %swap3A_503 = arith.constant 0 : index
        %swap3A_504 = tpu.vector_load %arg8[%swap3A_502, %swap3A_503] {strides = array<i32>} : memref<1x64xi32, #tpu.memory_space<vmem>>, vector<1x16xi32>,
        %swap3A_505 = vector.shape_cast %swap3A_504 : vector<1x16xi32> to vector<16xi32>
        %swap3A_506 = vector.shape_cast %get3A_494 : vector<16xi32> to vector<1x16xi32>
        tpu.vector_store %arg8[%swap3A_502, %swap3A_503], %swap3A_506 {strides = array<i32>} : memref<1x64xi32, #tpu.memory_space<vmem>>, vector<1x16xi32>,
        %get3A_507 = arith.constant 0 : i32
        %get3A_508 = arith.index_cast %get3A_507 : i32 to index
        %get3A_509 = arith.constant 80 : index
        %get3A_510 = tpu.vector_load %arg6[%get3A_508, %get3A_509] {strides = array<i32>} : memref<1x128xi32, #tpu.memory_space<vmem>>, vector<1x16xi32>,
        %get3A_511 = vector.shape_cast %get3A_510 : vector<1x16xi32> to vector<16xi32>
        %add3A_512 = vector.broadcast %add3A_25 : i32 to vector<16xi32>
        %add3A_513 = arith.addi %get3A_511, %add3A_512 : vector<16xi32>
        %swap3A_514 = arith.constant 80 : index
        %swap3A_515 = tpu.vector_load %arg10[%swap3A_514] {strides = array<i32>} : memref<128xi32, #tpu.memory_space<vmem>>, vector<16xi32>,
        %swap3A_516 = vector.shape_cast %swap3A_515 : vector<16xi32> to vector<16xi32>
        %swap3A_517 = vector.shape_cast %add3A_513 : vector<16xi32> to vector<16xi32>
        tpu.vector_store %arg10[%swap3A_514], %swap3A_517 {strides = array<i32>} : memref<128xi32, #tpu.memory_space<vmem>>, vector<16xi32>,
        %swap3A_518 = arith.constant 0 : i32
        %swap3A_519 = arith.index_cast %swap3A_518 : i32 to index
        %swap3A_520 = arith.constant 16 : index
        %swap3A_521 = tpu.vector_load %arg8[%swap3A_519, %swap3A_520] {strides = array<i32>} : memref<1x64xi32, #tpu.memory_space<vmem>>, vector<1x16xi32>,
        %swap3A_522 = vector.shape_cast %swap3A_521 : vector<1x16xi32> to vector<16xi32>
        %swap3A_523 = vector.shape_cast %get3A_511 : vector<16xi32> to vector<1x16xi32>
        tpu.vector_store %arg8[%swap3A_519, %swap3A_520], %swap3A_523 {strides = array<i32>} : memref<1x64xi32, #tpu.memory_space<vmem>>, vector<1x16xi32>,
        %get3A_524 = arith.constant 0 : i32
        %get3A_525 = arith.index_cast %get3A_524 : i32 to index
        %get3A_526 = arith.constant 96 : index
        %get3A_527 = tpu.vector_load %arg6[%get3A_525, %get3A_526] {strides = array<i32>} : memref<1x128xi32, #tpu.memory_space<vmem>>, vector<1x16xi32>,
        %get3A_528 = vector.shape_cast %get3A_527 : vector<1x16xi32> to vector<16xi32>
        %add3A_529 = vector.broadcast %add3A_25 : i32 to vector<16xi32>
        %add3A_530 = arith.addi %get3A_528, %add3A_529 : vector<16xi32>
        %swap3A_531 = arith.constant 96 : index
        %swap3A_532 = tpu.vector_load %arg10[%swap3A_531] {strides = array<i32>} : memref<128xi32, #tpu.memory_space<vmem>>, vector<16xi32>,
        %swap3A_533 = vector.shape_cast %swap3A_532 : vector<16xi32> to vector<16xi32>
        %swap3A_534 = vector.shape_cast %add3A_530 : vector<16xi32> to vector<16xi32>
        tpu.vector_store %arg10[%swap3A_531], %swap3A_534 {strides = array<i32>} : memref<128xi32, #tpu.memory_space<vmem>>, vector<16xi32>,
        %swap3A_535 = arith.constant 0 : i32
        %swap3A_536 = arith.index_cast %swap3A_535 : i32 to index
        %swap3A_537 = arith.constant 32 : index
        %swap3A_538 = tpu.vector_load %arg8[%swap3A_536, %swap3A_537] {strides = array<i32>} : memref<1x64xi32, #tpu.memory_space<vmem>>, vector<1x16xi32>,
        %swap3A_539 = vector.shape_cast %swap3A_538 : vector<1x16xi32> to vector<16xi32>
        %swap3A_540 = vector.shape_cast %get3A_528 : vector<16xi32> to vector<1x16xi32>
        tpu.vector_store %arg8[%swap3A_536, %swap3A_537], %swap3A_540 {strides = array<i32>} : memref<1x64xi32, #tpu.memory_space<vmem>>, vector<1x16xi32>,
        %get3A_541 = arith.constant 0 : i32
        %get3A_542 = arith.index_cast %get3A_541 : i32 to index
        %get3A_543 = arith.constant 112 : index
        %get3A_544 = tpu.vector_load %arg6[%get3A_542, %get3A_543] {strides = array<i32>} : memref<1x128xi32, #tpu.memory_space<vmem>>, vector<1x16xi32>,
        %get3A_545 = vector.shape_cast %get3A_544 : vector<1x16xi32> to vector<16xi32>
        %add3A_546 = vector.broadcast %add3A_25 : i32 to vector<16xi32>
        %add3A_547 = arith.addi %get3A_545, %add3A_546 : vector<16xi32>
        %swap3A_548 = arith.constant 112 : index
        %swap3A_549 = tpu.vector_load %arg10[%swap3A_548] {strides = array<i32>} : memref<128xi32, #tpu.memory_space<vmem>>, vector<16xi32>,
        %swap3A_550 = vector.shape_cast %swap3A_549 : vector<16xi32> to vector<16xi32>
        %swap3A_551 = vector.shape_cast %add3A_547 : vector<16xi32> to vector<16xi32>
        tpu.vector_store %arg10[%swap3A_548], %swap3A_551 {strides = array<i32>} : memref<128xi32, #tpu.memory_space<vmem>>, vector<16xi32>,
        %swap3A_552 = arith.constant 0 : i32
        %swap3A_553 = arith.index_cast %swap3A_552 : i32 to index
        %swap3A_554 = arith.constant 48 : index
        %swap3A_555 = tpu.vector_load %arg8[%swap3A_553, %swap3A_554] {strides = array<i32>} : memref<1x64xi32, #tpu.memory_space<vmem>>, vector<1x16xi32>,
        %swap3A_556 = vector.shape_cast %swap3A_555 : vector<1x16xi32> to vector<16xi32>
        %swap3A_557 = vector.shape_cast %get3A_545 : vector<16xi32> to vector<1x16xi32>
        tpu.vector_store %arg8[%swap3A_553, %swap3A_554], %swap3A_557 {strides = array<i32>} : memref<1x64xi32, #tpu.memory_space<vmem>>, vector<1x16xi32>,
        %dma_start3A_558 = arith.constant 0 : i32
        %dma_start3A_559 = arith.constant 0 : i32
        %dma_start3A_560 = tpu.memref_slice %arg3[%dma_start3A_558, %dma_start3A_559] : memref<40000x128xf32, #tpu.memory_space<hbm>> -> memref<40000x128xf32, #tpu.memory_space<hbm>>
        tpu.enqueue_indirect_dma source(%dma_start3A_560 : memref<40000x128xf32, #tpu.memory_space<hbm>>) target(%arg12 : memref<128x128xf32, #tpu.memory_space<vmem>>) offsets(%arg10 : memref<128xi32, #tpu.memory_space<vmem>>) semaphore(%arg17 : memref<!tpu.dma_semaphore, #tpu.memory_space<semaphore_mem>>)
        %mul3A_561 = arith.constant 163840 : i32
        %mul3A_562 = arith.muli %arg0, %mul3A_561 : i32
        %mul3A_563 = arith.constant 64 : i32
        %mul3A_564 = arith.muli %add3A_445, %mul3A_563 : i32
        %add3A_565 = arith.addi %mul3A_562, %mul3A_564 : i32
        %dma_start3A_566 = arith.constant 0 : i32
        %dma_start3A_567 = tpu.memref_slice %arg4[%add3A_565, %dma_start3A_566] : memref<327680x128xf32, #tpu.memory_space<hbm>> -> memref<64x128xf32, #tpu.memory_space<hbm>>
        %dma_start3A_568 = arith.constant 0 : i32
        %dma_start3A_569 = tpu.memref_slice %arg4[%add3A_565, %dma_start3A_568] : memref<327680x128xf32, #tpu.memory_space<hbm>> -> memref<64x128xf32, #tpu.memory_space<hbm>>
        tpu.enqueue_dma source(%dma_start3A_569 : memref<64x128xf32, #tpu.memory_space<hbm>>) target(%arg14 : memref<64x128xf32, #tpu.memory_space<vmem>>) target_semaphore(%arg17 : memref<!tpu.dma_semaphore, #tpu.memory_space<semaphore_mem>>)
        %add3A_570 = arith.constant 3 : i32
        %add3A_571 = arith.addi %mul3A_257, %add3A_570 : i32
        %mul3A_572 = arith.constant 160 : i32
        %mul3A_573 = arith.muli %arg1, %mul3A_572 : i32
        %add3A_574 = arith.addi %mul3A_573, %add3A_571 : i32
        %mul3A_575 = arith.constant 2 : i32
        %mul3A_576 = arith.muli %add3A_574, %mul3A_575 : i32
        %mul3A_577 = arith.constant 64 : i32
        %mul3A_578 = arith.muli %mul3A_576, %mul3A_577 : i32
        %dma_start3A_579 = arith.constant 0 : i32
        %dma_start3A_580 = arith.constant 0 : i32
        %dma_start3A_581 = tpu.memref_slice %arg7[%dma_start3A_579, %dma_start3A_580] : memref<1x128xi32, #tpu.memory_space<vmem>> -> memref<1x128xi32, #tpu.memory_space<vmem>>
        %dma_start3A_582 = tpu.memref_squeeze %dma_start3A_581 : memref<1x128xi32, #tpu.memory_space<vmem>> -> memref<128xi32, #tpu.memory_space<vmem>>
        %dma_start3A_583 = tpu.memref_slice %arg2[%mul3A_578] : memref<327680xi32, #tpu.memory_space<hbm>> -> memref<128xi32, #tpu.memory_space<hbm>>
        %dma_start3A_584 = arith.constant 0 : i32
        %dma_start3A_585 = tpu.memref_slice %arg7[%dma_start3A_579, %dma_start3A_584] : memref<1x128xi32, #tpu.memory_space<vmem>> -> memref<1x128xi32, #tpu.memory_space<vmem>>
        %dma_start3A_586 = tpu.memref_squeeze %dma_start3A_585 : memref<1x128xi32, #tpu.memory_space<vmem>> -> memref<128xi32, #tpu.memory_space<vmem>>
        %dma_start3A_587 = tpu.memref_slice %arg2[%mul3A_578] : memref<327680xi32, #tpu.memory_space<hbm>> -> memref<128xi32, #tpu.memory_space<hbm>>
        tpu.enqueue_dma source(%dma_start3A_587 : memref<128xi32, #tpu.memory_space<hbm>>) target(%dma_start3A_586 : memref<128xi32, #tpu.memory_space<vmem>>) target_semaphore(%arg19 : memref<!tpu.dma_semaphore, #tpu.memory_space<semaphore_mem>>)
      } else {
      }
      %dma_wait3A_417 = arith.constant 0 : i32
      %dma_wait3A_418 = arith.constant 0 : i32
      %dma_wait3A_419 = tpu.memref_slice %arg3[%dma_wait3A_417, %dma_wait3A_418] : memref<40000x128xf32, #tpu.memory_space<hbm>> -> memref<40000x128xf32, #tpu.memory_space<hbm>>
      tpu.wait_indirect_dma semaphore(%arg18 : memref<!tpu.dma_semaphore, #tpu.memory_space<semaphore_mem>>) src(%dma_wait3A_419 : memref<40000x128xf32, #tpu.memory_space<hbm>>) dst(%arg13 : memref<128x128xf32, #tpu.memory_space<vmem>>)
      %dma_wait3A_420 = arith.constant 0 : i32
      %dma_wait3A_421 = arith.constant 0 : i32
      %dma_wait3A_422 = tpu.memref_slice %arg4[%dma_wait3A_420, %dma_wait3A_421] : memref<327680x128xf32, #tpu.memory_space<hbm>> -> memref<64x128xf32, #tpu.memory_space<hbm>>
      %dma_wait3A_423 = arith.constant 0 : i32
      %dma_wait3A_424 = arith.constant 0 : i32
      %dma_wait3A_425 = tpu.memref_slice %arg4[%dma_wait3A_423, %dma_wait3A_424] : memref<327680x128xf32, #tpu.memory_space<hbm>> -> memref<64x128xf32, #tpu.memory_space<hbm>>
      tpu.wait_dma2 semaphore(%arg18 : memref<!tpu.dma_semaphore, #tpu.memory_space<semaphore_mem>>) src(%dma_wait3A_425 : memref<64x128xf32, #tpu.memory_space<hbm>>) dst(%arg15 : memref<64x128xf32, #tpu.memory_space<vmem>>)
      %parallel_loop3A_426 = arith.constant 0 : i32
      %parallel_loop3A_427 = arith.constant 64 : i32
      %parallel_loop3A_428 = arith.constant 1 : i32
      scf.for %parallel_loop3A_430 = %parallel_loop3A_426 to %parallel_loop3A_427 step %parallel_loop3A_428  : i32 {
        %parallel_loop3A_431 = arith.index_cast %parallel_loop3A_430 : i32 to index
        %parallel_loop3A_432 = arith.constant 0 : index
        %parallel_loop3A_433 = tpu.vector_load %arg13[%parallel_loop3A_431, %parallel_loop3A_432] {strides = array<i32>} : memref<128x128xf32, #tpu.memory_space<vmem>>, vector<1x16xf32>,
        %parallel_loop3A_434 = vector.shape_cast %parallel_loop3A_433 : vector<1x16xf32> to vector<16xf32>
        %parallel_loop3A_435 = arith.constant 64 : i32
        %parallel_loop3A_436 = arith.addi %parallel_loop3A_435, %parallel_loop3A_430 : i32
        %parallel_loop3A_437 = arith.index_cast %parallel_loop3A_436 : i32 to index
        %parallel_loop3A_438 = arith.constant 0 : index
        %parallel_loop3A_439 = tpu.vector_load %arg13[%parallel_loop3A_437, %parallel_loop3A_438] {strides = array<i32>} : memref<128x128xf32, #tpu.memory_space<vmem>>, vector<1x16xf32>,
        %parallel_loop3A_440 = vector.shape_cast %parallel_loop3A_439 : vector<1x16xf32> to vector<16xf32>
        %parallel_loop3A_441 = arith.addf %parallel_loop3A_434, %parallel_loop3A_440 : vector<16xf32>
        %parallel_loop3A_442 = arith.index_cast %parallel_loop3A_430 : i32 to index
        %parallel_loop3A_443 = arith.constant 0 : index
        %parallel_loop3A_444 = tpu.vector_load %arg15[%parallel_loop3A_442, %parallel_loop3A_443] {strides = array<i32>} : memref<64x128xf32, #tpu.memory_space<vmem>>, vector<1x16xf32>,
        %parallel_loop3A_445 = vector.shape_cast %parallel_loop3A_444 : vector<1x16xf32> to vector<16xf32>
        %parallel_loop3A_446 = arith.addf %parallel_loop3A_441, %parallel_loop3A_445 : vector<16xf32>
        %parallel_loop3A_447 = math.exp %parallel_loop3A_446 : vector<16xf32>
        %parallel_loop3A_448 = arith.constant 1.000000e+00 : f32
        %parallel_loop3A_449 = vector.broadcast %parallel_loop3A_448 : f32 to vector<16xf32>
        %parallel_loop3A_450 = arith.addf %parallel_loop3A_449, %parallel_loop3A_447 : vector<16xf32>
        %parallel_loop3A_451 = arith.divf %parallel_loop3A_446, %parallel_loop3A_450 : vector<16xf32>
        %parallel_loop3A_452 = arith.subf %parallel_loop3A_446, %parallel_loop3A_451 : vector<16xf32>
        %parallel_loop3A_453 = arith.index_cast %parallel_loop3A_430 : i32 to index
        %parallel_loop3A_454 = arith.constant 0 : index
        %parallel_loop3A_455 = tpu.vector_load %arg13[%parallel_loop3A_453, %parallel_loop3A_454] {strides = array<i32>} : memref<128x128xf32, #tpu.memory_space<vmem>>, vector<1x16xf32>,
        %parallel_loop3A_456 = vector.shape_cast %parallel_loop3A_455 : vector<1x16xf32> to vector<16xf32>
        %parallel_loop3A_457 = vector.shape_cast %parallel_loop3A_452 : vector<16xf32> to vector<1x16xf32>
        tpu.vector_store %arg13[%parallel_loop3A_453, %parallel_loop3A_454], %parallel_loop3A_457 {strides = array<i32>} : memref<128x128xf32, #tpu.memory_space<vmem>>, vector<1x16xf32>,
        %parallel_loop3A_458 = arith.index_cast %parallel_loop3A_430 : i32 to index
        %parallel_loop3A_459 = arith.constant 16 : index
        %parallel_loop3A_460 = tpu.vector_load %arg13[%parallel_loop3A_458, %parallel_loop3A_459] {strides = array<i32>} : memref<128x128xf32, #tpu.memory_space<vmem>>, vector<1x16xf32>,
        %parallel_loop3A_461 = vector.shape_cast %parallel_loop3A_460 : vector<1x16xf32> to vector<16xf32>
        %parallel_loop3A_462 = arith.constant 64 : i32
        %parallel_loop3A_463 = arith.addi %parallel_loop3A_462, %parallel_loop3A_430 : i32
        %parallel_loop3A_464 = arith.index_cast %parallel_loop3A_463 : i32 to index
        %parallel_loop3A_465 = arith.constant 16 : index
        %parallel_loop3A_466 = tpu.vector_load %arg13[%parallel_loop3A_464, %parallel_loop3A_465] {strides = array<i32>} : memref<128x128xf32, #tpu.memory_space<vmem>>, vector<1x16xf32>,
        %parallel_loop3A_467 = vector.shape_cast %parallel_loop3A_466 : vector<1x16xf32> to vector<16xf32>
        %parallel_loop3A_468 = arith.addf %parallel_loop3A_461, %parallel_loop3A_467 : vector<16xf32>
        %parallel_loop3A_469 = arith.index_cast %parallel_loop3A_430 : i32 to index
        %parallel_loop3A_470 = arith.constant 16 : index
        %parallel_loop3A_471 = tpu.vector_load %arg15[%parallel_loop3A_469, %parallel_loop3A_470] {strides = array<i32>} : memref<64x128xf32, #tpu.memory_space<vmem>>, vector<1x16xf32>,
        %parallel_loop3A_472 = vector.shape_cast %parallel_loop3A_471 : vector<1x16xf32> to vector<16xf32>
        %parallel_loop3A_473 = arith.addf %parallel_loop3A_468, %parallel_loop3A_472 : vector<16xf32>
        %parallel_loop3A_474 = math.exp %parallel_loop3A_473 : vector<16xf32>
        %parallel_loop3A_475 = arith.constant 1.000000e+00 : f32
        %parallel_loop3A_476 = vector.broadcast %parallel_loop3A_475 : f32 to vector<16xf32>
        %parallel_loop3A_477 = arith.addf %parallel_loop3A_476, %parallel_loop3A_474 : vector<16xf32>
        %parallel_loop3A_478 = arith.divf %parallel_loop3A_473, %parallel_loop3A_477 : vector<16xf32>
        %parallel_loop3A_479 = arith.subf %parallel_loop3A_473, %parallel_loop3A_478 : vector<16xf32>
        %parallel_loop3A_480 = arith.index_cast %parallel_loop3A_430 : i32 to index
        %parallel_loop3A_481 = arith.constant 16 : index
        %parallel_loop3A_482 = tpu.vector_load %arg13[%parallel_loop3A_480, %parallel_loop3A_481] {strides = array<i32>} : memref<128x128xf32, #tpu.memory_space<vmem>>, vector<1x16xf32>,
        %parallel_loop3A_483 = vector.shape_cast %parallel_loop3A_482 : vector<1x16xf32> to vector<16xf32>
        %parallel_loop3A_484 = vector.shape_cast %parallel_loop3A_479 : vector<16xf32> to vector<1x16xf32>
        tpu.vector_store %arg13[%parallel_loop3A_480, %parallel_loop3A_481], %parallel_loop3A_484 {strides = array<i32>} : memref<128x128xf32, #tpu.memory_space<vmem>>, vector<1x16xf32>,
        %parallel_loop3A_485 = arith.index_cast %parallel_loop3A_430 : i32 to index
        %parallel_loop3A_486 = arith.constant 32 : index
        %parallel_loop3A_487 = tpu.vector_load %arg13[%parallel_loop3A_485, %parallel_loop3A_486] {strides = array<i32>} : memref<128x128xf32, #tpu.memory_space<vmem>>, vector<1x16xf32>,
        %parallel_loop3A_488 = vector.shape_cast %parallel_loop3A_487 : vector<1x16xf32> to vector<16xf32>
        %parallel_loop3A_489 = arith.constant 64 : i32
        %parallel_loop3A_490 = arith.addi %parallel_loop3A_489, %parallel_loop3A_430 : i32
        %parallel_loop3A_491 = arith.index_cast %parallel_loop3A_490 : i32 to index
        %parallel_loop3A_492 = arith.constant 32 : index
        %parallel_loop3A_493 = tpu.vector_load %arg13[%parallel_loop3A_491, %parallel_loop3A_492] {strides = array<i32>} : memref<128x128xf32, #tpu.memory_space<vmem>>, vector<1x16xf32>,
        %parallel_loop3A_494 = vector.shape_cast %parallel_loop3A_493 : vector<1x16xf32> to vector<16xf32>
        %parallel_loop3A_495 = arith.addf %parallel_loop3A_488, %parallel_loop3A_494 : vector<16xf32>
        %parallel_loop3A_496 = arith.index_cast %parallel_loop3A_430 : i32 to index
        %parallel_loop3A_497 = arith.constant 32 : index
        %parallel_loop3A_498 = tpu.vector_load %arg15[%parallel_loop3A_496, %parallel_loop3A_497] {strides = array<i32>} : memref<64x128xf32, #tpu.memory_space<vmem>>, vector<1x16xf32>,
        %parallel_loop3A_499 = vector.shape_cast %parallel_loop3A_498 : vector<1x16xf32> to vector<16xf32>
        %parallel_loop3A_500 = arith.addf %parallel_loop3A_495, %parallel_loop3A_499 : vector<16xf32>
        %parallel_loop3A_501 = math.exp %parallel_loop3A_500 : vector<16xf32>
        %parallel_loop3A_502 = arith.constant 1.000000e+00 : f32
        %parallel_loop3A_503 = vector.broadcast %parallel_loop3A_502 : f32 to vector<16xf32>
        %parallel_loop3A_504 = arith.addf %parallel_loop3A_503, %parallel_loop3A_501 : vector<16xf32>
        %parallel_loop3A_505 = arith.divf %parallel_loop3A_500, %parallel_loop3A_504 : vector<16xf32>
        %parallel_loop3A_506 = arith.subf %parallel_loop3A_500, %parallel_loop3A_505 : vector<16xf32>
        %parallel_loop3A_507 = arith.index_cast %parallel_loop3A_430 : i32 to index
        %parallel_loop3A_508 = arith.constant 32 : index
        %parallel_loop3A_509 = tpu.vector_load %arg13[%parallel_loop3A_507, %parallel_loop3A_508] {strides = array<i32>} : memref<128x128xf32, #tpu.memory_space<vmem>>, vector<1x16xf32>,
        %parallel_loop3A_510 = vector.shape_cast %parallel_loop3A_509 : vector<1x16xf32> to vector<16xf32>
        %parallel_loop3A_511 = vector.shape_cast %parallel_loop3A_506 : vector<16xf32> to vector<1x16xf32>
        tpu.vector_store %arg13[%parallel_loop3A_507, %parallel_loop3A_508], %parallel_loop3A_511 {strides = array<i32>} : memref<128x128xf32, #tpu.memory_space<vmem>>, vector<1x16xf32>,
        %parallel_loop3A_512 = arith.index_cast %parallel_loop3A_430 : i32 to index
        %parallel_loop3A_513 = arith.constant 48 : index
        %parallel_loop3A_514 = tpu.vector_load %arg13[%parallel_loop3A_512, %parallel_loop3A_513] {strides = array<i32>} : memref<128x128xf32, #tpu.memory_space<vmem>>, vector<1x16xf32>,
        %parallel_loop3A_515 = vector.shape_cast %parallel_loop3A_514 : vector<1x16xf32> to vector<16xf32>
        %parallel_loop3A_516 = arith.constant 64 : i32
        %parallel_loop3A_517 = arith.addi %parallel_loop3A_516, %parallel_loop3A_430 : i32
        %parallel_loop3A_518 = arith.index_cast %parallel_loop3A_517 : i32 to index
        %parallel_loop3A_519 = arith.constant 48 : index
        %parallel_loop3A_520 = tpu.vector_load %arg13[%parallel_loop3A_518, %parallel_loop3A_519] {strides = array<i32>} : memref<128x128xf32, #tpu.memory_space<vmem>>, vector<1x16xf32>,
        %parallel_loop3A_521 = vector.shape_cast %parallel_loop3A_520 : vector<1x16xf32> to vector<16xf32>
        %parallel_loop3A_522 = arith.addf %parallel_loop3A_515, %parallel_loop3A_521 : vector<16xf32>
        %parallel_loop3A_523 = arith.index_cast %parallel_loop3A_430 : i32 to index
        %parallel_loop3A_524 = arith.constant 48 : index
        %parallel_loop3A_525 = tpu.vector_load %arg15[%parallel_loop3A_523, %parallel_loop3A_524] {strides = array<i32>} : memref<64x128xf32, #tpu.memory_space<vmem>>, vector<1x16xf32>,
        %parallel_loop3A_526 = vector.shape_cast %parallel_loop3A_525 : vector<1x16xf32> to vector<16xf32>
        %parallel_loop3A_527 = arith.addf %parallel_loop3A_522, %parallel_loop3A_526 : vector<16xf32>
        %parallel_loop3A_528 = math.exp %parallel_loop3A_527 : vector<16xf32>
        %parallel_loop3A_529 = arith.constant 1.000000e+00 : f32
        %parallel_loop3A_530 = vector.broadcast %parallel_loop3A_529 : f32 to vector<16xf32>
        %parallel_loop3A_531 = arith.addf %parallel_loop3A_530, %parallel_loop3A_528 : vector<16xf32>
        %parallel_loop3A_532 = arith.divf %parallel_loop3A_527, %parallel_loop3A_531 : vector<16xf32>
        %parallel_loop3A_533 = arith.subf %parallel_loop3A_527, %parallel_loop3A_532 : vector<16xf32>
        %parallel_loop3A_534 = arith.index_cast %parallel_loop3A_430 : i32 to index
        %parallel_loop3A_535 = arith.constant 48 : index
        %parallel_loop3A_536 = tpu.vector_load %arg13[%parallel_loop3A_534, %parallel_loop3A_535] {strides = array<i32>} : memref<128x128xf32, #tpu.memory_space<vmem>>, vector<1x16xf32>,
        %parallel_loop3A_537 = vector.shape_cast %parallel_loop3A_536 : vector<1x16xf32> to vector<16xf32>
        %parallel_loop3A_538 = vector.shape_cast %parallel_loop3A_533 : vector<16xf32> to vector<1x16xf32>
        tpu.vector_store %arg13[%parallel_loop3A_534, %parallel_loop3A_535], %parallel_loop3A_538 {strides = array<i32>} : memref<128x128xf32, #tpu.memory_space<vmem>>, vector<1x16xf32>,
        %parallel_loop3A_539 = arith.index_cast %parallel_loop3A_430 : i32 to index
        %parallel_loop3A_540 = arith.constant 64 : index
        %parallel_loop3A_541 = tpu.vector_load %arg13[%parallel_loop3A_539, %parallel_loop3A_540] {strides = array<i32>} : memref<128x128xf32, #tpu.memory_space<vmem>>, vector<1x16xf32>,
        %parallel_loop3A_542 = vector.shape_cast %parallel_loop3A_541 : vector<1x16xf32> to vector<16xf32>
        %parallel_loop3A_543 = arith.constant 64 : i32
        %parallel_loop3A_544 = arith.addi %parallel_loop3A_543, %parallel_loop3A_430 : i32
        %parallel_loop3A_545 = arith.index_cast %parallel_loop3A_544 : i32 to index
        %parallel_loop3A_546 = arith.constant 64 : index
        %parallel_loop3A_547 = tpu.vector_load %arg13[%parallel_loop3A_545, %parallel_loop3A_546] {strides = array<i32>} : memref<128x128xf32, #tpu.memory_space<vmem>>, vector<1x16xf32>,
        %parallel_loop3A_548 = vector.shape_cast %parallel_loop3A_547 : vector<1x16xf32> to vector<16xf32>
        %parallel_loop3A_549 = arith.addf %parallel_loop3A_542, %parallel_loop3A_548 : vector<16xf32>
        %parallel_loop3A_550 = arith.index_cast %parallel_loop3A_430 : i32 to index
        %parallel_loop3A_551 = arith.constant 64 : index
        %parallel_loop3A_552 = tpu.vector_load %arg15[%parallel_loop3A_550, %parallel_loop3A_551] {strides = array<i32>} : memref<64x128xf32, #tpu.memory_space<vmem>>, vector<1x16xf32>,
        %parallel_loop3A_553 = vector.shape_cast %parallel_loop3A_552 : vector<1x16xf32> to vector<16xf32>
        %parallel_loop3A_554 = arith.addf %parallel_loop3A_549, %parallel_loop3A_553 : vector<16xf32>
        %parallel_loop3A_555 = math.exp %parallel_loop3A_554 : vector<16xf32>
        %parallel_loop3A_556 = arith.constant 1.000000e+00 : f32
        %parallel_loop3A_557 = vector.broadcast %parallel_loop3A_556 : f32 to vector<16xf32>
        %parallel_loop3A_558 = arith.addf %parallel_loop3A_557, %parallel_loop3A_555 : vector<16xf32>
        %parallel_loop3A_559 = arith.divf %parallel_loop3A_554, %parallel_loop3A_558 : vector<16xf32>
        %parallel_loop3A_560 = arith.subf %parallel_loop3A_554, %parallel_loop3A_559 : vector<16xf32>
        %parallel_loop3A_561 = arith.index_cast %parallel_loop3A_430 : i32 to index
        %parallel_loop3A_562 = arith.constant 64 : index
        %parallel_loop3A_563 = tpu.vector_load %arg13[%parallel_loop3A_561, %parallel_loop3A_562] {strides = array<i32>} : memref<128x128xf32, #tpu.memory_space<vmem>>, vector<1x16xf32>,
        %parallel_loop3A_564 = vector.shape_cast %parallel_loop3A_563 : vector<1x16xf32> to vector<16xf32>
        %parallel_loop3A_565 = vector.shape_cast %parallel_loop3A_560 : vector<16xf32> to vector<1x16xf32>
        tpu.vector_store %arg13[%parallel_loop3A_561, %parallel_loop3A_562], %parallel_loop3A_565 {strides = array<i32>} : memref<128x128xf32, #tpu.memory_space<vmem>>, vector<1x16xf32>,
        %parallel_loop3A_566 = arith.index_cast %parallel_loop3A_430 : i32 to index
        %parallel_loop3A_567 = arith.constant 80 : index
        %parallel_loop3A_568 = tpu.vector_load %arg13[%parallel_loop3A_566, %parallel_loop3A_567] {strides = array<i32>} : memref<128x128xf32, #tpu.memory_space<vmem>>, vector<1x16xf32>,
        %parallel_loop3A_569 = vector.shape_cast %parallel_loop3A_568 : vector<1x16xf32> to vector<16xf32>
        %parallel_loop3A_570 = arith.constant 64 : i32
        %parallel_loop3A_571 = arith.addi %parallel_loop3A_570, %parallel_loop3A_430 : i32
        %parallel_loop3A_572 = arith.index_cast %parallel_loop3A_571 : i32 to index
        %parallel_loop3A_573 = arith.constant 80 : index
        %parallel_loop3A_574 = tpu.vector_load %arg13[%parallel_loop3A_572, %parallel_loop3A_573] {strides = array<i32>} : memref<128x128xf32, #tpu.memory_space<vmem>>, vector<1x16xf32>,
        %parallel_loop3A_575 = vector.shape_cast %parallel_loop3A_574 : vector<1x16xf32> to vector<16xf32>
        %parallel_loop3A_576 = arith.addf %parallel_loop3A_569, %parallel_loop3A_575 : vector<16xf32>
        %parallel_loop3A_577 = arith.index_cast %parallel_loop3A_430 : i32 to index
        %parallel_loop3A_578 = arith.constant 80 : index
        %parallel_loop3A_579 = tpu.vector_load %arg15[%parallel_loop3A_577, %parallel_loop3A_578] {strides = array<i32>} : memref<64x128xf32, #tpu.memory_space<vmem>>, vector<1x16xf32>,
        %parallel_loop3A_580 = vector.shape_cast %parallel_loop3A_579 : vector<1x16xf32> to vector<16xf32>
        %parallel_loop3A_581 = arith.addf %parallel_loop3A_576, %parallel_loop3A_580 : vector<16xf32>
        %parallel_loop3A_582 = math.exp %parallel_loop3A_581 : vector<16xf32>
        %parallel_loop3A_583 = arith.constant 1.000000e+00 : f32
        %parallel_loop3A_584 = vector.broadcast %parallel_loop3A_583 : f32 to vector<16xf32>
        %parallel_loop3A_585 = arith.addf %parallel_loop3A_584, %parallel_loop3A_582 : vector<16xf32>
        %parallel_loop3A_586 = arith.divf %parallel_loop3A_581, %parallel_loop3A_585 : vector<16xf32>
        %parallel_loop3A_587 = arith.subf %parallel_loop3A_581, %parallel_loop3A_586 : vector<16xf32>
        %parallel_loop3A_588 = arith.index_cast %parallel_loop3A_430 : i32 to index
        %parallel_loop3A_589 = arith.constant 80 : index
        %parallel_loop3A_590 = tpu.vector_load %arg13[%parallel_loop3A_588, %parallel_loop3A_589] {strides = array<i32>} : memref<128x128xf32, #tpu.memory_space<vmem>>, vector<1x16xf32>,
        %parallel_loop3A_591 = vector.shape_cast %parallel_loop3A_590 : vector<1x16xf32> to vector<16xf32>
        %parallel_loop3A_592 = vector.shape_cast %parallel_loop3A_587 : vector<16xf32> to vector<1x16xf32>
        tpu.vector_store %arg13[%parallel_loop3A_588, %parallel_loop3A_589], %parallel_loop3A_592 {strides = array<i32>} : memref<128x128xf32, #tpu.memory_space<vmem>>, vector<1x16xf32>,
        %parallel_loop3A_593 = arith.index_cast %parallel_loop3A_430 : i32 to index
        %parallel_loop3A_594 = arith.constant 96 : index
        %parallel_loop3A_595 = tpu.vector_load %arg13[%parallel_loop3A_593, %parallel_loop3A_594] {strides = array<i32>} : memref<128x128xf32, #tpu.memory_space<vmem>>, vector<1x16xf32>,
        %parallel_loop3A_596 = vector.shape_cast %parallel_loop3A_595 : vector<1x16xf32> to vector<16xf32>
        %parallel_loop3A_597 = arith.constant 64 : i32
        %parallel_loop3A_598 = arith.addi %parallel_loop3A_597, %parallel_loop3A_430 : i32
        %parallel_loop3A_599 = arith.index_cast %parallel_loop3A_598 : i32 to index
        %parallel_loop3A_600 = arith.constant 96 : index
        %parallel_loop3A_601 = tpu.vector_load %arg13[%parallel_loop3A_599, %parallel_loop3A_600] {strides = array<i32>} : memref<128x128xf32, #tpu.memory_space<vmem>>, vector<1x16xf32>,
        %parallel_loop3A_602 = vector.shape_cast %parallel_loop3A_601 : vector<1x16xf32> to vector<16xf32>
        %parallel_loop3A_603 = arith.addf %parallel_loop3A_596, %parallel_loop3A_602 : vector<16xf32>
        %parallel_loop3A_604 = arith.index_cast %parallel_loop3A_430 : i32 to index
        %parallel_loop3A_605 = arith.constant 96 : index
        %parallel_loop3A_606 = tpu.vector_load %arg15[%parallel_loop3A_604, %parallel_loop3A_605] {strides = array<i32>} : memref<64x128xf32, #tpu.memory_space<vmem>>, vector<1x16xf32>,
        %parallel_loop3A_607 = vector.shape_cast %parallel_loop3A_606 : vector<1x16xf32> to vector<16xf32>
        %parallel_loop3A_608 = arith.addf %parallel_loop3A_603, %parallel_loop3A_607 : vector<16xf32>
        %parallel_loop3A_609 = math.exp %parallel_loop3A_608 : vector<16xf32>
        %parallel_loop3A_610 = arith.constant 1.000000e+00 : f32
        %parallel_loop3A_611 = vector.broadcast %parallel_loop3A_610 : f32 to vector<16xf32>
        %parallel_loop3A_612 = arith.addf %parallel_loop3A_611, %parallel_loop3A_609 : vector<16xf32>
        %parallel_loop3A_613 = arith.divf %parallel_loop3A_608, %parallel_loop3A_612 : vector<16xf32>
        %parallel_loop3A_614 = arith.subf %parallel_loop3A_608, %parallel_loop3A_613 : vector<16xf32>
        %parallel_loop3A_615 = arith.index_cast %parallel_loop3A_430 : i32 to index
        %parallel_loop3A_616 = arith.constant 96 : index
        %parallel_loop3A_617 = tpu.vector_load %arg13[%parallel_loop3A_615, %parallel_loop3A_616] {strides = array<i32>} : memref<128x128xf32, #tpu.memory_space<vmem>>, vector<1x16xf32>,
        %parallel_loop3A_618 = vector.shape_cast %parallel_loop3A_617 : vector<1x16xf32> to vector<16xf32>
        %parallel_loop3A_619 = vector.shape_cast %parallel_loop3A_614 : vector<16xf32> to vector<1x16xf32>
        tpu.vector_store %arg13[%parallel_loop3A_615, %parallel_loop3A_616], %parallel_loop3A_619 {strides = array<i32>} : memref<128x128xf32, #tpu.memory_space<vmem>>, vector<1x16xf32>,
        %parallel_loop3A_620 = arith.index_cast %parallel_loop3A_430 : i32 to index
        %parallel_loop3A_621 = arith.constant 112 : index
        %parallel_loop3A_622 = tpu.vector_load %arg13[%parallel_loop3A_620, %parallel_loop3A_621] {strides = array<i32>} : memref<128x128xf32, #tpu.memory_space<vmem>>, vector<1x16xf32>,
        %parallel_loop3A_623 = vector.shape_cast %parallel_loop3A_622 : vector<1x16xf32> to vector<16xf32>
        %parallel_loop3A_624 = arith.constant 64 : i32
        %parallel_loop3A_625 = arith.addi %parallel_loop3A_624, %parallel_loop3A_430 : i32
        %parallel_loop3A_626 = arith.index_cast %parallel_loop3A_625 : i32 to index
        %parallel_loop3A_627 = arith.constant 112 : index
        %parallel_loop3A_628 = tpu.vector_load %arg13[%parallel_loop3A_626, %parallel_loop3A_627] {strides = array<i32>} : memref<128x128xf32, #tpu.memory_space<vmem>>, vector<1x16xf32>,
        %parallel_loop3A_629 = vector.shape_cast %parallel_loop3A_628 : vector<1x16xf32> to vector<16xf32>
        %parallel_loop3A_630 = arith.addf %parallel_loop3A_623, %parallel_loop3A_629 : vector<16xf32>
        %parallel_loop3A_631 = arith.index_cast %parallel_loop3A_430 : i32 to index
        %parallel_loop3A_632 = arith.constant 112 : index
        %parallel_loop3A_633 = tpu.vector_load %arg15[%parallel_loop3A_631, %parallel_loop3A_632] {strides = array<i32>} : memref<64x128xf32, #tpu.memory_space<vmem>>, vector<1x16xf32>,
        %parallel_loop3A_634 = vector.shape_cast %parallel_loop3A_633 : vector<1x16xf32> to vector<16xf32>
        %parallel_loop3A_635 = arith.addf %parallel_loop3A_630, %parallel_loop3A_634 : vector<16xf32>
        %parallel_loop3A_636 = math.exp %parallel_loop3A_635 : vector<16xf32>
        %parallel_loop3A_637 = arith.constant 1.000000e+00 : f32
        %parallel_loop3A_638 = vector.broadcast %parallel_loop3A_637 : f32 to vector<16xf32>
        %parallel_loop3A_639 = arith.addf %parallel_loop3A_638, %parallel_loop3A_636 : vector<16xf32>
        %parallel_loop3A_640 = arith.divf %parallel_loop3A_635, %parallel_loop3A_639 : vector<16xf32>
        %parallel_loop3A_641 = arith.subf %parallel_loop3A_635, %parallel_loop3A_640 : vector<16xf32>
        %parallel_loop3A_642 = arith.index_cast %parallel_loop3A_430 : i32 to index
        %parallel_loop3A_643 = arith.constant 112 : index
        %parallel_loop3A_644 = tpu.vector_load %arg13[%parallel_loop3A_642, %parallel_loop3A_643] {strides = array<i32>} : memref<128x128xf32, #tpu.memory_space<vmem>>, vector<1x16xf32>,
        %parallel_loop3A_645 = vector.shape_cast %parallel_loop3A_644 : vector<1x16xf32> to vector<16xf32>
        %parallel_loop3A_646 = vector.shape_cast %parallel_loop3A_641 : vector<16xf32> to vector<1x16xf32>
        tpu.vector_store %arg13[%parallel_loop3A_642, %parallel_loop3A_643], %parallel_loop3A_646 {strides = array<i32>} : memref<128x128xf32, #tpu.memory_space<vmem>>, vector<1x16xf32>,
      } {sc.loop_unroll_factor = 1 : i64, sc.parallel_access}
      %run_scoped3A_429 = arith.constant 0 : i32
      "tpu.region"() ({
        %run_scoped3A_430 = tpu.sem_alloc : memref<!tpu.dma_semaphore, #tpu.memory_space<semaphore_mem>>
        %dma_start3A_431 = arith.constant 0 : i32
        %dma_start3A_432 = arith.constant 0 : i32
        %dma_start3A_433 = tpu.memref_slice %arg13[%dma_start3A_431, %dma_start3A_432] : memref<128x128xf32, #tpu.memory_space<vmem>> -> memref<64x128xf32, #tpu.memory_space<vmem>>
        %dma_start3A_434 = arith.constant 0 : i32
        %dma_start3A_435 = tpu.memref_slice %arg9[%run_scoped3A_429, %dma_start3A_434] : memref<1x64xi32, #tpu.memory_space<vmem>> -> memref<1x64xi32, #tpu.memory_space<vmem>>
        %dma_start3A_436 = tpu.memref_squeeze %dma_start3A_435 : memref<1x64xi32, #tpu.memory_space<vmem>> -> memref<64xi32, #tpu.memory_space<vmem>>
        %dma_start3A_437 = arith.constant 0 : i32
        %dma_start3A_438 = arith.constant 0 : i32
        %dma_start3A_439 = tpu.memref_slice %arg16[%dma_start3A_437, %dma_start3A_438] : memref<10112x128xf32, #tpu.memory_space<vmem_shared>> -> memref<10112x128xf32, #tpu.memory_space<vmem_shared>>
        tpu.enqueue_indirect_dma source(%dma_start3A_433 : memref<64x128xf32, #tpu.memory_space<vmem>>) target(%dma_start3A_439 : memref<10112x128xf32, #tpu.memory_space<vmem_shared>>) offsets(%dma_start3A_436 : memref<64xi32, #tpu.memory_space<vmem>>) semaphore(%run_scoped3A_430 : memref<!tpu.dma_semaphore, #tpu.memory_space<semaphore_mem>>) {add = true}
        %dma_wait3A_440 = arith.constant 0 : i32
        %dma_wait3A_441 = arith.constant 0 : i32
        %dma_wait3A_442 = tpu.memref_slice %arg13[%dma_wait3A_440, %dma_wait3A_441] : memref<128x128xf32, #tpu.memory_space<vmem>> -> memref<64x128xf32, #tpu.memory_space<vmem>>
        %dma_wait3A_443 = arith.constant 0 : i32
        %dma_wait3A_444 = tpu.memref_slice %arg9[%run_scoped3A_429, %dma_wait3A_443] : memref<1x64xi32, #tpu.memory_space<vmem>> -> memref<1x64xi32, #tpu.memory_space<vmem>>
        %dma_wait3A_445 = tpu.memref_squeeze %dma_wait3A_444 : memref<1x64xi32, #tpu.memory_space<vmem>> -> memref<64xi32, #tpu.memory_space<vmem>>
        %dma_wait3A_446 = arith.constant 0 : i32
        %dma_wait3A_447 = arith.constant 0 : i32
        %dma_wait3A_448 = tpu.memref_slice %arg16[%dma_wait3A_446, %dma_wait3A_447] : memref<10112x128xf32, #tpu.memory_space<vmem_shared>> -> memref<10112x128xf32, #tpu.memory_space<vmem_shared>>
        tpu.wait_indirect_dma semaphore(%run_scoped3A_430 : memref<!tpu.dma_semaphore, #tpu.memory_space<semaphore_mem>>) src(%dma_wait3A_442 : memref<64x128xf32, #tpu.memory_space<vmem>>) dst(%dma_wait3A_448 : memref<10112x128xf32, #tpu.memory_space<vmem_shared>>)
        tpu.yield
      }) : () -> ()
    }
    %scan3A_198 = arith.constant 80 : i32
    %barrier3A_199 = arith.constant 0 : index
    tpu.barrier barrier_id(%barrier3A_199)
    %mul3A_200 = arith.constant 632 : i32
    %mul3A_201 = arith.muli %arg1, %mul3A_200 : i32
    %add3A_202 = arith.constant 0 : i32
    %add3A_203 = arith.addi %mul3A_201, %add3A_202 : i32
    "tpu.region"() ({
      %run_scoped3A = tpu.sem_alloc : memref<!tpu.dma_semaphore, #tpu.memory_space<semaphore_mem>>
      %dma_start3A_255 = arith.constant 0 : i32
      %dma_start3A_256 = tpu.memref_slice %arg16[%add3A_203, %dma_start3A_255] : memref<10112x128xf32, #tpu.memory_space<vmem_shared>> -> memref<128x128xf32, #tpu.memory_space<vmem_shared>>
      %dma_start3A_257 = arith.constant 0 : i32
      %dma_start3A_258 = tpu.memref_slice %arg16[%add3A_203, %dma_start3A_257] : memref<10112x128xf32, #tpu.memory_space<vmem_shared>> -> memref<128x128xf32, #tpu.memory_space<vmem_shared>>
      tpu.enqueue_dma source(%dma_start3A_258 : memref<128x128xf32, #tpu.memory_space<vmem_shared>>) target(%arg12 : memref<128x128xf32, #tpu.memory_space<vmem>>) target_semaphore(%run_scoped3A : memref<!tpu.dma_semaphore, #tpu.memory_space<semaphore_mem>>)
      %dma_wait3A_259 = arith.constant 0 : i32
      %dma_wait3A_260 = tpu.memref_slice %arg16[%add3A_203, %dma_wait3A_259] : memref<10112x128xf32, #tpu.memory_space<vmem_shared>> -> memref<128x128xf32, #tpu.memory_space<vmem_shared>>
      %dma_wait3A_261 = arith.constant 0 : i32
      %dma_wait3A_262 = tpu.memref_slice %arg16[%add3A_203, %dma_wait3A_261] : memref<10112x128xf32, #tpu.memory_space<vmem_shared>> -> memref<128x128xf32, #tpu.memory_space<vmem_shared>>
      tpu.wait_dma2 semaphore(%run_scoped3A : memref<!tpu.dma_semaphore, #tpu.memory_space<semaphore_mem>>) src(%dma_wait3A_262 : memref<128x128xf32, #tpu.memory_space<vmem_shared>>) dst(%arg12 : memref<128x128xf32, #tpu.memory_space<vmem>>)
      tpu.yield
    }) : () -> ()
    %mul3A_204 = arith.constant 10112 : i32
    %mul3A_205 = arith.muli %arg0, %mul3A_204 : i32
    %mul3A_206 = arith.constant 632 : i32
    %mul3A_207 = arith.muli %arg1, %mul3A_206 : i32
    %add3A_208 = arith.addi %mul3A_205, %mul3A_207 : i32
    %add3A_209 = arith.constant 0 : i32
    %add3A_210 = arith.addi %add3A_208, %add3A_209 : i32
    "tpu.region"() ({
      %run_scoped3A = tpu.sem_alloc : memref<!tpu.dma_semaphore, #tpu.memory_space<semaphore_mem>>
      %dma_start3A_255 = arith.constant 0 : i32
      %dma_start3A_256 = tpu.memref_slice %arg5[%add3A_210, %dma_start3A_255] : memref<20224x128xf32, #tpu.memory_space<hbm>> -> memref<128x128xf32, #tpu.memory_space<hbm>>
      %dma_start3A_257 = arith.constant 0 : i32
      %dma_start3A_258 = tpu.memref_slice %arg5[%add3A_210, %dma_start3A_257] : memref<20224x128xf32, #tpu.memory_space<hbm>> -> memref<128x128xf32, #tpu.memory_space<hbm>>
      tpu.enqueue_dma source(%arg12 : memref<128x128xf32, #tpu.memory_space<vmem>>) target(%dma_start3A_258 : memref<128x128xf32, #tpu.memory_space<hbm>>) target_semaphore(%run_scoped3A : memref<!tpu.dma_semaphore, #tpu.memory_space<semaphore_mem>>)
      %dma_wait3A_259 = arith.constant 0 : i32
      %dma_wait3A_260 = tpu.memref_slice %arg5[%add3A_210, %dma_wait3A_259] : memref<20224x128xf32, #tpu.memory_space<hbm>> -> memref<128x128xf32, #tpu.memory_space<hbm>>
      %dma_wait3A_261 = arith.constant 0 : i32
      %dma_wait3A_262 = tpu.memref_slice %arg5[%add3A_210, %dma_wait3A_261] : memref<20224x128xf32, #tpu.memory_space<hbm>> -> memref<128x128xf32, #tpu.memory_space<hbm>>
      tpu.wait_dma2 semaphore(%run_scoped3A : memref<!tpu.dma_semaphore, #tpu.memory_space<semaphore_mem>>) src(%arg12 : memref<128x128xf32, #tpu.memory_space<vmem>>) dst(%dma_wait3A_262 : memref<128x128xf32, #tpu.memory_space<hbm>>)
      tpu.yield
    }) : () -> ()
    %mul3A_211 = arith.constant 632 : i32
    %mul3A_212 = arith.muli %arg1, %mul3A_211 : i32
    %add3A_213 = arith.constant 128 : i32
    %add3A_214 = arith.addi %mul3A_212, %add3A_213 : i32
    "tpu.region"() ({
      %run_scoped3A = tpu.sem_alloc : memref<!tpu.dma_semaphore, #tpu.memory_space<semaphore_mem>>
      %dma_start3A_255 = arith.constant 0 : i32
      %dma_start3A_256 = tpu.memref_slice %arg16[%add3A_214, %dma_start3A_255] : memref<10112x128xf32, #tpu.memory_space<vmem_shared>> -> memref<128x128xf32, #tpu.memory_space<vmem_shared>>
      %dma_start3A_257 = arith.constant 0 : i32
      %dma_start3A_258 = tpu.memref_slice %arg16[%add3A_214, %dma_start3A_257] : memref<10112x128xf32, #tpu.memory_space<vmem_shared>> -> memref<128x128xf32, #tpu.memory_space<vmem_shared>>
      tpu.enqueue_dma source(%dma_start3A_258 : memref<128x128xf32, #tpu.memory_space<vmem_shared>>) target(%arg12 : memref<128x128xf32, #tpu.memory_space<vmem>>) target_semaphore(%run_scoped3A : memref<!tpu.dma_semaphore, #tpu.memory_space<semaphore_mem>>)
      %dma_wait3A_259 = arith.constant 0 : i32
      %dma_wait3A_260 = tpu.memref_slice %arg16[%add3A_214, %dma_wait3A_259] : memref<10112x128xf32, #tpu.memory_space<vmem_shared>> -> memref<128x128xf32, #tpu.memory_space<vmem_shared>>
      %dma_wait3A_261 = arith.constant 0 : i32
      %dma_wait3A_262 = tpu.memref_slice %arg16[%add3A_214, %dma_wait3A_261] : memref<10112x128xf32, #tpu.memory_space<vmem_shared>> -> memref<128x128xf32, #tpu.memory_space<vmem_shared>>
      tpu.wait_dma2 semaphore(%run_scoped3A : memref<!tpu.dma_semaphore, #tpu.memory_space<semaphore_mem>>) src(%dma_wait3A_262 : memref<128x128xf32, #tpu.memory_space<vmem_shared>>) dst(%arg12 : memref<128x128xf32, #tpu.memory_space<vmem>>)
      tpu.yield
    }) : () -> ()
    %mul3A_215 = arith.constant 10112 : i32
    %mul3A_216 = arith.muli %arg0, %mul3A_215 : i32
    %mul3A_217 = arith.constant 632 : i32
    %mul3A_218 = arith.muli %arg1, %mul3A_217 : i32
    %add3A_219 = arith.addi %mul3A_216, %mul3A_218 : i32
    %add3A_220 = arith.constant 128 : i32
    %add3A_221 = arith.addi %add3A_219, %add3A_220 : i32
    "tpu.region"() ({
      %run_scoped3A = tpu.sem_alloc : memref<!tpu.dma_semaphore, #tpu.memory_space<semaphore_mem>>
      %dma_start3A_255 = arith.constant 0 : i32
      %dma_start3A_256 = tpu.memref_slice %arg5[%add3A_221, %dma_start3A_255] : memref<20224x128xf32, #tpu.memory_space<hbm>> -> memref<128x128xf32, #tpu.memory_space<hbm>>
      %dma_start3A_257 = arith.constant 0 : i32
      %dma_start3A_258 = tpu.memref_slice %arg5[%add3A_221, %dma_start3A_257] : memref<20224x128xf32, #tpu.memory_space<hbm>> -> memref<128x128xf32, #tpu.memory_space<hbm>>
      tpu.enqueue_dma source(%arg12 : memref<128x128xf32, #tpu.memory_space<vmem>>) target(%dma_start3A_258 : memref<128x128xf32, #tpu.memory_space<hbm>>) target_semaphore(%run_scoped3A : memref<!tpu.dma_semaphore, #tpu.memory_space<semaphore_mem>>)
      %dma_wait3A_259 = arith.constant 0 : i32
      %dma_wait3A_260 = tpu.memref_slice %arg5[%add3A_221, %dma_wait3A_259] : memref<20224x128xf32, #tpu.memory_space<hbm>> -> memref<128x128xf32, #tpu.memory_space<hbm>>
      %dma_wait3A_261 = arith.constant 0 : i32
      %dma_wait3A_262 = tpu.memref_slice %arg5[%add3A_221, %dma_wait3A_261] : memref<20224x128xf32, #tpu.memory_space<hbm>> -> memref<128x128xf32, #tpu.memory_space<hbm>>
      tpu.wait_dma2 semaphore(%run_scoped3A : memref<!tpu.dma_semaphore, #tpu.memory_space<semaphore_mem>>) src(%arg12 : memref<128x128xf32, #tpu.memory_space<vmem>>) dst(%dma_wait3A_262 : memref<128x128xf32, #tpu.memory_space<hbm>>)
      tpu.yield
    }) : () -> ()
    %mul3A_222 = arith.constant 632 : i32
    %mul3A_223 = arith.muli %arg1, %mul3A_222 : i32
    %add3A_224 = arith.constant 256 : i32
    %add3A_225 = arith.addi %mul3A_223, %add3A_224 : i32
    "tpu.region"() ({
      %run_scoped3A = tpu.sem_alloc : memref<!tpu.dma_semaphore, #tpu.memory_space<semaphore_mem>>
      %dma_start3A_255 = arith.constant 0 : i32
      %dma_start3A_256 = tpu.memref_slice %arg16[%add3A_225, %dma_start3A_255] : memref<10112x128xf32, #tpu.memory_space<vmem_shared>> -> memref<128x128xf32, #tpu.memory_space<vmem_shared>>
      %dma_start3A_257 = arith.constant 0 : i32
      %dma_start3A_258 = tpu.memref_slice %arg16[%add3A_225, %dma_start3A_257] : memref<10112x128xf32, #tpu.memory_space<vmem_shared>> -> memref<128x128xf32, #tpu.memory_space<vmem_shared>>
      tpu.enqueue_dma source(%dma_start3A_258 : memref<128x128xf32, #tpu.memory_space<vmem_shared>>) target(%arg12 : memref<128x128xf32, #tpu.memory_space<vmem>>) target_semaphore(%run_scoped3A : memref<!tpu.dma_semaphore, #tpu.memory_space<semaphore_mem>>)
      %dma_wait3A_259 = arith.constant 0 : i32
      %dma_wait3A_260 = tpu.memref_slice %arg16[%add3A_225, %dma_wait3A_259] : memref<10112x128xf32, #tpu.memory_space<vmem_shared>> -> memref<128x128xf32, #tpu.memory_space<vmem_shared>>
      %dma_wait3A_261 = arith.constant 0 : i32
      %dma_wait3A_262 = tpu.memref_slice %arg16[%add3A_225, %dma_wait3A_261] : memref<10112x128xf32, #tpu.memory_space<vmem_shared>> -> memref<128x128xf32, #tpu.memory_space<vmem_shared>>
      tpu.wait_dma2 semaphore(%run_scoped3A : memref<!tpu.dma_semaphore, #tpu.memory_space<semaphore_mem>>) src(%dma_wait3A_262 : memref<128x128xf32, #tpu.memory_space<vmem_shared>>) dst(%arg12 : memref<128x128xf32, #tpu.memory_space<vmem>>)
      tpu.yield
    }) : () -> ()
    %mul3A_226 = arith.constant 10112 : i32
    %mul3A_227 = arith.muli %arg0, %mul3A_226 : i32
    %mul3A_228 = arith.constant 632 : i32
    %mul3A_229 = arith.muli %arg1, %mul3A_228 : i32
    %add3A_230 = arith.addi %mul3A_227, %mul3A_229 : i32
    %add3A_231 = arith.constant 256 : i32
    %add3A_232 = arith.addi %add3A_230, %add3A_231 : i32
    "tpu.region"() ({
      %run_scoped3A = tpu.sem_alloc : memref<!tpu.dma_semaphore, #tpu.memory_space<semaphore_mem>>
      %dma_start3A_255 = arith.constant 0 : i32
      %dma_start3A_256 = tpu.memref_slice %arg5[%add3A_232, %dma_start3A_255] : memref<20224x128xf32, #tpu.memory_space<hbm>> -> memref<128x128xf32, #tpu.memory_space<hbm>>
      %dma_start3A_257 = arith.constant 0 : i32
      %dma_start3A_258 = tpu.memref_slice %arg5[%add3A_232, %dma_start3A_257] : memref<20224x128xf32, #tpu.memory_space<hbm>> -> memref<128x128xf32, #tpu.memory_space<hbm>>
      tpu.enqueue_dma source(%arg12 : memref<128x128xf32, #tpu.memory_space<vmem>>) target(%dma_start3A_258 : memref<128x128xf32, #tpu.memory_space<hbm>>) target_semaphore(%run_scoped3A : memref<!tpu.dma_semaphore, #tpu.memory_space<semaphore_mem>>)
      %dma_wait3A_259 = arith.constant 0 : i32
      %dma_wait3A_260 = tpu.memref_slice %arg5[%add3A_232, %dma_wait3A_259] : memref<20224x128xf32, #tpu.memory_space<hbm>> -> memref<128x128xf32, #tpu.memory_space<hbm>>
      %dma_wait3A_261 = arith.constant 0 : i32
      %dma_wait3A_262 = tpu.memref_slice %arg5[%add3A_232, %dma_wait3A_261] : memref<20224x128xf32, #tpu.memory_space<hbm>> -> memref<128x128xf32, #tpu.memory_space<hbm>>
      tpu.wait_dma2 semaphore(%run_scoped3A : memref<!tpu.dma_semaphore, #tpu.memory_space<semaphore_mem>>) src(%arg12 : memref<128x128xf32, #tpu.memory_space<vmem>>) dst(%dma_wait3A_262 : memref<128x128xf32, #tpu.memory_space<hbm>>)
      tpu.yield
    }) : () -> ()
    %mul3A_233 = arith.constant 632 : i32
    %mul3A_234 = arith.muli %arg1, %mul3A_233 : i32
    %add3A_235 = arith.constant 384 : i32
    %add3A_236 = arith.addi %mul3A_234, %add3A_235 : i32
    "tpu.region"() ({
      %run_scoped3A = tpu.sem_alloc : memref<!tpu.dma_semaphore, #tpu.memory_space<semaphore_mem>>
      %dma_start3A_255 = arith.constant 0 : i32
      %dma_start3A_256 = tpu.memref_slice %arg16[%add3A_236, %dma_start3A_255] : memref<10112x128xf32, #tpu.memory_space<vmem_shared>> -> memref<128x128xf32, #tpu.memory_space<vmem_shared>>
      %dma_start3A_257 = arith.constant 0 : i32
      %dma_start3A_258 = tpu.memref_slice %arg16[%add3A_236, %dma_start3A_257] : memref<10112x128xf32, #tpu.memory_space<vmem_shared>> -> memref<128x128xf32, #tpu.memory_space<vmem_shared>>
      tpu.enqueue_dma source(%dma_start3A_258 : memref<128x128xf32, #tpu.memory_space<vmem_shared>>) target(%arg12 : memref<128x128xf32, #tpu.memory_space<vmem>>) target_semaphore(%run_scoped3A : memref<!tpu.dma_semaphore, #tpu.memory_space<semaphore_mem>>)
      %dma_wait3A_259 = arith.constant 0 : i32
      %dma_wait3A_260 = tpu.memref_slice %arg16[%add3A_236, %dma_wait3A_259] : memref<10112x128xf32, #tpu.memory_space<vmem_shared>> -> memref<128x128xf32, #tpu.memory_space<vmem_shared>>
      %dma_wait3A_261 = arith.constant 0 : i32
      %dma_wait3A_262 = tpu.memref_slice %arg16[%add3A_236, %dma_wait3A_261] : memref<10112x128xf32, #tpu.memory_space<vmem_shared>> -> memref<128x128xf32, #tpu.memory_space<vmem_shared>>
      tpu.wait_dma2 semaphore(%run_scoped3A : memref<!tpu.dma_semaphore, #tpu.memory_space<semaphore_mem>>) src(%dma_wait3A_262 : memref<128x128xf32, #tpu.memory_space<vmem_shared>>) dst(%arg12 : memref<128x128xf32, #tpu.memory_space<vmem>>)
      tpu.yield
    }) : () -> ()
    %mul3A_237 = arith.constant 10112 : i32
    %mul3A_238 = arith.muli %arg0, %mul3A_237 : i32
    %mul3A_239 = arith.constant 632 : i32
    %mul3A_240 = arith.muli %arg1, %mul3A_239 : i32
    %add3A_241 = arith.addi %mul3A_238, %mul3A_240 : i32
    %add3A_242 = arith.constant 384 : i32
    %add3A_243 = arith.addi %add3A_241, %add3A_242 : i32
    "tpu.region"() ({
      %run_scoped3A = tpu.sem_alloc : memref<!tpu.dma_semaphore, #tpu.memory_space<semaphore_mem>>
      %dma_start3A_255 = arith.constant 0 : i32
      %dma_start3A_256 = tpu.memref_slice %arg5[%add3A_243, %dma_start3A_255] : memref<20224x128xf32, #tpu.memory_space<hbm>> -> memref<128x128xf32, #tpu.memory_space<hbm>>
      %dma_start3A_257 = arith.constant 0 : i32
      %dma_start3A_258 = tpu.memref_slice %arg5[%add3A_243, %dma_start3A_257] : memref<20224x128xf32, #tpu.memory_space<hbm>> -> memref<128x128xf32, #tpu.memory_space<hbm>>
      tpu.enqueue_dma source(%arg12 : memref<128x128xf32, #tpu.memory_space<vmem>>) target(%dma_start3A_258 : memref<128x128xf32, #tpu.memory_space<hbm>>) target_semaphore(%run_scoped3A : memref<!tpu.dma_semaphore, #tpu.memory_space<semaphore_mem>>)
      %dma_wait3A_259 = arith.constant 0 : i32
      %dma_wait3A_260 = tpu.memref_slice %arg5[%add3A_243, %dma_wait3A_259] : memref<20224x128xf32, #tpu.memory_space<hbm>> -> memref<128x128xf32, #tpu.memory_space<hbm>>
      %dma_wait3A_261 = arith.constant 0 : i32
      %dma_wait3A_262 = tpu.memref_slice %arg5[%add3A_243, %dma_wait3A_261] : memref<20224x128xf32, #tpu.memory_space<hbm>> -> memref<128x128xf32, #tpu.memory_space<hbm>>
      tpu.wait_dma2 semaphore(%run_scoped3A : memref<!tpu.dma_semaphore, #tpu.memory_space<semaphore_mem>>) src(%arg12 : memref<128x128xf32, #tpu.memory_space<vmem>>) dst(%dma_wait3A_262 : memref<128x128xf32, #tpu.memory_space<hbm>>)
      tpu.yield
    }) : () -> ()
    %mul3A_244 = arith.constant 632 : i32
    %mul3A_245 = arith.muli %arg1, %mul3A_244 : i32
    %add3A_246 = arith.constant 512 : i32
    %add3A_247 = arith.addi %mul3A_245, %add3A_246 : i32
    "tpu.region"() ({
      %run_scoped3A = tpu.sem_alloc : memref<!tpu.dma_semaphore, #tpu.memory_space<semaphore_mem>>
      %dma_start3A_255 = arith.constant 0 : i32
      %dma_start3A_256 = arith.constant 0 : i32
      %dma_start3A_257 = tpu.memref_slice %arg12[%dma_start3A_255, %dma_start3A_256] : memref<128x128xf32, #tpu.memory_space<vmem>> -> memref<120x128xf32, #tpu.memory_space<vmem>>
      %dma_start3A_258 = arith.constant 0 : i32
      %dma_start3A_259 = tpu.memref_slice %arg16[%add3A_247, %dma_start3A_258] : memref<10112x128xf32, #tpu.memory_space<vmem_shared>> -> memref<120x128xf32, #tpu.memory_space<vmem_shared>>
      %dma_start3A_260 = arith.constant 0 : i32
      %dma_start3A_261 = arith.constant 0 : i32
      %dma_start3A_262 = tpu.memref_slice %arg12[%dma_start3A_260, %dma_start3A_261] : memref<128x128xf32, #tpu.memory_space<vmem>> -> memref<120x128xf32, #tpu.memory_space<vmem>>
      %dma_start3A_263 = arith.constant 0 : i32
      %dma_start3A_264 = tpu.memref_slice %arg16[%add3A_247, %dma_start3A_263] : memref<10112x128xf32, #tpu.memory_space<vmem_shared>> -> memref<120x128xf32, #tpu.memory_space<vmem_shared>>
      tpu.enqueue_dma source(%dma_start3A_264 : memref<120x128xf32, #tpu.memory_space<vmem_shared>>) target(%dma_start3A_262 : memref<120x128xf32, #tpu.memory_space<vmem>>) target_semaphore(%run_scoped3A : memref<!tpu.dma_semaphore, #tpu.memory_space<semaphore_mem>>)
      %dma_wait3A_265 = arith.constant 0 : i32
      %dma_wait3A_266 = arith.constant 0 : i32
      %dma_wait3A_267 = tpu.memref_slice %arg12[%dma_wait3A_265, %dma_wait3A_266] : memref<128x128xf32, #tpu.memory_space<vmem>> -> memref<120x128xf32, #tpu.memory_space<vmem>>
      %dma_wait3A_268 = arith.constant 0 : i32
      %dma_wait3A_269 = tpu.memref_slice %arg16[%add3A_247, %dma_wait3A_268] : memref<10112x128xf32, #tpu.memory_space<vmem_shared>> -> memref<120x128xf32, #tpu.memory_space<vmem_shared>>
      %dma_wait3A_270 = arith.constant 0 : i32
      %dma_wait3A_271 = arith.constant 0 : i32
      %dma_wait3A_272 = tpu.memref_slice %arg12[%dma_wait3A_270, %dma_wait3A_271] : memref<128x128xf32, #tpu.memory_space<vmem>> -> memref<120x128xf32, #tpu.memory_space<vmem>>
      %dma_wait3A_273 = arith.constant 0 : i32
      %dma_wait3A_274 = tpu.memref_slice %arg16[%add3A_247, %dma_wait3A_273] : memref<10112x128xf32, #tpu.memory_space<vmem_shared>> -> memref<120x128xf32, #tpu.memory_space<vmem_shared>>
      tpu.wait_dma2 semaphore(%run_scoped3A : memref<!tpu.dma_semaphore, #tpu.memory_space<semaphore_mem>>) src(%dma_wait3A_274 : memref<120x128xf32, #tpu.memory_space<vmem_shared>>) dst(%dma_wait3A_272 : memref<120x128xf32, #tpu.memory_space<vmem>>)
      tpu.yield
    }) : () -> ()
    %mul3A_248 = arith.constant 10112 : i32
    %mul3A_249 = arith.muli %arg0, %mul3A_248 : i32
    %mul3A_250 = arith.constant 632 : i32
    %mul3A_251 = arith.muli %arg1, %mul3A_250 : i32
    %add3A_252 = arith.addi %mul3A_249, %mul3A_251 : i32
    %add3A_253 = arith.constant 512 : i32
    %add3A_254 = arith.addi %add3A_252, %add3A_253 : i32
    "tpu.region"() ({
      %run_scoped3A = tpu.sem_alloc : memref<!tpu.dma_semaphore, #tpu.memory_space<semaphore_mem>>
      %dma_start3A_255 = arith.constant 0 : i32
      %dma_start3A_256 = arith.constant 0 : i32
      %dma_start3A_257 = tpu.memref_slice %arg12[%dma_start3A_255, %dma_start3A_256] : memref<128x128xf32, #tpu.memory_space<vmem>> -> memref<120x128xf32, #tpu.memory_space<vmem>>
      %dma_start3A_258 = arith.constant 0 : i32
      %dma_start3A_259 = tpu.memref_slice %arg5[%add3A_254, %dma_start3A_258] : memref<20224x128xf32, #tpu.memory_space<hbm>> -> memref<120x128xf32, #tpu.memory_space<hbm>>
      %dma_start3A_260 = arith.constant 0 : i32
      %dma_start3A_261 = tpu.memref_slice %arg5[%add3A_254, %dma_start3A_260] : memref<20224x128xf32, #tpu.memory_space<hbm>> -> memref<120x128xf32, #tpu.memory_space<hbm>>
      %dma_start3A_262 = arith.constant 0 : i32
      %dma_start3A_263 = arith.constant 0 : i32
      %dma_start3A_264 = tpu.memref_slice %arg12[%dma_start3A_262, %dma_start3A_263] : memref<128x128xf32, #tpu.memory_space<vmem>> -> memref<120x128xf32, #tpu.memory_space<vmem>>
      tpu.enqueue_dma source(%dma_start3A_264 : memref<120x128xf32, #tpu.memory_space<vmem>>) target(%dma_start3A_261 : memref<120x128xf32, #tpu.memory_space<hbm>>) target_semaphore(%run_scoped3A : memref<!tpu.dma_semaphore, #tpu.memory_space<semaphore_mem>>)
      %dma_wait3A_265 = arith.constant 0 : i32
      %dma_wait3A_266 = arith.constant 0 : i32
      %dma_wait3A_267 = tpu.memref_slice %arg12[%dma_wait3A_265, %dma_wait3A_266] : memref<128x128xf32, #tpu.memory_space<vmem>> -> memref<120x128xf32, #tpu.memory_space<vmem>>
      %dma_wait3A_268 = arith.constant 0 : i32
      %dma_wait3A_269 = tpu.memref_slice %arg5[%add3A_254, %dma_wait3A_268] : memref<20224x128xf32, #tpu.memory_space<hbm>> -> memref<120x128xf32, #tpu.memory_space<hbm>>
      %dma_wait3A_270 = arith.constant 0 : i32
      %dma_wait3A_271 = tpu.memref_slice %arg5[%add3A_254, %dma_wait3A_270] : memref<20224x128xf32, #tpu.memory_space<hbm>> -> memref<120x128xf32, #tpu.memory_space<hbm>>
      %dma_wait3A_272 = arith.constant 0 : i32
      %dma_wait3A_273 = arith.constant 0 : i32
      %dma_wait3A_274 = tpu.memref_slice %arg12[%dma_wait3A_272, %dma_wait3A_273] : memref<128x128xf32, #tpu.memory_space<vmem>> -> memref<120x128xf32, #tpu.memory_space<vmem>>
      tpu.wait_dma2 semaphore(%run_scoped3A : memref<!tpu.dma_semaphore, #tpu.memory_space<semaphore_mem>>) src(%dma_wait3A_274 : memref<120x128xf32, #tpu.memory_space<vmem>>) dst(%dma_wait3A_271 : memref<120x128xf32, #tpu.memory_space<hbm>>)
      tpu.yield
    }) : () -> ()
    return
  }
}

module attributes {stable_mosaic.version = 14 : i64} {
  func.func @_prep_body(%arg0: i32, %arg1: i32, %arg2: i32, %arg3: memref<2000x1xi32, #tpu.memory_space<vmem>>, %arg4: memref<94x256xf32, #tpu.memory_space<vmem>>, %arg5: memref<94x128xf32, #tpu.memory_space<vmem>>, %arg6: memref<256x128xf32, #tpu.memory_space<vmem>>, %arg7: memref<2000x128xf32, #tpu.memory_space<vmem>>, %arg8: memref<2000x128xf32, #tpu.memory_space<vmem>>) attributes {dimension_semantics = [#tpu.dimension_semantics<arbitrary>, #tpu.dimension_semantics<arbitrary>, #tpu.dimension_semantics<arbitrary>], iteration_bounds = array<i64: 5, 2, 2>, scalar_prefetch = 0 : i64, scratch_operands = 0 : i64, tpu.core_type = #tpu.core_type<tc>, window_params = [{transform_indices = @transform_0, window_bounds = array<i64: 2000, 1>}, {pipeline_mode = #tpu.pipeline_mode<synchronous>, transform_indices = @transform_1, window_bounds = array<i64: 94, 256>}, {transform_indices = @transform_2, window_bounds = array<i64: 94, 128>}, {transform_indices = @transform_3, window_bounds = array<i64: 256, 128>}, {transform_indices = @transform_4, window_bounds = array<i64: 2000, 128>}, {transform_indices = @transform_5, window_bounds = array<i64: 2000, 128>}]} {
    %get3A = arith.constant 0 : index
    %get3A_0 = arith.constant 0 : index
    %get3A_1 = vector.load %arg3[%get3A, %get3A_0] : memref<2000x1xi32, #tpu.memory_space<vmem>>, vector<2000x1xi32>
    %iota3A = tpu.iota {dimensions = array<i32: 1>} : vector<2000x94xi32>
    %eq3A = vector.broadcast %get3A_1 : vector<2000x1xi32> to vector<2000x94xi32>
    %eq3A_2 = arith.cmpi eq, %iota3A, %eq3A : vector<2000x94xi32>
    %convert_element_type3A = arith.extui %eq3A_2 : vector<2000x94xi1> to vector<2000x94xi32>
    %convert_element_type3A_3 = arith.sitofp %convert_element_type3A : vector<2000x94xi32> to vector<2000x94xf32>
    %get3A_4 = arith.constant 0 : index
    %get3A_5 = arith.constant 0 : index
    %get3A_6 = vector.load %arg4[%get3A_4, %get3A_5] : memref<94x256xf32, #tpu.memory_space<vmem>>, vector<94x256xf32>
    %get3A_7 = arith.constant 0 : index
    %get3A_8 = arith.constant 0 : index
    %get3A_9 = vector.load %arg6[%get3A_7, %get3A_8] : memref<256x128xf32, #tpu.memory_space<vmem>>, vector<256x128xf32>
    %dot_general3A = arith.constant dense<0.000000e+00> : vector<94x128xf32>
    %dot_general3A_10 = tpu.matmul %get3A_6, %get3A_9, %dot_general3A {dimension_numbers = #tpu.dot_dimension_numbers<[1], [0], [0], [1], [0, 0, 1, 1], [], []>, transpose_lhs_hint = false} : vector<94x256xf32>, vector<256x128xf32>, vector<94x128xf32> -> vector<94x128xf32>
    %dot_general3A_11 = arith.constant dense<0.000000e+00> : vector<2000x128xf32>
    %dot_general3A_12 = tpu.matmul %convert_element_type3A_3, %dot_general3A_10, %dot_general3A_11 {dimension_numbers = #tpu.dot_dimension_numbers<[1], [0], [0], [1], [0, 0, 1, 1], [], []>, transpose_lhs_hint = false} : vector<2000x94xf32>, vector<94x128xf32>, vector<2000x128xf32> -> vector<2000x128xf32>
    %swap3A = arith.constant 0 : index
    %swap3A_13 = arith.constant 0 : index
    %swap3A_14 = vector.load %arg7[%swap3A, %swap3A_13] : memref<2000x128xf32, #tpu.memory_space<vmem>>, vector<2000x128xf32>
    tpu.vector_store %arg7[%swap3A, %swap3A_13], %dot_general3A_12 {strides = array<i32>} : memref<2000x128xf32, #tpu.memory_space<vmem>>, vector<2000x128xf32>,
    %get3A_15 = arith.constant 0 : index
    %get3A_16 = arith.constant 0 : index
    %get3A_17 = vector.load %arg5[%get3A_15, %get3A_16] : memref<94x128xf32, #tpu.memory_space<vmem>>, vector<94x128xf32>
    %dot_general3A_18 = arith.constant dense<0.000000e+00> : vector<2000x128xf32>
    %dot_general3A_19 = tpu.matmul %convert_element_type3A_3, %get3A_17, %dot_general3A_18 {dimension_numbers = #tpu.dot_dimension_numbers<[1], [0], [0], [1], [0, 0, 1, 1], [], []>, transpose_lhs_hint = false} : vector<2000x94xf32>, vector<94x128xf32>, vector<2000x128xf32> -> vector<2000x128xf32>
    %swap3A_20 = arith.constant 0 : index
    %swap3A_21 = arith.constant 0 : index
    %swap3A_22 = vector.load %arg8[%swap3A_20, %swap3A_21] : memref<2000x128xf32, #tpu.memory_space<vmem>>, vector<2000x128xf32>
    tpu.vector_store %arg8[%swap3A_20, %swap3A_21], %dot_general3A_19 {strides = array<i32>} : memref<2000x128xf32, #tpu.memory_space<vmem>>, vector<2000x128xf32>,
    return
  }
  func.func @transform_0(%arg0: i32, %arg1: i32, %arg2: i32) -> (i32, i32) {
    %c0_i32 = arith.constant 0 : i32
    %c0_i32_0 = arith.constant 0 : i32
    return %arg0, %c0_i32 : i32, i32
  }
  func.func @transform_1(%arg0: i32, %arg1: i32, %arg2: i32) -> (i32, i32) {
    %c0_i32 = arith.constant 0 : i32
    %c0_i32_0 = arith.constant 0 : i32
    %c0_i32_1 = arith.constant 0 : i32
    return %c0_i32, %c0_i32_0 : i32, i32
  }
  func.func @transform_2(%arg0: i32, %arg1: i32, %arg2: i32) -> (i32, i32) {
    %c0_i32 = arith.constant 0 : i32
    %c0_i32_0 = arith.constant 0 : i32
    return %c0_i32, %arg1 : i32, i32
  }
  func.func @transform_3(%arg0: i32, %arg1: i32, %arg2: i32) -> (i32, i32) {
    %c0_i32 = arith.constant 0 : i32
    return %arg2, %arg1 : i32, i32
  }
  func.func @transform_4(%arg0: i32, %arg1: i32, %arg2: i32) -> (i32, i32) {
    %mul3A = arith.constant 2 : i32
    %mul3A_0 = arith.muli %arg2, %mul3A : i32
    %add3A = arith.addi %mul3A_0, %arg1 : i32
    %mul3A_1 = arith.constant 5 : i32
    %mul3A_2 = arith.muli %add3A, %mul3A_1 : i32
    %add3A_3 = arith.addi %mul3A_2, %arg0 : i32
    %c0_i32 = arith.constant 0 : i32
    %c0_i32_4 = arith.constant 0 : i32
    return %add3A_3, %c0_i32 : i32, i32
  }
  func.func @transform_5(%arg0: i32, %arg1: i32, %arg2: i32) -> (i32, i32) {
    %c0_i32 = arith.constant 0 : i32
    return %arg0, %arg1 : i32, i32
  }
}

module attributes {stable_mosaic.version = 14 : i64} {
  func.func @_angle_body(%arg0: i32, %arg1: i32, %arg2: memref<3x64x128xf32, #tpu.memory_space<vmem>>, %arg3: memref<3x64x128xf32, #tpu.memory_space<vmem>>, %arg4: memref<21x256xf32, #tpu.memory_space<vmem>>, %arg5: memref<256x128xf32, #tpu.memory_space<vmem>>, %arg6: memref<1x1x128xf32, #tpu.memory_space<vmem>>, %arg7: memref<8192x128xf32, #tpu.memory_space<vmem>>, %arg8: memref<21x64x128xf32, #tpu.memory_space<vmem>>) attributes {dimension_semantics = [#tpu.dimension_semantics<arbitrary>, #tpu.dimension_semantics<arbitrary>], iteration_bounds = array<i64: 20, 2>, scalar_prefetch = 0 : i64, scratch_operands = 1 : i64, tpu.core_type = #tpu.core_type<tc>, window_params = [{transform_indices = @transform_0, window_bounds = array<i64: 3, 64, 128>}, {transform_indices = @transform_1, window_bounds = array<i64: 3, 64, 128>}, {pipeline_mode = #tpu.pipeline_mode<synchronous>, transform_indices = @transform_2, window_bounds = array<i64: 21, 256>}, {transform_indices = @transform_3, window_bounds = array<i64: 256, 128>}, {transform_indices = @transform_4, window_bounds = array<i64: 1, 1, 128>}, {transform_indices = @transform_5, window_bounds = array<i64: 8192, 128>}]} {
    %eq3A = arith.constant 0 : i32
    %eq3A_0 = arith.cmpi eq, %arg1, %eq3A : i32
    %convert_element_type3A = arith.extui %eq3A_0 : i1 to i32
    %cond3A = arith.constant 0 : i32
    %cond3A_1 = arith.cmpi ne, %convert_element_type3A, %cond3A : i32
    scf.if %cond3A_1 {
      %get3A_21 = arith.constant 0 : index
      %get3A_22 = arith.constant 0 : index
      %get3A_23 = arith.constant 0 : index
      %get3A_24 = vector.load %arg2[%get3A_21, %get3A_22, %get3A_23] : memref<3x64x128xf32, #tpu.memory_space<vmem>>, vector<3x64x128xf32>
      %get3A_25 = arith.constant 0 : index
      %get3A_26 = arith.constant 0 : index
      %get3A_27 = arith.constant 0 : index
      %get3A_28 = vector.load %arg3[%get3A_25, %get3A_26, %get3A_27] : memref<3x64x128xf32, #tpu.memory_space<vmem>>, vector<3x64x128xf32>
      %slice3A = vector.extract_strided_slice %get3A_24 {offsets = [0, 0, 0], sizes = [1, 64, 128], strides = [1, 1, 1]} : vector<3x64x128xf32> to vector<1x64x128xf32>
      %squeeze3A_29 = vector.shape_cast %slice3A : vector<1x64x128xf32> to vector<64x128xf32>
      %slice3A_30 = vector.extract_strided_slice %get3A_28 {offsets = [0, 0, 0], sizes = [1, 64, 128], strides = [1, 1, 1]} : vector<3x64x128xf32> to vector<1x64x128xf32>
      %squeeze3A_31 = vector.shape_cast %slice3A_30 : vector<1x64x128xf32> to vector<64x128xf32>
      %mul3A = arith.mulf %squeeze3A_29, %squeeze3A_31 : vector<64x128xf32>
      %slice3A_32 = vector.extract_strided_slice %get3A_24 {offsets = [1, 0, 0], sizes = [1, 64, 128], strides = [1, 1, 1]} : vector<3x64x128xf32> to vector<1x64x128xf32>
      %squeeze3A_33 = vector.shape_cast %slice3A_32 : vector<1x64x128xf32> to vector<64x128xf32>
      %slice3A_34 = vector.extract_strided_slice %get3A_28 {offsets = [1, 0, 0], sizes = [1, 64, 128], strides = [1, 1, 1]} : vector<3x64x128xf32> to vector<1x64x128xf32>
      %squeeze3A_35 = vector.shape_cast %slice3A_34 : vector<1x64x128xf32> to vector<64x128xf32>
      %mul3A_36 = arith.mulf %squeeze3A_33, %squeeze3A_35 : vector<64x128xf32>
      %add3A_37 = arith.addf %mul3A, %mul3A_36 : vector<64x128xf32>
      %slice3A_38 = vector.extract_strided_slice %get3A_24 {offsets = [2, 0, 0], sizes = [1, 64, 128], strides = [1, 1, 1]} : vector<3x64x128xf32> to vector<1x64x128xf32>
      %squeeze3A_39 = vector.shape_cast %slice3A_38 : vector<1x64x128xf32> to vector<64x128xf32>
      %slice3A_40 = vector.extract_strided_slice %get3A_28 {offsets = [2, 0, 0], sizes = [1, 64, 128], strides = [1, 1, 1]} : vector<3x64x128xf32> to vector<1x64x128xf32>
      %squeeze3A_41 = vector.shape_cast %slice3A_40 : vector<1x64x128xf32> to vector<64x128xf32>
      %mul3A_42 = arith.mulf %squeeze3A_39, %squeeze3A_41 : vector<64x128xf32>
      %add3A_43 = arith.addf %add3A_37, %mul3A_42 : vector<64x128xf32>
      %slice3A_44 = vector.extract_strided_slice %get3A_24 {offsets = [0, 0, 0], sizes = [1, 64, 128], strides = [1, 1, 1]} : vector<3x64x128xf32> to vector<1x64x128xf32>
      %squeeze3A_45 = vector.shape_cast %slice3A_44 : vector<1x64x128xf32> to vector<64x128xf32>
      %slice3A_46 = vector.extract_strided_slice %get3A_24 {offsets = [0, 0, 0], sizes = [1, 64, 128], strides = [1, 1, 1]} : vector<3x64x128xf32> to vector<1x64x128xf32>
      %squeeze3A_47 = vector.shape_cast %slice3A_46 : vector<1x64x128xf32> to vector<64x128xf32>
      %mul3A_48 = arith.mulf %squeeze3A_45, %squeeze3A_47 : vector<64x128xf32>
      %slice3A_49 = vector.extract_strided_slice %get3A_24 {offsets = [1, 0, 0], sizes = [1, 64, 128], strides = [1, 1, 1]} : vector<3x64x128xf32> to vector<1x64x128xf32>
      %squeeze3A_50 = vector.shape_cast %slice3A_49 : vector<1x64x128xf32> to vector<64x128xf32>
      %slice3A_51 = vector.extract_strided_slice %get3A_24 {offsets = [1, 0, 0], sizes = [1, 64, 128], strides = [1, 1, 1]} : vector<3x64x128xf32> to vector<1x64x128xf32>
      %squeeze3A_52 = vector.shape_cast %slice3A_51 : vector<1x64x128xf32> to vector<64x128xf32>
      %mul3A_53 = arith.mulf %squeeze3A_50, %squeeze3A_52 : vector<64x128xf32>
      %add3A_54 = arith.addf %mul3A_48, %mul3A_53 : vector<64x128xf32>
      %slice3A_55 = vector.extract_strided_slice %get3A_24 {offsets = [2, 0, 0], sizes = [1, 64, 128], strides = [1, 1, 1]} : vector<3x64x128xf32> to vector<1x64x128xf32>
      %squeeze3A_56 = vector.shape_cast %slice3A_55 : vector<1x64x128xf32> to vector<64x128xf32>
      %slice3A_57 = vector.extract_strided_slice %get3A_24 {offsets = [2, 0, 0], sizes = [1, 64, 128], strides = [1, 1, 1]} : vector<3x64x128xf32> to vector<1x64x128xf32>
      %squeeze3A_58 = vector.shape_cast %slice3A_57 : vector<1x64x128xf32> to vector<64x128xf32>
      %mul3A_59 = arith.mulf %squeeze3A_56, %squeeze3A_58 : vector<64x128xf32>
      %add3A_60 = arith.addf %add3A_54, %mul3A_59 : vector<64x128xf32>
      %sqrt3A = math.sqrt %add3A_60 : vector<64x128xf32>
      %add3A_61 = arith.constant 9.99999996E-13 : f32
      %add3A_62 = vector.broadcast %add3A_61 : f32 to vector<64x128xf32>
      %add3A_63 = arith.addf %sqrt3A, %add3A_62 : vector<64x128xf32>
      %slice3A_64 = vector.extract_strided_slice %get3A_28 {offsets = [0, 0, 0], sizes = [1, 64, 128], strides = [1, 1, 1]} : vector<3x64x128xf32> to vector<1x64x128xf32>
      %squeeze3A_65 = vector.shape_cast %slice3A_64 : vector<1x64x128xf32> to vector<64x128xf32>
      %slice3A_66 = vector.extract_strided_slice %get3A_28 {offsets = [0, 0, 0], sizes = [1, 64, 128], strides = [1, 1, 1]} : vector<3x64x128xf32> to vector<1x64x128xf32>
      %squeeze3A_67 = vector.shape_cast %slice3A_66 : vector<1x64x128xf32> to vector<64x128xf32>
      %mul3A_68 = arith.mulf %squeeze3A_65, %squeeze3A_67 : vector<64x128xf32>
      %slice3A_69 = vector.extract_strided_slice %get3A_28 {offsets = [1, 0, 0], sizes = [1, 64, 128], strides = [1, 1, 1]} : vector<3x64x128xf32> to vector<1x64x128xf32>
      %squeeze3A_70 = vector.shape_cast %slice3A_69 : vector<1x64x128xf32> to vector<64x128xf32>
      %slice3A_71 = vector.extract_strided_slice %get3A_28 {offsets = [1, 0, 0], sizes = [1, 64, 128], strides = [1, 1, 1]} : vector<3x64x128xf32> to vector<1x64x128xf32>
      %squeeze3A_72 = vector.shape_cast %slice3A_71 : vector<1x64x128xf32> to vector<64x128xf32>
      %mul3A_73 = arith.mulf %squeeze3A_70, %squeeze3A_72 : vector<64x128xf32>
      %add3A_74 = arith.addf %mul3A_68, %mul3A_73 : vector<64x128xf32>
      %slice3A_75 = vector.extract_strided_slice %get3A_28 {offsets = [2, 0, 0], sizes = [1, 64, 128], strides = [1, 1, 1]} : vector<3x64x128xf32> to vector<1x64x128xf32>
      %squeeze3A_76 = vector.shape_cast %slice3A_75 : vector<1x64x128xf32> to vector<64x128xf32>
      %slice3A_77 = vector.extract_strided_slice %get3A_28 {offsets = [2, 0, 0], sizes = [1, 64, 128], strides = [1, 1, 1]} : vector<3x64x128xf32> to vector<1x64x128xf32>
      %squeeze3A_78 = vector.shape_cast %slice3A_77 : vector<1x64x128xf32> to vector<64x128xf32>
      %mul3A_79 = arith.mulf %squeeze3A_76, %squeeze3A_78 : vector<64x128xf32>
      %add3A_80 = arith.addf %add3A_74, %mul3A_79 : vector<64x128xf32>
      %sqrt3A_81 = math.sqrt %add3A_80 : vector<64x128xf32>
      %add3A_82 = arith.constant 9.99999996E-13 : f32
      %add3A_83 = vector.broadcast %add3A_82 : f32 to vector<64x128xf32>
      %add3A_84 = arith.addf %sqrt3A_81, %add3A_83 : vector<64x128xf32>
      %mul3A_85 = arith.mulf %add3A_63, %add3A_84 : vector<64x128xf32>
      %div3A = arith.divf %add3A_43, %mul3A_85 : vector<64x128xf32>
      %mul3A_86 = arith.constant 0.999998986 : f32
      %mul3A_87 = vector.broadcast %mul3A_86 : f32 to vector<64x128xf32>
      %mul3A_88 = arith.mulf %div3A, %mul3A_87 : vector<64x128xf32>
      %mul3A_89 = arith.mulf %mul3A_88, %mul3A_88 : vector<64x128xf32>
      %sub3A = arith.constant 1.000000e+00 : f32
      %sub3A_90 = vector.broadcast %sub3A : f32 to vector<64x128xf32>
      %sub3A_91 = arith.subf %sub3A_90, %mul3A_89 : vector<64x128xf32>
      %max3A = arith.constant 0.000000e+00 : f32
      %max3A_92 = vector.broadcast %max3A : f32 to vector<64x128xf32>
      %max3A_93 = arith.maximumf %max3A_92, %sub3A_91 : vector<64x128xf32>
      %sqrt3A_94 = math.sqrt %max3A_93 : vector<64x128xf32>
      %broadcast_in_dim3A = arith.constant 0.398942292 : f32
      %broadcast_in_dim3A_95 = vector.broadcast %broadcast_in_dim3A : f32 to vector<64x128xf32>
      %swap3A_96 = arith.constant 0 : index
      %swap3A_97 = arith.constant 0 : index
      %swap3A_98 = arith.constant 0 : index
      %swap3A_99 = vector.load %arg8[%swap3A_96, %swap3A_97, %swap3A_98] : memref<21x64x128xf32, #tpu.memory_space<vmem>>, vector<1x64x128xf32>
      %swap3A_100 = vector.shape_cast %swap3A_99 : vector<1x64x128xf32> to vector<64x128xf32>
      %swap3A_101 = vector.shape_cast %broadcast_in_dim3A_95 : vector<64x128xf32> to vector<1x64x128xf32>
      tpu.vector_store %arg8[%swap3A_96, %swap3A_97, %swap3A_98], %swap3A_101 {strides = array<i32>} : memref<21x64x128xf32, #tpu.memory_space<vmem>>, vector<1x64x128xf32>,
      %broadcast_in_dim3A_102 = arith.constant 1.000000e+00 : f32
      %broadcast_in_dim3A_103 = vector.broadcast %broadcast_in_dim3A_102 : f32 to vector<64x128xf32>
      %broadcast_in_dim3A_104 = arith.constant 0.000000e+00 : f32
      %broadcast_in_dim3A_105 = vector.broadcast %broadcast_in_dim3A_104 : f32 to vector<64x128xf32>
      %mul3A_106 = arith.constant 0.564189613 : f32
      %mul3A_107 = vector.broadcast %mul3A_106 : f32 to vector<64x128xf32>
      %mul3A_108 = arith.mulf %mul3A_88, %mul3A_107 : vector<64x128xf32>
      %swap3A_109 = arith.constant 1 : index
      %swap3A_110 = arith.constant 0 : index
      %swap3A_111 = arith.constant 0 : index
      %swap3A_112 = vector.load %arg8[%swap3A_109, %swap3A_110, %swap3A_111] : memref<21x64x128xf32, #tpu.memory_space<vmem>>, vector<1x64x128xf32>
      %swap3A_113 = vector.shape_cast %swap3A_112 : vector<1x64x128xf32> to vector<64x128xf32>
      %swap3A_114 = vector.shape_cast %mul3A_108 : vector<64x128xf32> to vector<1x64x128xf32>
      tpu.vector_store %arg8[%swap3A_109, %swap3A_110, %swap3A_111], %swap3A_114 {strides = array<i32>} : memref<21x64x128xf32, #tpu.memory_space<vmem>>, vector<1x64x128xf32>,
      %mul3A_115 = arith.constant 0.564189613 : f32
      %mul3A_116 = vector.broadcast %mul3A_115 : f32 to vector<64x128xf32>
      %mul3A_117 = arith.mulf %sqrt3A_94, %mul3A_116 : vector<64x128xf32>
      %swap3A_118 = arith.constant 11 : index
      %swap3A_119 = arith.constant 0 : index
      %swap3A_120 = arith.constant 0 : index
      %swap3A_121 = vector.load %arg8[%swap3A_118, %swap3A_119, %swap3A_120] : memref<21x64x128xf32, #tpu.memory_space<vmem>>, vector<1x64x128xf32>
      %swap3A_122 = vector.shape_cast %swap3A_121 : vector<1x64x128xf32> to vector<64x128xf32>
      %swap3A_123 = vector.shape_cast %mul3A_117 : vector<64x128xf32> to vector<1x64x128xf32>
      tpu.vector_store %arg8[%swap3A_118, %swap3A_119, %swap3A_120], %swap3A_123 {strides = array<i32>} : memref<21x64x128xf32, #tpu.memory_space<vmem>>, vector<1x64x128xf32>,
      %mul3A_124 = arith.constant 2.000000e+00 : f32
      %mul3A_125 = vector.broadcast %mul3A_124 : f32 to vector<64x128xf32>
      %mul3A_126 = arith.mulf %mul3A_125, %mul3A_88 : vector<64x128xf32>
      %mul3A_127 = arith.mulf %mul3A_126, %mul3A_88 : vector<64x128xf32>
      %sub3A_128 = arith.subf %mul3A_127, %broadcast_in_dim3A_103 : vector<64x128xf32>
      %mul3A_129 = arith.constant 2.000000e+00 : f32
      %mul3A_130 = vector.broadcast %mul3A_129 : f32 to vector<64x128xf32>
      %mul3A_131 = arith.mulf %mul3A_130, %mul3A_88 : vector<64x128xf32>
      %mul3A_132 = arith.mulf %mul3A_131, %sqrt3A_94 : vector<64x128xf32>
      %sub3A_133 = arith.subf %mul3A_132, %broadcast_in_dim3A_105 : vector<64x128xf32>
      %mul3A_134 = arith.constant 0.564189613 : f32
      %mul3A_135 = vector.broadcast %mul3A_134 : f32 to vector<64x128xf32>
      %mul3A_136 = arith.mulf %sub3A_128, %mul3A_135 : vector<64x128xf32>
      %swap3A_137 = arith.constant 2 : index
      %swap3A_138 = arith.constant 0 : index
      %swap3A_139 = arith.constant 0 : index
      %swap3A_140 = vector.load %arg8[%swap3A_137, %swap3A_138, %swap3A_139] : memref<21x64x128xf32, #tpu.memory_space<vmem>>, vector<1x64x128xf32>
      %swap3A_141 = vector.shape_cast %swap3A_140 : vector<1x64x128xf32> to vector<64x128xf32>
      %swap3A_142 = vector.shape_cast %mul3A_136 : vector<64x128xf32> to vector<1x64x128xf32>
      tpu.vector_store %arg8[%swap3A_137, %swap3A_138, %swap3A_139], %swap3A_142 {strides = array<i32>} : memref<21x64x128xf32, #tpu.memory_space<vmem>>, vector<1x64x128xf32>,
      %mul3A_143 = arith.constant 0.564189613 : f32
      %mul3A_144 = vector.broadcast %mul3A_143 : f32 to vector<64x128xf32>
      %mul3A_145 = arith.mulf %sub3A_133, %mul3A_144 : vector<64x128xf32>
      %swap3A_146 = arith.constant 12 : index
      %swap3A_147 = arith.constant 0 : index
      %swap3A_148 = arith.constant 0 : index
      %swap3A_149 = vector.load %arg8[%swap3A_146, %swap3A_147, %swap3A_148] : memref<21x64x128xf32, #tpu.memory_space<vmem>>, vector<1x64x128xf32>
      %swap3A_150 = vector.shape_cast %swap3A_149 : vector<1x64x128xf32> to vector<64x128xf32>
      %swap3A_151 = vector.shape_cast %mul3A_145 : vector<64x128xf32> to vector<1x64x128xf32>
      tpu.vector_store %arg8[%swap3A_146, %swap3A_147, %swap3A_148], %swap3A_151 {strides = array<i32>} : memref<21x64x128xf32, #tpu.memory_space<vmem>>, vector<1x64x128xf32>,
      %mul3A_152 = arith.constant 2.000000e+00 : f32
      %mul3A_153 = vector.broadcast %mul3A_152 : f32 to vector<64x128xf32>
      %mul3A_154 = arith.mulf %mul3A_153, %mul3A_88 : vector<64x128xf32>
      %mul3A_155 = arith.mulf %mul3A_154, %sub3A_128 : vector<64x128xf32>
      %sub3A_156 = arith.subf %mul3A_155, %mul3A_88 : vector<64x128xf32>
      %mul3A_157 = arith.constant 2.000000e+00 : f32
      %mul3A_158 = vector.broadcast %mul3A_157 : f32 to vector<64x128xf32>
      %mul3A_159 = arith.mulf %mul3A_158, %mul3A_88 : vector<64x128xf32>
      %mul3A_160 = arith.mulf %mul3A_159, %sub3A_133 : vector<64x128xf32>
      %sub3A_161 = arith.subf %mul3A_160, %sqrt3A_94 : vector<64x128xf32>
      %mul3A_162 = arith.constant 0.564189613 : f32
      %mul3A_163 = vector.broadcast %mul3A_162 : f32 to vector<64x128xf32>
      %mul3A_164 = arith.mulf %sub3A_156, %mul3A_163 : vector<64x128xf32>
      %swap3A_165 = arith.constant 3 : index
      %swap3A_166 = arith.constant 0 : index
      %swap3A_167 = arith.constant 0 : index
      %swap3A_168 = vector.load %arg8[%swap3A_165, %swap3A_166, %swap3A_167] : memref<21x64x128xf32, #tpu.memory_space<vmem>>, vector<1x64x128xf32>
      %swap3A_169 = vector.shape_cast %swap3A_168 : vector<1x64x128xf32> to vector<64x128xf32>
      %swap3A_170 = vector.shape_cast %mul3A_164 : vector<64x128xf32> to vector<1x64x128xf32>
      tpu.vector_store %arg8[%swap3A_165, %swap3A_166, %swap3A_167], %swap3A_170 {strides = array<i32>} : memref<21x64x128xf32, #tpu.memory_space<vmem>>, vector<1x64x128xf32>,
      %mul3A_171 = arith.constant 0.564189613 : f32
      %mul3A_172 = vector.broadcast %mul3A_171 : f32 to vector<64x128xf32>
      %mul3A_173 = arith.mulf %sub3A_161, %mul3A_172 : vector<64x128xf32>
      %swap3A_174 = arith.constant 13 : index
      %swap3A_175 = arith.constant 0 : index
      %swap3A_176 = arith.constant 0 : index
      %swap3A_177 = vector.load %arg8[%swap3A_174, %swap3A_175, %swap3A_176] : memref<21x64x128xf32, #tpu.memory_space<vmem>>, vector<1x64x128xf32>
      %swap3A_178 = vector.shape_cast %swap3A_177 : vector<1x64x128xf32> to vector<64x128xf32>
      %swap3A_179 = vector.shape_cast %mul3A_173 : vector<64x128xf32> to vector<1x64x128xf32>
      tpu.vector_store %arg8[%swap3A_174, %swap3A_175, %swap3A_176], %swap3A_179 {strides = array<i32>} : memref<21x64x128xf32, #tpu.memory_space<vmem>>, vector<1x64x128xf32>,
      %mul3A_180 = arith.constant 2.000000e+00 : f32
      %mul3A_181 = vector.broadcast %mul3A_180 : f32 to vector<64x128xf32>
      %mul3A_182 = arith.mulf %mul3A_181, %mul3A_88 : vector<64x128xf32>
      %mul3A_183 = arith.mulf %mul3A_182, %sub3A_156 : vector<64x128xf32>
      %sub3A_184 = arith.subf %mul3A_183, %sub3A_128 : vector<64x128xf32>
      %mul3A_185 = arith.constant 2.000000e+00 : f32
      %mul3A_186 = vector.broadcast %mul3A_185 : f32 to vector<64x128xf32>
      %mul3A_187 = arith.mulf %mul3A_186, %mul3A_88 : vector<64x128xf32>
      %mul3A_188 = arith.mulf %mul3A_187, %sub3A_161 : vector<64x128xf32>
      %sub3A_189 = arith.subf %mul3A_188, %sub3A_133 : vector<64x128xf32>
      %mul3A_190 = arith.constant 0.564189613 : f32
      %mul3A_191 = vector.broadcast %mul3A_190 : f32 to vector<64x128xf32>
      %mul3A_192 = arith.mulf %sub3A_184, %mul3A_191 : vector<64x128xf32>
      %swap3A_193 = arith.constant 4 : index
      %swap3A_194 = arith.constant 0 : index
      %swap3A_195 = arith.constant 0 : index
      %swap3A_196 = vector.load %arg8[%swap3A_193, %swap3A_194, %swap3A_195] : memref<21x64x128xf32, #tpu.memory_space<vmem>>, vector<1x64x128xf32>
      %swap3A_197 = vector.shape_cast %swap3A_196 : vector<1x64x128xf32> to vector<64x128xf32>
      %swap3A_198 = vector.shape_cast %mul3A_192 : vector<64x128xf32> to vector<1x64x128xf32>
      tpu.vector_store %arg8[%swap3A_193, %swap3A_194, %swap3A_195], %swap3A_198 {strides = array<i32>} : memref<21x64x128xf32, #tpu.memory_space<vmem>>, vector<1x64x128xf32>,
      %mul3A_199 = arith.constant 0.564189613 : f32
      %mul3A_200 = vector.broadcast %mul3A_199 : f32 to vector<64x128xf32>
      %mul3A_201 = arith.mulf %sub3A_189, %mul3A_200 : vector<64x128xf32>
      %swap3A_202 = arith.constant 14 : index
      %swap3A_203 = arith.constant 0 : index
      %swap3A_204 = arith.constant 0 : index
      %swap3A_205 = vector.load %arg8[%swap3A_202, %swap3A_203, %swap3A_204] : memref<21x64x128xf32, #tpu.memory_space<vmem>>, vector<1x64x128xf32>
      %swap3A_206 = vector.shape_cast %swap3A_205 : vector<1x64x128xf32> to vector<64x128xf32>
      %swap3A_207 = vector.shape_cast %mul3A_201 : vector<64x128xf32> to vector<1x64x128xf32>
      tpu.vector_store %arg8[%swap3A_202, %swap3A_203, %swap3A_204], %swap3A_207 {strides = array<i32>} : memref<21x64x128xf32, #tpu.memory_space<vmem>>, vector<1x64x128xf32>,
      %mul3A_208 = arith.constant 2.000000e+00 : f32
      %mul3A_209 = vector.broadcast %mul3A_208 : f32 to vector<64x128xf32>
      %mul3A_210 = arith.mulf %mul3A_209, %mul3A_88 : vector<64x128xf32>
      %mul3A_211 = arith.mulf %mul3A_210, %sub3A_184 : vector<64x128xf32>
      %sub3A_212 = arith.subf %mul3A_211, %sub3A_156 : vector<64x128xf32>
      %mul3A_213 = arith.constant 2.000000e+00 : f32
      %mul3A_214 = vector.broadcast %mul3A_213 : f32 to vector<64x128xf32>
      %mul3A_215 = arith.mulf %mul3A_214, %mul3A_88 : vector<64x128xf32>
      %mul3A_216 = arith.mulf %mul3A_215, %sub3A_189 : vector<64x128xf32>
      %sub3A_217 = arith.subf %mul3A_216, %sub3A_161 : vector<64x128xf32>
      %mul3A_218 = arith.constant 0.564189613 : f32
      %mul3A_219 = vector.broadcast %mul3A_218 : f32 to vector<64x128xf32>
      %mul3A_220 = arith.mulf %sub3A_212, %mul3A_219 : vector<64x128xf32>
      %swap3A_221 = arith.constant 5 : index
      %swap3A_222 = arith.constant 0 : index
      %swap3A_223 = arith.constant 0 : index
      %swap3A_224 = vector.load %arg8[%swap3A_221, %swap3A_222, %swap3A_223] : memref<21x64x128xf32, #tpu.memory_space<vmem>>, vector<1x64x128xf32>
      %swap3A_225 = vector.shape_cast %swap3A_224 : vector<1x64x128xf32> to vector<64x128xf32>
      %swap3A_226 = vector.shape_cast %mul3A_220 : vector<64x128xf32> to vector<1x64x128xf32>
      tpu.vector_store %arg8[%swap3A_221, %swap3A_222, %swap3A_223], %swap3A_226 {strides = array<i32>} : memref<21x64x128xf32, #tpu.memory_space<vmem>>, vector<1x64x128xf32>,
      %mul3A_227 = arith.constant 0.564189613 : f32
      %mul3A_228 = vector.broadcast %mul3A_227 : f32 to vector<64x128xf32>
      %mul3A_229 = arith.mulf %sub3A_217, %mul3A_228 : vector<64x128xf32>
      %swap3A_230 = arith.constant 15 : index
      %swap3A_231 = arith.constant 0 : index
      %swap3A_232 = arith.constant 0 : index
      %swap3A_233 = vector.load %arg8[%swap3A_230, %swap3A_231, %swap3A_232] : memref<21x64x128xf32, #tpu.memory_space<vmem>>, vector<1x64x128xf32>
      %swap3A_234 = vector.shape_cast %swap3A_233 : vector<1x64x128xf32> to vector<64x128xf32>
      %swap3A_235 = vector.shape_cast %mul3A_229 : vector<64x128xf32> to vector<1x64x128xf32>
      tpu.vector_store %arg8[%swap3A_230, %swap3A_231, %swap3A_232], %swap3A_235 {strides = array<i32>} : memref<21x64x128xf32, #tpu.memory_space<vmem>>, vector<1x64x128xf32>,
      %mul3A_236 = arith.constant 2.000000e+00 : f32
      %mul3A_237 = vector.broadcast %mul3A_236 : f32 to vector<64x128xf32>
      %mul3A_238 = arith.mulf %mul3A_237, %mul3A_88 : vector<64x128xf32>
      %mul3A_239 = arith.mulf %mul3A_238, %sub3A_212 : vector<64x128xf32>
      %sub3A_240 = arith.subf %mul3A_239, %sub3A_184 : vector<64x128xf32>
      %mul3A_241 = arith.constant 2.000000e+00 : f32
      %mul3A_242 = vector.broadcast %mul3A_241 : f32 to vector<64x128xf32>
      %mul3A_243 = arith.mulf %mul3A_242, %mul3A_88 : vector<64x128xf32>
      %mul3A_244 = arith.mulf %mul3A_243, %sub3A_217 : vector<64x128xf32>
      %sub3A_245 = arith.subf %mul3A_244, %sub3A_189 : vector<64x128xf32>
      %mul3A_246 = arith.constant 0.564189613 : f32
      %mul3A_247 = vector.broadcast %mul3A_246 : f32 to vector<64x128xf32>
      %mul3A_248 = arith.mulf %sub3A_240, %mul3A_247 : vector<64x128xf32>
      %swap3A_249 = arith.constant 6 : index
      %swap3A_250 = arith.constant 0 : index
      %swap3A_251 = arith.constant 0 : index
      %swap3A_252 = vector.load %arg8[%swap3A_249, %swap3A_250, %swap3A_251] : memref<21x64x128xf32, #tpu.memory_space<vmem>>, vector<1x64x128xf32>
      %swap3A_253 = vector.shape_cast %swap3A_252 : vector<1x64x128xf32> to vector<64x128xf32>
      %swap3A_254 = vector.shape_cast %mul3A_248 : vector<64x128xf32> to vector<1x64x128xf32>
      tpu.vector_store %arg8[%swap3A_249, %swap3A_250, %swap3A_251], %swap3A_254 {strides = array<i32>} : memref<21x64x128xf32, #tpu.memory_space<vmem>>, vector<1x64x128xf32>,
      %mul3A_255 = arith.constant 0.564189613 : f32
      %mul3A_256 = vector.broadcast %mul3A_255 : f32 to vector<64x128xf32>
      %mul3A_257 = arith.mulf %sub3A_245, %mul3A_256 : vector<64x128xf32>
      %swap3A_258 = arith.constant 16 : index
      %swap3A_259 = arith.constant 0 : index
      %swap3A_260 = arith.constant 0 : index
      %swap3A_261 = vector.load %arg8[%swap3A_258, %swap3A_259, %swap3A_260] : memref<21x64x128xf32, #tpu.memory_space<vmem>>, vector<1x64x128xf32>
      %swap3A_262 = vector.shape_cast %swap3A_261 : vector<1x64x128xf32> to vector<64x128xf32>
      %swap3A_263 = vector.shape_cast %mul3A_257 : vector<64x128xf32> to vector<1x64x128xf32>
      tpu.vector_store %arg8[%swap3A_258, %swap3A_259, %swap3A_260], %swap3A_263 {strides = array<i32>} : memref<21x64x128xf32, #tpu.memory_space<vmem>>, vector<1x64x128xf32>,
      %mul3A_264 = arith.constant 2.000000e+00 : f32
      %mul3A_265 = vector.broadcast %mul3A_264 : f32 to vector<64x128xf32>
      %mul3A_266 = arith.mulf %mul3A_265, %mul3A_88 : vector<64x128xf32>
      %mul3A_267 = arith.mulf %mul3A_266, %sub3A_240 : vector<64x128xf32>
      %sub3A_268 = arith.subf %mul3A_267, %sub3A_212 : vector<64x128xf32>
      %mul3A_269 = arith.constant 2.000000e+00 : f32
      %mul3A_270 = vector.broadcast %mul3A_269 : f32 to vector<64x128xf32>
      %mul3A_271 = arith.mulf %mul3A_270, %mul3A_88 : vector<64x128xf32>
      %mul3A_272 = arith.mulf %mul3A_271, %sub3A_245 : vector<64x128xf32>
      %sub3A_273 = arith.subf %mul3A_272, %sub3A_217 : vector<64x128xf32>
      %mul3A_274 = arith.constant 0.564189613 : f32
      %mul3A_275 = vector.broadcast %mul3A_274 : f32 to vector<64x128xf32>
      %mul3A_276 = arith.mulf %sub3A_268, %mul3A_275 : vector<64x128xf32>
      %swap3A_277 = arith.constant 7 : index
      %swap3A_278 = arith.constant 0 : index
      %swap3A_279 = arith.constant 0 : index
      %swap3A_280 = vector.load %arg8[%swap3A_277, %swap3A_278, %swap3A_279] : memref<21x64x128xf32, #tpu.memory_space<vmem>>, vector<1x64x128xf32>
      %swap3A_281 = vector.shape_cast %swap3A_280 : vector<1x64x128xf32> to vector<64x128xf32>
      %swap3A_282 = vector.shape_cast %mul3A_276 : vector<64x128xf32> to vector<1x64x128xf32>
      tpu.vector_store %arg8[%swap3A_277, %swap3A_278, %swap3A_279], %swap3A_282 {strides = array<i32>} : memref<21x64x128xf32, #tpu.memory_space<vmem>>, vector<1x64x128xf32>,
      %mul3A_283 = arith.constant 0.564189613 : f32
      %mul3A_284 = vector.broadcast %mul3A_283 : f32 to vector<64x128xf32>
      %mul3A_285 = arith.mulf %sub3A_273, %mul3A_284 : vector<64x128xf32>
      %swap3A_286 = arith.constant 17 : index
      %swap3A_287 = arith.constant 0 : index
      %swap3A_288 = arith.constant 0 : index
      %swap3A_289 = vector.load %arg8[%swap3A_286, %swap3A_287, %swap3A_288] : memref<21x64x128xf32, #tpu.memory_space<vmem>>, vector<1x64x128xf32>
      %swap3A_290 = vector.shape_cast %swap3A_289 : vector<1x64x128xf32> to vector<64x128xf32>
      %swap3A_291 = vector.shape_cast %mul3A_285 : vector<64x128xf32> to vector<1x64x128xf32>
      tpu.vector_store %arg8[%swap3A_286, %swap3A_287, %swap3A_288], %swap3A_291 {strides = array<i32>} : memref<21x64x128xf32, #tpu.memory_space<vmem>>, vector<1x64x128xf32>,
      %mul3A_292 = arith.constant 2.000000e+00 : f32
      %mul3A_293 = vector.broadcast %mul3A_292 : f32 to vector<64x128xf32>
      %mul3A_294 = arith.mulf %mul3A_293, %mul3A_88 : vector<64x128xf32>
      %mul3A_295 = arith.mulf %mul3A_294, %sub3A_268 : vector<64x128xf32>
      %sub3A_296 = arith.subf %mul3A_295, %sub3A_240 : vector<64x128xf32>
      %mul3A_297 = arith.constant 2.000000e+00 : f32
      %mul3A_298 = vector.broadcast %mul3A_297 : f32 to vector<64x128xf32>
      %mul3A_299 = arith.mulf %mul3A_298, %mul3A_88 : vector<64x128xf32>
      %mul3A_300 = arith.mulf %mul3A_299, %sub3A_273 : vector<64x128xf32>
      %sub3A_301 = arith.subf %mul3A_300, %sub3A_245 : vector<64x128xf32>
      %mul3A_302 = arith.constant 0.564189613 : f32
      %mul3A_303 = vector.broadcast %mul3A_302 : f32 to vector<64x128xf32>
      %mul3A_304 = arith.mulf %sub3A_296, %mul3A_303 : vector<64x128xf32>
      %swap3A_305 = arith.constant 8 : index
      %swap3A_306 = arith.constant 0 : index
      %swap3A_307 = arith.constant 0 : index
      %swap3A_308 = vector.load %arg8[%swap3A_305, %swap3A_306, %swap3A_307] : memref<21x64x128xf32, #tpu.memory_space<vmem>>, vector<1x64x128xf32>
      %swap3A_309 = vector.shape_cast %swap3A_308 : vector<1x64x128xf32> to vector<64x128xf32>
      %swap3A_310 = vector.shape_cast %mul3A_304 : vector<64x128xf32> to vector<1x64x128xf32>
      tpu.vector_store %arg8[%swap3A_305, %swap3A_306, %swap3A_307], %swap3A_310 {strides = array<i32>} : memref<21x64x128xf32, #tpu.memory_space<vmem>>, vector<1x64x128xf32>,
      %mul3A_311 = arith.constant 0.564189613 : f32
      %mul3A_312 = vector.broadcast %mul3A_311 : f32 to vector<64x128xf32>
      %mul3A_313 = arith.mulf %sub3A_301, %mul3A_312 : vector<64x128xf32>
      %swap3A_314 = arith.constant 18 : index
      %swap3A_315 = arith.constant 0 : index
      %swap3A_316 = arith.constant 0 : index
      %swap3A_317 = vector.load %arg8[%swap3A_314, %swap3A_315, %swap3A_316] : memref<21x64x128xf32, #tpu.memory_space<vmem>>, vector<1x64x128xf32>
      %swap3A_318 = vector.shape_cast %swap3A_317 : vector<1x64x128xf32> to vector<64x128xf32>
      %swap3A_319 = vector.shape_cast %mul3A_313 : vector<64x128xf32> to vector<1x64x128xf32>
      tpu.vector_store %arg8[%swap3A_314, %swap3A_315, %swap3A_316], %swap3A_319 {strides = array<i32>} : memref<21x64x128xf32, #tpu.memory_space<vmem>>, vector<1x64x128xf32>,
      %mul3A_320 = arith.constant 2.000000e+00 : f32
      %mul3A_321 = vector.broadcast %mul3A_320 : f32 to vector<64x128xf32>
      %mul3A_322 = arith.mulf %mul3A_321, %mul3A_88 : vector<64x128xf32>
      %mul3A_323 = arith.mulf %mul3A_322, %sub3A_296 : vector<64x128xf32>
      %sub3A_324 = arith.subf %mul3A_323, %sub3A_268 : vector<64x128xf32>
      %mul3A_325 = arith.constant 2.000000e+00 : f32
      %mul3A_326 = vector.broadcast %mul3A_325 : f32 to vector<64x128xf32>
      %mul3A_327 = arith.mulf %mul3A_326, %mul3A_88 : vector<64x128xf32>
      %mul3A_328 = arith.mulf %mul3A_327, %sub3A_301 : vector<64x128xf32>
      %sub3A_329 = arith.subf %mul3A_328, %sub3A_273 : vector<64x128xf32>
      %mul3A_330 = arith.constant 0.564189613 : f32
      %mul3A_331 = vector.broadcast %mul3A_330 : f32 to vector<64x128xf32>
      %mul3A_332 = arith.mulf %sub3A_324, %mul3A_331 : vector<64x128xf32>
      %swap3A_333 = arith.constant 9 : index
      %swap3A_334 = arith.constant 0 : index
      %swap3A_335 = arith.constant 0 : index
      %swap3A_336 = vector.load %arg8[%swap3A_333, %swap3A_334, %swap3A_335] : memref<21x64x128xf32, #tpu.memory_space<vmem>>, vector<1x64x128xf32>
      %swap3A_337 = vector.shape_cast %swap3A_336 : vector<1x64x128xf32> to vector<64x128xf32>
      %swap3A_338 = vector.shape_cast %mul3A_332 : vector<64x128xf32> to vector<1x64x128xf32>
      tpu.vector_store %arg8[%swap3A_333, %swap3A_334, %swap3A_335], %swap3A_338 {strides = array<i32>} : memref<21x64x128xf32, #tpu.memory_space<vmem>>, vector<1x64x128xf32>,
      %mul3A_339 = arith.constant 0.564189613 : f32
      %mul3A_340 = vector.broadcast %mul3A_339 : f32 to vector<64x128xf32>
      %mul3A_341 = arith.mulf %sub3A_329, %mul3A_340 : vector<64x128xf32>
      %swap3A_342 = arith.constant 19 : index
      %swap3A_343 = arith.constant 0 : index
      %swap3A_344 = arith.constant 0 : index
      %swap3A_345 = vector.load %arg8[%swap3A_342, %swap3A_343, %swap3A_344] : memref<21x64x128xf32, #tpu.memory_space<vmem>>, vector<1x64x128xf32>
      %swap3A_346 = vector.shape_cast %swap3A_345 : vector<1x64x128xf32> to vector<64x128xf32>
      %swap3A_347 = vector.shape_cast %mul3A_341 : vector<64x128xf32> to vector<1x64x128xf32>
      tpu.vector_store %arg8[%swap3A_342, %swap3A_343, %swap3A_344], %swap3A_347 {strides = array<i32>} : memref<21x64x128xf32, #tpu.memory_space<vmem>>, vector<1x64x128xf32>,
      %mul3A_348 = arith.constant 2.000000e+00 : f32
      %mul3A_349 = vector.broadcast %mul3A_348 : f32 to vector<64x128xf32>
      %mul3A_350 = arith.mulf %mul3A_349, %mul3A_88 : vector<64x128xf32>
      %mul3A_351 = arith.mulf %mul3A_350, %sub3A_324 : vector<64x128xf32>
      %sub3A_352 = arith.subf %mul3A_351, %sub3A_296 : vector<64x128xf32>
      %mul3A_353 = arith.constant 2.000000e+00 : f32
      %mul3A_354 = vector.broadcast %mul3A_353 : f32 to vector<64x128xf32>
      %mul3A_355 = arith.mulf %mul3A_354, %mul3A_88 : vector<64x128xf32>
      %mul3A_356 = arith.mulf %mul3A_355, %sub3A_329 : vector<64x128xf32>
      %sub3A_357 = arith.subf %mul3A_356, %sub3A_301 : vector<64x128xf32>
      %mul3A_358 = arith.constant 0.564189613 : f32
      %mul3A_359 = vector.broadcast %mul3A_358 : f32 to vector<64x128xf32>
      %mul3A_360 = arith.mulf %sub3A_352, %mul3A_359 : vector<64x128xf32>
      %swap3A_361 = arith.constant 10 : index
      %swap3A_362 = arith.constant 0 : index
      %swap3A_363 = arith.constant 0 : index
      %swap3A_364 = vector.load %arg8[%swap3A_361, %swap3A_362, %swap3A_363] : memref<21x64x128xf32, #tpu.memory_space<vmem>>, vector<1x64x128xf32>
      %swap3A_365 = vector.shape_cast %swap3A_364 : vector<1x64x128xf32> to vector<64x128xf32>
      %swap3A_366 = vector.shape_cast %mul3A_360 : vector<64x128xf32> to vector<1x64x128xf32>
      tpu.vector_store %arg8[%swap3A_361, %swap3A_362, %swap3A_363], %swap3A_366 {strides = array<i32>} : memref<21x64x128xf32, #tpu.memory_space<vmem>>, vector<1x64x128xf32>,
      %mul3A_367 = arith.constant 0.564189613 : f32
      %mul3A_368 = vector.broadcast %mul3A_367 : f32 to vector<64x128xf32>
      %mul3A_369 = arith.mulf %sub3A_357, %mul3A_368 : vector<64x128xf32>
      %swap3A_370 = arith.constant 20 : index
      %swap3A_371 = arith.constant 0 : index
      %swap3A_372 = arith.constant 0 : index
      %swap3A_373 = vector.load %arg8[%swap3A_370, %swap3A_371, %swap3A_372] : memref<21x64x128xf32, #tpu.memory_space<vmem>>, vector<1x64x128xf32>
      %swap3A_374 = vector.shape_cast %swap3A_373 : vector<1x64x128xf32> to vector<64x128xf32>
      %swap3A_375 = vector.shape_cast %mul3A_369 : vector<64x128xf32> to vector<1x64x128xf32>
      tpu.vector_store %arg8[%swap3A_370, %swap3A_371, %swap3A_372], %swap3A_375 {strides = array<i32>} : memref<21x64x128xf32, #tpu.memory_space<vmem>>, vector<1x64x128xf32>,
    } else {
    }
    %get3A = arith.constant 0 : index
    %get3A_2 = arith.constant 0 : index
    %get3A_3 = vector.load %arg4[%get3A, %get3A_2] : memref<21x256xf32, #tpu.memory_space<vmem>>, vector<21x256xf32>
    %get3A_4 = arith.constant 0 : index
    %get3A_5 = arith.constant 0 : index
    %get3A_6 = vector.load %arg5[%get3A_4, %get3A_5] : memref<256x128xf32, #tpu.memory_space<vmem>>, vector<256x128xf32>
    %dot_general3A = arith.constant dense<0.000000e+00> : vector<21x128xf32>
    %dot_general3A_7 = tpu.matmul %get3A_3, %get3A_6, %dot_general3A {dimension_numbers = #tpu.dot_dimension_numbers<[1], [0], [0], [1], [0, 0, 1, 1], [], []>, transpose_lhs_hint = false} : vector<21x256xf32>, vector<256x128xf32>, vector<21x128xf32> -> vector<21x128xf32>
    %get3A_8 = arith.constant 0 : index
    %get3A_9 = arith.constant 0 : index
    %get3A_10 = arith.constant 0 : index
    %get3A_11 = vector.load %arg8[%get3A_8, %get3A_9, %get3A_10] : memref<21x64x128xf32, #tpu.memory_space<vmem>>, vector<21x64x128xf32>
    %reshape3A = vector.shape_cast %get3A_11 : vector<21x64x128xf32> to vector<21x8192xf32>
    %dot_general3A_12 = arith.constant dense<0.000000e+00> : vector<8192x128xf32>
    %dot_general3A_13 = tpu.matmul %reshape3A, %dot_general3A_7, %dot_general3A_12 {dimension_numbers = #tpu.dot_dimension_numbers<[0], [0], [1], [1], [0, 1, 1, 1], [], []>, transpose_lhs_hint = false} : vector<21x8192xf32>, vector<21x128xf32>, vector<8192x128xf32> -> vector<8192x128xf32>
    %get3A_14 = arith.constant 0 : index
    %get3A_15 = arith.constant 0 : index
    %get3A_16 = arith.constant 0 : index
    %get3A_17 = vector.load %arg6[%get3A_14, %get3A_15, %get3A_16] : memref<1x1x128xf32, #tpu.memory_space<vmem>>, vector<1x1x128xf32>
    %squeeze3A = vector.shape_cast %get3A_17 : vector<1x1x128xf32> to vector<1x128xf32>
    %add3A = vector.broadcast %squeeze3A : vector<1x128xf32> to vector<8192x128xf32>
    %add3A_18 = arith.addf %dot_general3A_13, %add3A : vector<8192x128xf32>
    %swap3A = arith.constant 0 : index
    %swap3A_19 = arith.constant 0 : index
    %swap3A_20 = vector.load %arg7[%swap3A, %swap3A_19] : memref<8192x128xf32, #tpu.memory_space<vmem>>, vector<8192x128xf32>
    tpu.vector_store %arg7[%swap3A, %swap3A_19], %add3A_18 {strides = array<i32>} : memref<8192x128xf32, #tpu.memory_space<vmem>>, vector<8192x128xf32>,
    return
  }
  func.func @transform_0(%arg0: i32, %arg1: i32) -> (i32, i32, i32) {
    %c0_i32 = arith.constant 0 : i32
    %c0_i32_0 = arith.constant 0 : i32
    %c0_i32_1 = arith.constant 0 : i32
    return %c0_i32, %arg0, %c0_i32_0 : i32, i32, i32
  }
  func.func @transform_1(%arg0: i32, %arg1: i32) -> (i32, i32, i32) {
    %c0_i32 = arith.constant 0 : i32
    %c0_i32_0 = arith.constant 0 : i32
    %c0_i32_1 = arith.constant 0 : i32
    return %c0_i32, %arg0, %c0_i32_0 : i32, i32, i32
  }
  func.func @transform_2(%arg0: i32, %arg1: i32) -> (i32, i32) {
    %c0_i32 = arith.constant 0 : i32
    %c0_i32_0 = arith.constant 0 : i32
    %c0_i32_1 = arith.constant 0 : i32
    return %c0_i32, %c0_i32_0 : i32, i32
  }
  func.func @transform_3(%arg0: i32, %arg1: i32) -> (i32, i32) {
    %c0_i32 = arith.constant 0 : i32
    %c0_i32_0 = arith.constant 0 : i32
    return %c0_i32, %arg1 : i32, i32
  }
  func.func @transform_4(%arg0: i32, %arg1: i32) -> (i32, i32, i32) {
    %c0_i32 = arith.constant 0 : i32
    %c0_i32_0 = arith.constant 0 : i32
    %c0_i32_1 = arith.constant 0 : i32
    return %arg1, %c0_i32, %c0_i32_0 : i32, i32, i32
  }
  func.func @transform_5(%arg0: i32, %arg1: i32) -> (i32, i32) {
    %mul3A = arith.constant 20 : i32
    %mul3A_0 = arith.muli %arg1, %mul3A : i32
    %add3A = arith.addi %mul3A_0, %arg0 : i32
    %c0_i32 = arith.constant 0 : i32
    %c0_i32_1 = arith.constant 0 : i32
    return %add3A, %c0_i32 : i32, i32
  }
}

module attributes {stable_mosaic.version = 14 : i64} {
  func.func @_out_body(%arg0: i32, %arg1: memref<2000x256xf32, #tpu.memory_space<vmem>>, %arg2: memref<2000x128xf32, #tpu.memory_space<vmem>>, %arg3: memref<2000x128xf32, #tpu.memory_space<vmem>>, %arg4: memref<128x256xf32, #tpu.memory_space<vmem>>, %arg5: memref<128x256xf32, #tpu.memory_space<vmem>>, %arg6: memref<2000x256xf32, #tpu.memory_space<vmem>>) attributes {dimension_semantics = [#tpu.dimension_semantics<arbitrary>], iteration_bounds = array<i64: 5>, scalar_prefetch = 0 : i64, scratch_operands = 0 : i64, tpu.core_type = #tpu.core_type<tc>, window_params = [{transform_indices = @transform_0, window_bounds = array<i64: 2000, 256>}, {transform_indices = @transform_1, window_bounds = array<i64: 2000, 128>}, {transform_indices = @transform_2, window_bounds = array<i64: 2000, 128>}, {pipeline_mode = #tpu.pipeline_mode<synchronous>, transform_indices = @transform_3, window_bounds = array<i64: 128, 256>}, {pipeline_mode = #tpu.pipeline_mode<synchronous>, transform_indices = @transform_4, window_bounds = array<i64: 128, 256>}, {transform_indices = @transform_5, window_bounds = array<i64: 2000, 256>}]} {
    %get3A = arith.constant 0 : index
    %get3A_0 = arith.constant 0 : index
    %get3A_1 = vector.load %arg1[%get3A, %get3A_0] : memref<2000x256xf32, #tpu.memory_space<vmem>>, vector<2000x256xf32>
    %get3A_2 = arith.constant 0 : index
    %get3A_3 = arith.constant 0 : index
    %get3A_4 = vector.load %arg2[%get3A_2, %get3A_3] : memref<2000x128xf32, #tpu.memory_space<vmem>>, vector<2000x128xf32>
    %get3A_5 = arith.constant 0 : index
    %get3A_6 = arith.constant 0 : index
    %get3A_7 = vector.load %arg4[%get3A_5, %get3A_6] : memref<128x256xf32, #tpu.memory_space<vmem>>, vector<128x256xf32>
    %dot_general3A = arith.constant dense<0.000000e+00> : vector<2000x256xf32>
    %dot_general3A_8 = tpu.matmul %get3A_4, %get3A_7, %dot_general3A {dimension_numbers = #tpu.dot_dimension_numbers<[1], [0], [0], [1], [0, 0, 1, 1], [], []>, transpose_lhs_hint = false} : vector<2000x128xf32>, vector<128x256xf32>, vector<2000x256xf32> -> vector<2000x256xf32>
    %add3A = arith.addf %get3A_1, %dot_general3A_8 : vector<2000x256xf32>
    %get3A_9 = arith.constant 0 : index
    %get3A_10 = arith.constant 0 : index
    %get3A_11 = vector.load %arg3[%get3A_9, %get3A_10] : memref<2000x128xf32, #tpu.memory_space<vmem>>, vector<2000x128xf32>
    %get3A_12 = arith.constant 0 : index
    %get3A_13 = arith.constant 0 : index
    %get3A_14 = vector.load %arg5[%get3A_12, %get3A_13] : memref<128x256xf32, #tpu.memory_space<vmem>>, vector<128x256xf32>
    %dot_general3A_15 = arith.constant dense<0.000000e+00> : vector<2000x256xf32>
    %dot_general3A_16 = tpu.matmul %get3A_11, %get3A_14, %dot_general3A_15 {dimension_numbers = #tpu.dot_dimension_numbers<[1], [0], [0], [1], [0, 0, 1, 1], [], []>, transpose_lhs_hint = false} : vector<2000x128xf32>, vector<128x256xf32>, vector<2000x256xf32> -> vector<2000x256xf32>
    %add3A_17 = arith.addf %add3A, %dot_general3A_16 : vector<2000x256xf32>
    %swap3A = arith.constant 0 : index
    %swap3A_18 = arith.constant 0 : index
    %swap3A_19 = vector.load %arg6[%swap3A, %swap3A_18] : memref<2000x256xf32, #tpu.memory_space<vmem>>, vector<2000x256xf32>
    tpu.vector_store %arg6[%swap3A, %swap3A_18], %add3A_17 {strides = array<i32>} : memref<2000x256xf32, #tpu.memory_space<vmem>>, vector<2000x256xf32>,
    return
  }
  func.func @transform_0(%arg0: i32) -> (i32, i32) {
    %c0_i32 = arith.constant 0 : i32
    %c0_i32_0 = arith.constant 0 : i32
    return %arg0, %c0_i32 : i32, i32
  }
  func.func @transform_1(%arg0: i32) -> (i32, i32) {
    %c0_i32 = arith.constant 0 : i32
    %c0_i32_0 = arith.constant 0 : i32
    return %arg0, %c0_i32 : i32, i32
  }
  func.func @transform_2(%arg0: i32) -> (i32, i32) {
    %c0_i32 = arith.constant 0 : i32
    %c0_i32_0 = arith.constant 0 : i32
    return %arg0, %c0_i32 : i32, i32
  }
  func.func @transform_3(%arg0: i32) -> (i32, i32) {
    %c0_i32 = arith.constant 0 : i32
    %c0_i32_0 = arith.constant 0 : i32
    %c0_i32_1 = arith.constant 0 : i32
    return %c0_i32, %c0_i32_0 : i32, i32
  }
  func.func @transform_4(%arg0: i32) -> (i32, i32) {
    %c0_i32 = arith.constant 0 : i32
    %c0_i32_0 = arith.constant 0 : i32
    %c0_i32_1 = arith.constant 0 : i32
    return %c0_i32, %c0_i32_0 : i32, i32
  }
  func.func @transform_5(%arg0: i32) -> (i32, i32) {
    %c0_i32 = arith.constant 0 : i32
    %c0_i32_0 = arith.constant 0 : i32
    return %arg0, %c0_i32 : i32, i32
  }
}

</mosaic_0001>

<sc_bundles>
// kernel: kernel.6.cloned.1.call-start
scs
__scs_entry_jumppad:
0x0: {  	(pc) =	sbr.rel $0x88, $3  }
0x1: {  	(tag) =	ssettag $0x0;
	lr =	simm.s32 $0x1  }
0x2: {  	[smem:$0x3F98] =	sst lr;
	_ =	strace $0xD0000000  }
0x3: {  	_ = 	snop  }
0x4: {  	_ = 	snop  }
0x5: {  	_ = 	snop  }
0x6: {  	_ = 	snop  }
0x7: {  	_ = 	snop  }
__scs_overlays_trampoline_lowered:
0x8: {  	[smem:$0x3FA7] =	sst s0  }
0x9: {  	[smem:$0x3FA8] =	sst s1  }
0xa: {  	[smem:$0x3FA9] =	sst s2  }
0xb: {  	[smem:$0x3FAA] =	sst s3  }
0xc: {  	[smem:$0x3FAB] =	sst s4  }
0xd: {  	[smem:$0x3FAC] =	sst s5  }
0xe: {  	[smem:$0x3FAD] =	sst s6  }
0xf: {  	[smem:$0x3FAE] =	sst s7  }
0x10: {  	[smem:$0x3FAF] =	sst s8  }
0x11: {  	[smem:$0x3FB0] =	sst s9;
	s0 =	simm.s32 @!p0 $0x0  }
0x12: {  	s1 =	sld [smem:$0x3F96];
	s0 =	simm.s32 @p0 $0x1  }
0x13: {  	[smem:$0x3FB1] =	sst s0;
	s0 =	simm.s32 @!p1 $0x0  }
0x14: {  	s2 =	sld [smem:$0x3F95];
	s0 =	simm.s32 @p1 $0x1  }
0x15: {  	[smem:$0x3FB2] =	sst s0;
	s0 =	simm.s32 @!p2 $0x0  }
0x16: {  	s3 =	sld [smem:$0x3FDB];
	s0 =	simm.s32 @p2 $0x1  }
0x17: {  	s4 =	simm.s32 $0x1BF5;
	[smem:$0x3FB4] =	sst s0  }
0x18: {  	s0 =	sld [smem:$0x3F97];
	_ =	swait.ge [sflag:s4], $0x0  }
0x19: {  	s7 =	sld [smem:$0x3F98]  }
0x1a: {  	s8 =	sadd.s32 $0xFFFFE003, lr  }
0x1b: {  	s9 =	sadd.s32 $0xFFFFFEF7, lr;
	s5 =	simm.s32 $0xFFFFFFFF;
	p2 =	slt.u32 s8, $0xFFFFF086  }
0x1c: {  	p1 =	slt.u32 s9, $0xF7A;
	s5 =	simm.s32 @!p2 $0x0  }
0x1d: {  	s5 =	simm.s32 @p1 $0x1;
	p0 =	seq.s32 s7, s2  }
0x1e: {  	s7 =	smul.u32 @!p0 $0xF7A, s2;
	p2 =	seq.s32 @!p0 s5, $0x0  }
0x1f: {  	s9 =	smul.u32 $0xF7A, s1;
	s8 =	simm.s32 @!p0 $0x1BF5;
	p2 =	por !p2, p0  }
0x20: {  	[sflag:s8] =	ssyncset.s32 @!p0 $0xFFFFF086;
	s6 =	sadd.s32 @!p0 s3, s7;
	s7 =	simm.s32 @!p0 $0x108  }
0x21: {  	s3 =	sadd.s32 s3, s9;
	s6 =	sadd.s32 @!p0 $0x88, s6;
	s7 =	simm.s32 @p2 $0x1082  }
0x22: {  	[simem:s7], [sflag:s8] =	dma.local @!p0 [hbm:s6], $0xF7A  }
0x23: {  	s9 =	sor.u32 $0xD0000000, s2;
	s6 =	simm.s32 $0x108;
	_ =	swait.ge @!p0 [sflag:s8], $0x0  }
0x24: {  	s3 =	sadd.s32 $0x88, s3;
	s6 =	simm.s32 @!p1 $0x1082;
	[sflag:s4] =	ssyncset.s32 $0xFFFFF086  }
0x25: {  	[simem:s6], [sflag:s4] =	dma.local [hbm:s3], $0xF7A  }
0x26: {  	[smem:$0x3F98] =	sst s1;
	(tag) =	ssettag s2;
	_ =	strace s9  }
0x27: {  	s1 =	sld [smem:$0x3FA8]  }
0x28: {  	s2 =	sld [smem:$0x3FA9]  }
0x29: {  	s4 =	sld [smem:$0x3FAB]  }
0x2a: {  	p0 =	seq.s32 s5, $0x0;
	s5 =	sld [smem:$0x3FAC]  }
0x2b: {  	s6 =	sld [smem:$0x3FAD]  }
0x2c: {  	s7 =	sld [smem:$0x3FAE]  }
0x2d: {  	s3 =	simm.s32 $0x108;
	s8 =	sld [smem:$0x3FAF]  }
0x2e: {  	s3 =	simm.s32 @!p0 $0x1082;
	s9 =	sld [smem:$0x3FB0]  }
0x2f: {  	lr =	sadd.s32 s0, s3;
	s0 =	sld [smem:$0x3FA7]  }
0x30: {  	s3 =	sld [smem:$0x3FAA]  }
0x31: {  	[smem:$0x3FB3] =	sst s10  }
0x32: {  	s10 =	sld [smem:$0x3FB1];
	_ =	sdelay $0x3  }
0x33: {  	p0 =	seq.s32 s10, $0x1;
	s10 =	sld [smem:$0x3FB3];
	_ =	sdelay $0x3  }
0x34: {  	[smem:$0x3FB3] =	sst s10  }
0x35: {  	s10 =	sld [smem:$0x3FB2];
	_ =	sdelay $0x3  }
0x36: {  	p1 =	seq.s32 s10, $0x1;
	s10 =	sld [smem:$0x3FB3];
	_ =	sdelay $0x3  }
0x37: {  	[smem:$0x3FB3] =	sst s10  }
0x38: {  	s10 =	sld [smem:$0x3FB4]  }
0x39: {  	_ = 	snop;
	(pc) =	sbr.ind lr, $3  }
0x3a: {  	_ = 	snop  }
0x3b: {  	_ = 	snop  }
0x3c: {  	p2 =	seq.s32 s10, $0x1;
	s10 =	sld [smem:$0x3FB3]  }
0x3d: {  	_ =	shalt  }
0x3e: {  	_ =	shalt  }
0x3f: {  	_ =	shalt  }
0x40: {  	_ =	shalt  }
0x41: {  	_ =	shalt  }
0x42: {  	_ =	shalt  }
0x43: {  	_ =	shalt  }
0x44: {  	_ =	shalt  }
0x45: {  	_ =	shalt  }
0x46: {  	_ =	shalt  }
0x47: {  	_ =	shalt  }
0x48: {  	_ =	shalt  }
0x49: {  	_ =	shalt  }
0x4a: {  	_ =	shalt  }
0x4b: {  	_ =	shalt  }
0x4c: {  	_ =	shalt  }
0x4d: {  	_ =	shalt  }
0x4e: {  	_ =	shalt  }
0x4f: {  	_ =	shalt  }
0x50: {  	_ =	shalt  }
0x51: {  	_ =	shalt  }
0x52: {  	_ =	shalt  }
0x53: {  	_ =	shalt  }
0x54: {  	_ =	shalt  }
0x55: {  	_ =	shalt  }
0x56: {  	_ =	shalt  }
0x57: {  	_ =	shalt  }
0x58: {  	_ =	shalt  }
0x59: {  	_ =	shalt  }
0x5a: {  	_ =	shalt  }
0x5b: {  	_ =	shalt  }
0x5c: {  	_ =	shalt  }
0x5d: {  	_ =	shalt  }
0x5e: {  	_ =	shalt  }
0x5f: {  	_ =	shalt  }
0x60: {  	_ =	shalt  }
0x61: {  	_ =	shalt  }
0x62: {  	_ =	shalt  }
0x63: {  	_ =	shalt  }
0x64: {  	_ =	shalt  }
0x65: {  	_ =	shalt  }
0x66: {  	_ =	shalt  }
0x67: {  	_ =	shalt  }
0x68: {  	_ =	shalt  }
0x69: {  	_ =	shalt  }
0x6a: {  	_ =	shalt  }
0x6b: {  	_ =	shalt  }
0x6c: {  	_ =	shalt  }
0x6d: {  	_ =	shalt  }
0x6e: {  	_ =	shalt  }
0x6f: {  	_ =	shalt  }
0x70: {  	_ =	shalt  }
0x71: {  	_ =	shalt  }
0x72: {  	_ =	shalt  }
0x73: {  	_ =	shalt  }
0x74: {  	_ =	shalt  }
0x75: {  	_ =	shalt  }
0x76: {  	_ =	shalt  }
0x77: {  	_ =	shalt  }
0x78: {  	_ =	shalt  }
0x79: {  	_ =	shalt  }
0x7a: {  	_ =	shalt  }
0x7b: {  	_ =	shalt  }
0x7c: {  	_ =	shalt  }
0x7d: {  	_ =	shalt  }
0x7e: {  	_ =	shalt  }
0x7f: {  	_ =	shalt  }
0x80: {  	_ =	shalt  }
0x81: {  	_ =	shalt  }
0x82: {  	_ =	shalt  }
0x83: {  	_ =	shalt  }
0x84: {  	_ =	shalt  }
0x85: {  	_ =	shalt  }
0x86: {  	_ =	shalt  }
0x87: {  	_ =	shalt  }
.Lfunc_end0:
.L_simem_size_0:
called_computation_lowered:
.L_overlay_start_0:
0x88: {  	s2 =	sld [smem:$0x3FD9]  }
0x89: {  	s3 =	sld [smem:$0x3FFE];
	_ =	sdelay $0x1  }
0x8a: {  	s1 =	srdreg.scid  }
0x8b: {  	s0 =	sand.u32 $0x1, s1  }
0x8c: {  	s16 =	sshll.u32 s0, $0xA;
	s2 =	sadd.s32 s3, s2  }
0x8d: {  	s2 =	sadd.s32 s2, s16  }
0x8e: {  	[smem:$0x3FBF] =	sst s2  }
0x8f: {  	_ = 	snop  }
0x90: {  	(tm) =	ssettm $0x1  }
0x91: {  	s17 =	sld [smem:$0x3FFB];
	_ =	sdelay $0x3  }
0x92: {  	_ =	strace s17  }
0x93: {  	s2 =	sld [smem:$0x3FFC];
	_ =	sdelay $0x3  }
0x94: {  	_ =	strace s2  }
0x95: {  	s2 =	sld [smem:$0x3FFD];
	_ =	sdelay $0x3  }
0x96: {  	_ =	strace s2  }
0x97: {  	_ =	strace $0x8FFFFFFF  }
0x98: {  	s18 =	sld [smem:$0x3FDB];
	_ =	sdelay $0x1  }
0x99: {  	s19 =	simm.s32 $_scs_section_size  }
0x9a: {  	s4 =	simm.s32 $_size__tile_overlayer_lowered;
	s5 =	simm.s32 $_tile_overlayer_lowered  }
0x9b: {  	s22 =	simm.s32 $0x1BFF;
	s21 =	sshll.u32 s5, $0x1;
	s2 =	sadd.s32 s19, s18  }
0x9c: {  	s6 =	simm.s32 $0x0;
	s20 =	sshll.u32 s4, $0x1;
	s4 =	sadd.s32 s21, s2  }
0x9d: {  	[timem:s6], [sflag:s22] =	dma.local [hbm:s4], s20  }
0x9e: {  	_ =	swait.ge [sflag:s22], s20  }
0x9f: {  	s3 =	ssub.s32 $0x0, s20;
	[sflag:s22] =	ssyncset.done $0x0  }
0xa0: {  	[sflag:s22] =	ssyncadd.s32 s3;
	_ =	sdelay $0x1  }
0xa1: {  	s23 =	simm.s32 $0x1B8B  }
0xa2: {  	_ =	swait.ge [sflag:s23], $0x1  }
0xa3: {  	[sflag:s23] =	ssyncset.done $0x0  }
0xa4: {  	s25 =	simm.s32 $0x1B8E;
	s24 =	sld [smem:$0x3FFE];
	[sflag:s23] =	ssyncadd.s32 $0xFFFFFFFF  }
0xa5: {  	s26 =	simm.s32 $execute0_lowered;
	[smem:$0x3FD2] =	sst s25  }
0xa6: {  	s4 =	sshll.u32 s26, $0x1;
	_ =	strace $0x80000046;
	[dreg:$0x1] =	wrdreg $0xFFFFFFFF  }
0xa7: {  	s28 =	simm.s32 $_size_execute0_lowered;
	s2 =	sadd.s32 s2, s4;
	[dreg:$0x0] =	wrdreg $0x0  }
0xa8: {  	s4 =	sshll.u32 s28, $0x1;
	[dreg:$0x2] =	wrdreg s2  }
0xa9: {  	[dreg:$0x3] =	wrdreg s4  }
0xaa: {  	[dreg:$0x4] =	wrdreg $0xC0  }
0xab: {  	_ =	task [dreg:s6], $0x5FFFF  }
0xac: {  	[dreg:$0x1] =	wrdreg $0xFFFFFFFF  }
0xad: {  	[dreg:$0x0] =	wrdreg $0x60  }
0xae: {  	[dreg:$0x2] =	wrdreg s24  }
0xaf: {  	[dreg:$0x3] =	wrdreg $0xC3000  }
0xb0: {  	[dreg:$0x4] =	wrdreg $0x9  }
0xb1: {  	_ =	task.clear_ibuf [dreg:s6], $0x5FFFF;
	_ =	strace $0x90000046  }
0xb2: {  	s29 =	simm.s32 $0x9;
	_ =	strace $0x80000048  }
0xb3: {  	_ =	swait.ge [sflag:s29], $0x1  }
0xb4: {  	[sflag:s29] =	ssyncadd.s32 $0xFFFFFFFF  }
0xb5: {  	_ =	strace $0x90000048  }
0xb6: {  	_ =	sfence  }
0xb7: {  	s30 =	sld [smem:$0x0];
	_ =	sdelay $0x2  }
0xb8: {  	s31 =	sshll.u32 s1, $0xD;
	s1 =	sshrl.u32 s1, $0x2  }
0xb9: {  	s3 =	sand.u32 $0x4000, s31;
	s1 =	sadd.s32 s1, s30  }
0xba: {  	s0 =	sor.u32 s3, s0;
	s1 =	sshll.u32 s1, $0x11  }
0xbb: {  	s0 =	sor.u32 s1, s0  }
0xbc: {  	s0 =	sadd.s32 $0x8F2B, s0  }
0xbd: {  	[sflag:s0] =	ssyncadd.remote.s32 $0x1  }
0xbe: {  	_ =	sfence.sel $0xFFFF  }
0xbf: {  	[dreg:$0x0] =	wrdreg $0xFFFFFFFF;
	(pc) =	sbr.abs _section_cstart, $3  }
0xc0: {  	[dreg:$0x1] =	wrdreg $0xFFFFFFFF  }
0xc1: {  	_ =	task.clear_ibuf [dreg:s6], $0x2FFFF;
	_ =	strace $0x9FFFFFFF  }
0xc2: {  	(tm) =	ssettm $0x7FFFFFFF  }
0xc3: {  	_ =	shalt  }
tec
execute0_lowered:
.L_overlay_start_1:
0x0: {  	(tag) =	ssettag $0x1  }
0x1: {  	s14 =	stileid.u32  }
0x2: {  	s0 =	rddreg [dreg:$0x0];
	s6 =	smul.u32 $0x278, s14  }
0x3: {  	s2 =	rddreg [dreg:$0x1];
	s8 =	smul.u32 $0x4F000, s14  }
0x4: {  	s1 =	srdreg.scid;
	s3 =	simm.s32 $0x0;
	s12 =	smul.u32 $0xA00, s14  }
0x5: {  	s28 =	simm.s32 $0x3;
	s29 =	simm.s32 $0x80;
	s13 =	smul.u32 $0x28000, s14  }
0x6: {  	s30 =	simm.s32 $0xA300;
	s1 =	sand.u32 $0x1, s1;
	s17 =	smul.u32 $0xA0, s14  }
0x7: {  	s31 =	simm.s32 $0x1;
	[smem:$0x7FF] =	sst s3;
	s7 =	smul.u32 $0x2780, s1  }
0x8: {  	s4 =	sadd.s32 $0x2000, s0;
	s5 =	sadd.s32 $0xC000, s0;
	s9 =	smul.u32 $0x2710, s1  }
0x9: {  	_ =	strace $0x80000047;
	s24 =	ssub.s32 $0x2, s1;
	s25 =	smul.u32 $0x280000, s1  }
0xa: {  	s15 =	smul.u32 $0x1400000, s1;
	s1 =	simm.s32 $0x4300;
	s10 =	sshrl.u32 s24, $0x1  }
0xb: {  	s8 =	sshrl.u32 s8, $0x2;
	s12 =	sadd.s32 s4, s12;
	s14 =	sor.u32 $0x1, s17  }
0xc: {  	s7 =	sadd.s32 s6, s7;
	s10 =	ssub.s32 s24, s10;
	s24 =	sadd.s32 s8, s2  }
0xd: {  	s6 =	sadd.s32 $0xA8400, s0;
	[dreg:$0x6] =	wrdreg s12;
	s26 =	sadd.s32 $0xC000, s24  }
0xe: {  	s8 =	sadd.s32 s13, s25;
	s11 =	sadd.s32 $0x10000, s24;
	[dreg:$0x4] =	wrdreg s26  }
0xf: {  	s16 =	sor.u32 $0x2, s17;
	s8 =	sadd.s32 s6, s8;
	[dreg:$0x5] =	wrdreg s11  }
0x10: {  	s18 =	sadd.s32 $0x4E20, s9;
	s25 =	smax.u32 s10, $0x1;
	[dreg:$0x7] =	wrdreg s8  }
0x11: {  	s7 =	sshll.u32 s7, $0x4;
	s23 =	sadd.s32 $0x8000, s24;
	[dreg:$0xd] =	wrdreg s25  }
0x12: {  	s0 =	sadd.s32 s7, s0;
	s26 =	sadd.s32 $0x10, s12;
	[dreg:$0x3] =	wrdreg s23  }
0x13: {  	s22 =	sadd.s32 $0x4000, s24;
	s13 =	sadd.s32 $0x5A8400, s0;
	[dreg:$0xe] =	wrdreg s26  }
0x14: {  	v1 =	vmov s18;
	s18 =	simm.s32 $0x2;
	s19 =	sadd.s32 $0x5A8C00, s0;
	[dreg:$0x8] =	wrdreg s13  }
0x15: {  	s25 =	simm.s32 $0x300;
	s20 =	sadd.s32 $0x5A9400, s0;
	[dreg:$0x9] =	wrdreg s19  }
0x16: {  	s21 =	sadd.s32 $0x5A9C00, s0;
	s0 =	sadd.s32 $0x5AA400, s0;
	[dreg:$0xa] =	wrdreg s20  }
0x17: {  	s26 =	simm.s32 $0x4;
	s19 =	sor.u32 $0x3, s17;
	[dreg:$0xb] =	wrdreg s21  }
0x18: {  	[dreg:$0xc] =	wrdreg s0;
	s0 =	simm.s32 $0x280;
	s13 =	simm.s32 $0x40  }
0x19: {  	v2 =	vimm.f32 $0.0e+00;
	v0 =	vmov s9;
	s17 =	simm.s32 $0x100;
	s20 =	simm.s32 $0x180;
	s21 =	simm.s32 $0x0  }
.LBB2_1:
0x1a: {  	s8 =	simm.s32 $0x0;
	s9 =	simm.s32 $0x200  }
.LBB2_2:
0x1b: {  	p0 =	sne.s32 s9, $0xFE00;
	[tilespmem:s8+$0x370] =	vst v2  }
0x1c: {  	[tilespmem:s8+$0x300] =	vst v2  }
0x1d: {  	[tilespmem:s8+$0x310] =	vst v2  }
.Ltmp0:
0x1e: {  	[tilespmem:s8+$0x320] =	vst v2;
	(pc) =	sbr.rel @p0 .LBB2_2-.Ltmp0, $4  }
0x1f: {  	[tilespmem:s8+$0x330] =	vst v2  }
0x20: {  	[tilespmem:s8+$0x340] =	vst v2  }
0x21: {  	[tilespmem:s8+$0x350] =	vst v2  }
0x22: {  	[tilespmem:s8+$0x360] =	vst v2;
	s8 =	sshra.s32 s9, $0x2;
	s9 =	sadd.s32 $0x200, s9  }
0x23: {  	[tilespmem:s8+$0x370] =	vst v2  }
0x24: {  	[tilespmem:s8+$0x300] =	vst v2  }
0x25: {  	[tilespmem:s8+$0x310] =	vst v2  }
0x26: {  	[tilespmem:s8+$0x320] =	vst v2  }
0x27: {  	[tilespmem:s8+$0x330] =	vst v2  }
0x28: {  	[tilespmem:s8+$0x340] =	vst v2  }
0x29: {  	[tilespmem:s8+$0x350] =	vst v2  }
0x2a: {  	[tilespmem:s8+$0x360] =	vst v2  }
0x2b: {  	[spmem:s24] =	stream.linear.scatter [tilespmem:s25], [sflag:$0x4], $0x4000, $0x38;
	[tilespmem:$0x1FF00] =	vst v63  }
0x2c: {  	_ =	swait.ge [sflag:s26], $0x4000  }
0x2d: {  	[sflag:s26] =	ssyncset.done $0x0  }
0x2e: {  	[sflag:s26] =	ssyncadd.s32 $0xFFFFC000  }
0x2f: {  	[spmem:s22] =	stream.linear.scatter [tilespmem:s25], [sflag:$0x4], $0x4000, $0x38;
	[tilespmem:$0x1FF00] =	vst v63  }
0x30: {  	_ =	swait.ge [sflag:s26], $0x4000  }
0x31: {  	[sflag:s26] =	ssyncset.done $0x0  }
0x32: {  	[sflag:s26] =	ssyncadd.s32 $0xFFFFC000  }
0x33: {  	[spmem:s23] =	stream.linear.scatter [tilespmem:s25], [sflag:$0x4], $0x4000, $0x38;
	[tilespmem:$0x1FF00] =	vst v63  }
0x34: {  	_ =	swait.ge [sflag:s26], $0x4000  }
0x35: {  	[sflag:s26] =	ssyncset.done $0x0  }
0x36: {  	s7 =	smov.u32 s24;
	s24 =	rddreg [dreg:$0x4];
	[sflag:s26] =	ssyncadd.s32 $0xFFFFC000  }
0x37: {  	[spmem:s24] =	stream.linear.scatter [tilespmem:s25], [sflag:$0x4], $0x4000, $0x38;
	[tilespmem:$0x1FF00] =	vst v63  }
0x38: {  	_ =	swait.ge [sflag:s26], $0x4000  }
0x39: {  	[sflag:s26] =	ssyncset.done $0x0  }
0x3a: {  	s9 =	rddreg [dreg:$0x5];
	[sflag:s26] =	ssyncadd.s32 $0xFFFFC000  }
0x3b: {  	[spmem:s9] =	stream.linear.scatter [tilespmem:s25], [sflag:$0x4], $0x3C00, $0x38;
	[tilespmem:$0x1FF00] =	vst v63  }
0x3c: {  	_ =	swait.ge [sflag:s26], $0x3C00  }
0x3d: {  	[sflag:s26] =	ssyncset.done $0x0  }
0x3e: {  	[sflag:s26] =	ssyncadd.s32 $0xFFFFC400  }
0x3f: {  	[bflag:$0x0] =	sbarrier.arrive $0xFFFF  }
0x40: {  	s11 =	smov.u32 s22;
	s22 =	simm.s32 $0x0;
	s10 =	rddreg [dreg:$0x6]  }
0x41: {  	[tilespmem:s22], [sflag:$0x3] =	stream.linear.gather [hbm4b:s10+s22], $0x80, $0x38;
	[tilespmem:$0x1FF00] =	vst v63  }
0x42: {  	_ =	swait.ge [sflag:s28], $0x80  }
0x43: {  	[sflag:s28] =	ssyncset.done $0x0  }
0x44: {  	[sflag:s28] =	ssyncadd.s32 $0xFFFFFF80  }
0x45: {  	v3 =	vld [tilespmem:$0x0]  }
0x46: {  	v7 =	vld [tilespmem:$0x40]  }
0x47: {  	v4 =	vld [tilespmem:$0x10]  }
0x48: {  	v5 =	vld [tilespmem:$0x20]  }
0x49: {  	v6 =	vld [tilespmem:$0x30];
	_ =	sdelay $0x1  }
0x4a: {  	v3 =	vadd.s32 v0, v3;
	[tilespmem:$0x100] =	vst v7  }
0x4b: {  	v59 =	vld [tilespmem:$0x50];
	[tilespmem:$0x200] =	vst v3;
	v3 =	vadd.s32 v0, v4  }
0x4c: {  	v60 =	vld [tilespmem:$0x60];
	[tilespmem:$0x210] =	vst v3;
	v3 =	vadd.s32 v0, v5  }
0x4d: {  	[tilespmem:$0x220] =	vst v3;
	v3 =	vadd.s32 v0, v6  }
0x4e: {  	[tilespmem:$0x230] =	vst v3;
	v3 =	vadd.s32 v1, v7  }
0x4f: {  	[tilespmem:$0x240] =	vst v3;
	v3 =	vld [tilespmem:$0x70]  }
0x50: {  	[tilespmem:$0x110] =	vst v59  }
0x51: {  	v61 =	vadd.s32 v1, v59;
	[tilespmem:$0x120] =	vst v60  }
0x52: {  	v62 =	vadd.s32 v1, v60;
	[tilespmem:$0x250] =	vst v61  }
0x53: {  	[tilespmem:$0x260] =	vst v62  }
0x54: {  	v63 =	vadd.s32 v1, v3;
	[tilespmem:$0x130] =	vst v3  }
0x55: {  	s12 =	simm.s32 $0x200;
	[tilespmem:$0x270] =	vst v63  }
0x56: {  	[tilespmem:s25], [sflag:$0x1] =	stream.indirect.gather [hbm4b:s5+s29], $0x80, s12, s29, $0xb8;
	[tilespmem:$0x1FF00] =	vst v63  }
0x57: {  	s9 =	simm.s32 $0x8300;
	s23 =	rddreg [dreg:$0x7]  }
0x58: {  	[tilespmem:s9], [sflag:$0x1] =	stream.linear.gather [hbm4b:s23+s22], $0x2000, $0x38;
	[tilespmem:$0x1FF00] =	vst v63  }
0x59: {  	s24 =	rddreg [dreg:$0xe]  }
0x5a: {  	[tilespmem:s29], [sflag:$0x3] =	stream.linear.gather [hbm4b:s24+s22], $0x80, $0x38;
	[tilespmem:$0x1FF00] =	vst v63  }
.LBB2_4:
0x5b: {  	_ =	swait.ge [sflag:s28], $0x80  }
0x5c: {  	[sflag:s28] =	ssyncset.done $0x0  }
0x5d: {  	[sflag:s28] =	ssyncadd.s32 $0xFFFFFF80  }
0x5e: {  	v3 =	vld [tilespmem:$0x80]  }
0x5f: {  	v7 =	vld [tilespmem:$0xC0]  }
0x60: {  	v4 =	vld [tilespmem:$0x90]  }
0x61: {  	v5 =	vld [tilespmem:$0xA0]  }
0x62: {  	v6 =	vld [tilespmem:$0xB0];
	_ =	sdelay $0x1  }
0x63: {  	v3 =	vadd.s32 v0, v3;
	[tilespmem:$0x180] =	vst v7  }
0x64: {  	[tilespmem:$0x280] =	vst v3;
	v3 =	vadd.s32 v0, v4;
	v4 =	vld [tilespmem:$0xD0]  }
0x65: {  	[tilespmem:$0x290] =	vst v3;
	v3 =	vadd.s32 v0, v5  }
0x66: {  	v5 =	vld [tilespmem:$0xE0];
	[tilespmem:$0x2A0] =	vst v3;
	v3 =	vadd.s32 v0, v6  }
0x67: {  	[tilespmem:$0x2B0] =	vst v3;
	v3 =	vadd.s32 v1, v7  }
0x68: {  	[tilespmem:$0x2C0] =	vst v3;
	v3 =	vld [tilespmem:$0xF0]  }
0x69: {  	v6 =	vadd.s32 v1, v4;
	[tilespmem:$0x190] =	vst v4  }
0x6a: {  	s23 =	sshll.u32 s22, $0x1;
	[tilespmem:$0x2D0] =	vst v6  }
0x6b: {  	s8 =	sadd.s32 s23, s14;
	v4 =	vadd.s32 v1, v5;
	[tilespmem:$0x1A0] =	vst v5  }
0x6c: {  	s8 =	sshll.u32 s8, $0xD;
	[tilespmem:$0x2E0] =	vst v4  }
0x6d: {  	s8 =	sadd.s32 s15, s8;
	v4 =	vadd.s32 v1, v3;
	[tilespmem:$0x1B0] =	vst v3  }
0x6e: {  	p0 =	seq.s32 s22, $0x4F;
	s8 =	sshrl.u32 s8, $0x3;
	[tilespmem:$0x2F0] =	vst v4  }
0x6f: {  	[tilespmem:s1], [sflag:$0x2] =	stream.indirect.gather [hbm4b:s5+s29], $0x80, s0, s29, $0xb8;
	[tilespmem:$0x1FF00] =	vst v63  }
0x70: {  	s24 =	sadd.s32 @!p0 s23, s16;
	s8 =	sadd.s32 s6, s8  }
0x71: {  	[tilespmem:s30], [sflag:$0x2] =	stream.linear.gather [hbm4b:s8+s3], $0x2000, $0x38;
	[tilespmem:$0x1FF00] =	vst v63  }
0x72: {  	s8 =	sshll.u32 @!p0 s24, $0x4  }
0x73: {  	s9 =	simm.s32 @!p0 $0x0;
	s8 =	sadd.s32 @!p0 s4, s8  }
0x74: {  	[tilespmem:s9], [sflag:$0x3] =	stream.linear.gather @!p0 [hbm4b:s8+s9], $0x80, $0x38;
	[tilespmem:$0x1FF00] =	vst v63  }
0x75: {  	_ =	swait.ge [sflag:s31], $0x4000  }
0x76: {  	[sflag:s31] =	ssyncset.done $0x0  }
0x77: {  	[sflag:s31] =	ssyncadd.s32 $0xFFFFC000  }
0x78: {  	_ =	swait.ge [sflag:s31], $0x2000  }
0x79: {  	[sflag:s31] =	ssyncset.done $0x0  }
0x7a: {  	s12 =	simm.s32 $0xFFFFE000;
	[sflag:s31] =	ssyncadd.s32 $0xFFFFE000  }
0x7b: {  	v3 =	vld [tilespmem:s12+$0x2370]  }
0x7c: {  	v4 =	vld [tilespmem:s12+$0x4370]  }
0x7d: {  	v5 =	vld [tilespmem:s12+$0x2300]  }
0x7e: {  	v6 =	vld [tilespmem:s12+$0xA370]  }
0x7f: {  	v7 =	vld [tilespmem:s12+$0x4300]  }
0x80: {  	v8 =	vld [tilespmem:s12+$0x2310]  }
0x81: {  	v9 =	vld [tilespmem:s12+$0x4310]  }
0x82: {  	v10 =	vld [tilespmem:s12+$0x4320];
	v3 =	vadd.f32 v4, v3  }
0x83: {  	v12 =	vld [tilespmem:s12+$0x4330]  }
0x84: {  	v13 =	vld [tilespmem:s12+$0x2340];
	v11 =	vadd.f32 v6, v3  }
0x85: {  	v14 =	vld [tilespmem:s12+$0x4340]  }
0x86: {  	v15 =	vld [tilespmem:s12+$0x2350];
	v3 =	vmul.f32 $1.442695020e+00, v11  }
0x87: {  	v16 =	vld [tilespmem:s12+$0x4350]  }
0x88: {  	v17 =	vld [tilespmem:s12+$0x2360];
	(erf) = vpow2.f32 v3  }
0x89: {  	v18 =	vld [tilespmem:s12+$0x4360]  }
0x8a: {  	v19 =	vld [tilespmem:s12+$0xA310]  }
0x8b: {  	v20 =	vld [tilespmem:s12+$0xA320]  }
0x8c: {  	v22 =	vld [tilespmem:s12+$0xA350]  }
0x8d: {  	v3 =	vld [tilespmem:s12+$0xA300]  }
0x8e: {  	v4 =	vld [tilespmem:s12+$0x2320]  }
0x8f: {  	s8 =	simm.s32 $0xFFFFE080;
	v6 =	vld [tilespmem:s12+$0x2330]  }
0x90: {  	v23 =	vld [tilespmem:s8+$0x2370];
	v5 =	vadd.f32 v7, v5  }
0x91: {  	v7 =	vld [tilespmem:s12+$0xA330];
	v8 =	vadd.f32 v9, v8;
	v13 =	vadd.f32 v14, v13;
	v21 =	vpop (erf)  }
0x92: {  	v9 =	vld [tilespmem:s12+$0xA340];
	v5 =	vadd.f32 v3, v5;
	v21 =	vadd.f32 $1.000000000e+00, v21  }
0x93: {  	v4 =	vadd.f32 v10, v4;
	v3 =	vadd.f32 v19, v8;
	v19 =	vld [tilespmem:s12+$0xA360]  }
0x94: {  	v6 =	vadd.f32 v12, v6;
	v8 =	vmul.f32 $1.442695020e+00, v5;
	(erf) = vrcp.f32 v21;
	v21 =	vld [tilespmem:s8+$0x4370]  }
0x95: {  	v10 =	vadd.f32 v20, v4;
	v4 =	vadd.f32 v16, v15  }
0x96: {  	v14 =	vld [tilespmem:s8+$0xA370];
	v16 =	vadd.f32 v18, v17;
	v24 =	vmul.f32 $1.442695020e+00, v3;
	(erf) = vpow2.f32 v8  }
0x97: {  	v17 =	vmul.f32 $1.442695020e+00, v10;
	v8 =	vadd.f32 v7, v6;
	v7 =	vadd.f32 v9, v13  }
0x98: {  	v6 =	vadd.f32 v22, v4;
	v4 =	vadd.f32 v19, v16;
	(erf) = vpow2.f32 v24  }
0x99: {  	v9 =	vmul.f32 $1.442695020e+00, v8;
	(erf) = vpow2.f32 v17;
	v20 =	vadd.f32 v21, v23  }
0x9a: {  	v17 =	vmul.f32 $1.442695020e+00, v6;
	v21 =	vmul.f32 $1.442695020e+00, v7  }
0x9b: {  	(erf) = vpow2.f32 v9;
	v9 =	vadd.f32 v14, v20;
	v14 =	vmul.f32 $1.442695020e+00, v4;
	_ =	sdelay $0x1  }
0x9c: {  	v18 =	vld [tilespmem:s8+$0x4310];
	(erf) = vpow2.f32 v21  }
0x9d: {  	v13 =	vld [tilespmem:s8+$0x2310];
	(erf) = vpow2.f32 v17;
	v17 =	vpop (erf)  }
0x9e: {  	v16 =	vld [tilespmem:s8+$0x2320];
	v22 =	vmul.f32 $1.442695020e+00, v9;
	(erf) = vpow2.f32 v14;
	v14 =	vpop (erf)  }
0x9f: {  	v19 =	vld [tilespmem:s8+$0x4320];
	v14 =	vadd.f32 $1.000000000e+00, v14  }
0xa0: {  	v25 =	vld [tilespmem:s8+$0x2350];
	(erf) = vpow2.f32 v22  }
0xa1: {  	v12 =	vld [tilespmem:s8+$0x2300];
	(erf) = vrcp.f32 v14;
	v14 =	vmul.f32 v17, v11  }
0xa2: {  	v15 =	vld [tilespmem:s8+$0x4300]  }
0xa3: {  	v20 =	vld [tilespmem:s8+$0x2330];
	v22 =	vpop (erf)  }
0xa4: {  	v18 =	vadd.f32 v18, v13;
	v29 =	vadd.f32 v19, v16;
	v21 =	vld [tilespmem:s8+$0x4330];
	v13 =	vpop (erf)  }
0xa5: {  	v24 =	vld [tilespmem:s8+$0x4340];
	v13 =	vadd.f32 $1.000000000e+00, v13;
	v11 =	vsub.f32 v11, v14;
	v14 =	vpop (erf)  }
0xa6: {  	v23 =	vld [tilespmem:s8+$0x2340];
	v22 =	vadd.f32 $1.000000000e+00, v22;
	v16 =	vadd.f32 $1.000000000e+00, v14  }
0xa7: {  	v26 =	vld [tilespmem:s8+$0x4350]  }
0xa8: {  	v27 =	vld [tilespmem:s8+$0x4360];
	v12 =	vadd.f32 v15, v12;
	(erf) = vrcp.f32 v22;
	v15 =	vpop (erf)  }
0xa9: {  	v28 =	vld [tilespmem:s8+$0xA300];
	(erf) = vrcp.f32 v13;
	v14 =	vadd.f32 v21, v20;
	v20 =	vadd.f32 $1.000000000e+00, v15;
	v13 =	vpop (erf)  }
0xaa: {  	v30 =	vld [tilespmem:s8+$0xA320];
	v13 =	vadd.f32 $1.000000000e+00, v13;
	(erf) = vrcp.f32 v16;
	v16 =	vpop (erf)  }
0xab: {  	v19 =	vld [tilespmem:s8+$0xA310];
	v15 =	vadd.f32 v24, v23;
	(erf) = vrcp.f32 v20;
	v24 =	vadd.f32 $1.000000000e+00, v16  }
0xac: {  	v17 =	vld [tilespmem:s8+$0x2360];
	(erf) = vrcp.f32 v13  }
0xad: {  	v21 =	vld [tilespmem:s8+$0xA330];
	(erf) = vrcp.f32 v24  }
0xae: {  	v22 =	vld [tilespmem:s8+$0xA340];
	v13 =	vadd.f32 v28, v12;
	v20 =	vpop (erf)  }
0xaf: {  	v23 =	vld [tilespmem:s8+$0xA350];
	v16 =	vadd.f32 v26, v25;
	v26 =	vadd.f32 $1.000000000e+00, v20  }
0xb0: {  	s9 =	simm.s32 $0xFFFFE100;
	[tilespmem:s12+$0x2370] =	vst v11;
	v11 =	vadd.f32 v30, v29;
	v12 =	vadd.f32 v19, v18;
	v20 =	vpop (erf);
	v24 =	vld [tilespmem:s8+$0xA360]  }
0xb1: {  	s10 =	simm.s32 $0xFFFF8600;
	v17 =	vadd.f32 v27, v17;
	v19 =	vld [tilespmem:s9+$0x2370];
	v25 =	vmul.f32 $1.442695020e+00, v13;
	v18 =	vpop (erf);
	(erf) = vrcp.f32 v26  }
.LBB2_5:
0xb2: {  	p1 =	sne.s32 s10, $0xFFFFFE00;
	v26 =	vld [tilespmem:s9+$0x4370];
	v27 =	vmul.f32 $1.442695020e+00, v12;
	v21 =	vadd.f32 v21, v14;
	v14 =	vmul.f32 v20, v5;
	v20 =	vpop (erf)  }
0xb3: {  	v28 =	vld [tilespmem:s9+$0x2300];
	v29 =	vmul.f32 $1.442695020e+00, v11;
	v22 =	vadd.f32 v22, v15;
	(erf) = vpow2.f32 v25;
	v15 =	vpop (erf)  }
0xb4: {  	v25 =	vld [tilespmem:s9+$0xA370];
	v33 =	vmul.f32 $1.442695020e+00, v21;
	v23 =	vadd.f32 v23, v16;
	(erf) = vpow2.f32 v27;
	v16 =	vpop (erf)  }
0xb5: {  	v27 =	vld [tilespmem:s9+$0x4300];
	v31 =	vmul.f32 $1.442695020e+00, v22;
	v17 =	vadd.f32 v24, v17;
	(erf) = vpow2.f32 v29;
	v24 =	vpop (erf)  }
0xb6: {  	v14 =	vsub.f32 v5, v14;
	v29 =	vld [tilespmem:s9+$0x2310];
	v32 =	vmul.f32 $1.442695020e+00, v23;
	(erf) = vpow2.f32 v33;
	v30 =	vpop (erf)  }
0xb7: {  	v5 =	vmovc v13;
	v33 =	vld [tilespmem:s9+$0x4310];
	v19 =	vadd.f32 v26, v19;
	v26 =	vmul.f32 $1.442695020e+00, v17;
	(erf) = vpow2.f32 v31  }
0xb8: {  	v13 =	vld [tilespmem:s9+$0x2320];
	(erf) = vpow2.f32 v32;
	[tilespmem:s12+$0x2300] =	vst v14;
	v14 =	vmul.f32 v18, v3  }
0xb9: {  	v20 =	vmul.f32 v20, v10;
	v18 =	vld [tilespmem:s9+$0x4320];
	v19 =	vadd.f32 v25, v19;
	(erf) = vpow2.f32 v26  }
0xba: {  	v15 =	vmul.f32 v15, v8;
	v16 =	vmul.f32 v16, v7;
	v25 =	vadd.f32 v27, v28;
	v26 =	vld [tilespmem:s9+$0x2330];
	v27 =	vpop (erf)  }
0xbb: {  	v34 =	vsub.f32 v3, v14;
	v3 =	vmovc v12;
	v28 =	vld [tilespmem:s9+$0x4330];
	v31 =	vmul.f32 $1.442695020e+00, v19;
	v27 =	vmul.f32 v27, v9  }
0xbc: {  	v24 =	vmul.f32 v24, v6;
	v30 =	vmul.f32 v30, v4;
	v12 =	vadd.f32 v33, v29;
	v29 =	vld [tilespmem:s9+$0x2340];
	v32 =	vpop (erf)  }
0xbd: {  	v33 =	vld [tilespmem:s9+$0x4340];
	(erf) = vpow2.f32 v31;
	v31 =	vadd.f32 $1.000000000e+00, v32;
	v35 =	vsub.f32 v9, v27;
	v9 =	vpop (erf);
	[tilespmem:s12+$0x2310] =	vst v34  }
0xbe: {  	v18 =	vadd.f32 v18, v13;
	v13 =	vld [tilespmem:s9+$0x2350];
	v32 =	vadd.f32 $1.000000000e+00, v9;
	v14 =	vpop (erf);
	v9 =	vmov v19  }
0xbf: {  	v10 =	vsub.f32 v10, v20;
	v19 =	vld [tilespmem:s9+$0x4350];
	v34 =	vadd.f32 $1.000000000e+00, v14;
	[tilespmem:s8+$0x2370] =	vst v35;
	(erf) = vrcp.f32 v31;
	v27 =	vpop (erf)  }
0xc0: {  	v14 =	vadd.f32 v28, v26;
	v20 =	vld [tilespmem:s9+$0x2360];
	v35 =	vadd.f32 $1.000000000e+00, v27;
	(erf) = vrcp.f32 v32;
	v27 =	vpop (erf)  }
0xc1: {  	v28 =	vld [tilespmem:s9+$0x4360];
	v27 =	vadd.f32 $1.000000000e+00, v27;
	(erf) = vrcp.f32 v34;
	v31 =	vpop (erf);
	[tilespmem:s12+$0x2320] =	vst v10;
	v34 =	vsub.f32 v8, v15  }
0xc2: {  	v32 =	vld [tilespmem:s9+$0xA300];
	v15 =	vadd.f32 v33, v29;
	v33 =	vadd.f32 $1.000000000e+00, v31;
	(erf) = vrcp.f32 v35;
	v26 =	vpop (erf)  }
0xc3: {  	v8 =	vmovc v21;
	v29 =	vld [tilespmem:s9+$0xA310];
	v26 =	vadd.f32 $1.000000000e+00, v26;
	(erf) = vrcp.f32 v27;
	[tilespmem:s12+$0x2330] =	vst v34;
	v27 =	vsub.f32 v7, v16;
	v7 =	vmovc v22  }
0xc4: {  	v10 =	vmovc v11;
	v31 =	vld [tilespmem:s9+$0xA320];
	v16 =	vadd.f32 v19, v13;
	(erf) = vrcp.f32 v33;
	v13 =	vsub.f32 v6, v24;
	v6 =	vmovc v23  }
.Ltmp1:
0xc5: {  	v11 =	vsub.f32 v4, v30;
	v4 =	vmov v17;
	v21 =	vld [tilespmem:s9+$0xA330];
	(erf) = vrcp.f32 v26;
	[tilespmem:s12+$0x2340] =	vst v27;
	(pc) =	sbr.rel @p1 .LBB2_5-.Ltmp1, $4  }
0xc6: {  	v22 =	vld [tilespmem:s9+$0xA340];
	v17 =	vadd.f32 v28, v20;
	v19 =	vpop (erf);
	[tilespmem:s12+$0x2350] =	vst v13  }
0xc7: {  	v13 =	vadd.f32 v32, v25;
	v23 =	vld [tilespmem:s9+$0xA350];
	v26 =	vadd.f32 $1.000000000e+00, v19;
	[tilespmem:s12+$0x2360] =	vst v11;
	s12 =	smov.u32 s8;
	s8 =	smov.u32 s9  }
0xc8: {  	s9 =	sshra.s32 s10, $0x2;
	v12 =	vadd.f32 v29, v12;
	v24 =	vld [tilespmem:s8+$0xA360];
	v20 =	vpop (erf)  }
0xc9: {  	s10 =	sadd.s32 $0x200, s10;
	v19 =	vld [tilespmem:s9+$0x2370];
	v25 =	vmul.f32 $1.442695020e+00, v13;
	v11 =	vadd.f32 v31, v18;
	(erf) = vrcp.f32 v26;
	v18 =	vpop (erf)  }
0xca: {  	v26 =	vld [tilespmem:s9+$0x4370];
	v14 =	vadd.f32 v21, v14  }
0xcb: {  	v28 =	vmul.f32 $1.442695020e+00, v12;
	v29 =	vmul.f32 $1.442695020e+00, v11;
	v15 =	vadd.f32 v22, v15  }
0xcc: {  	v21 =	vld [tilespmem:s9+$0xA370];
	(erf) = vpow2.f32 v25;
	v25 =	vmul.f32 $1.442695020e+00, v14;
	v16 =	vadd.f32 v23, v16  }
0xcd: {  	(erf) = vpow2.f32 v28;
	v52 =	vmul.f32 $1.442695020e+00, v15  }
0xce: {  	(erf) = vpow2.f32 v29;
	v30 =	vmul.f32 $1.442695020e+00, v16  }
0xcf: {  	v27 =	vld [tilespmem:s9+$0x2300];
	v29 =	vpop (erf);
	(erf) = vpow2.f32 v25;
	v19 =	vadd.f32 v26, v19  }
0xd0: {  	v53 =	vld [tilespmem:s9+$0x4320];
	v17 =	vadd.f32 v24, v17;
	v26 =	vpop (erf);
	(erf) = vpow2.f32 v52  }
0xd1: {  	v54 =	vld [tilespmem:s9+$0x4330];
	v32 =	vpop (erf);
	v19 =	vadd.f32 v21, v19  }
0xd2: {  	v55 =	vld [tilespmem:s9+$0x2350];
	v31 =	vmul.f32 $1.442695020e+00, v17;
	(erf) = vpow2.f32 v30;
	v30 =	vpop (erf)  }
0xd3: {  	v44 =	vld [tilespmem:s9+$0xA300];
	v33 =	vpop (erf);
	v34 =	vmul.f32 $1.442695020e+00, v19  }
0xd4: {  	v22 =	vld [tilespmem:s9+$0x4300];
	(erf) = vpow2.f32 v31;
	v36 =	vpop (erf)  }
0xd5: {  	v23 =	vld [tilespmem:s9+$0x2310];
	v38 =	vpop (erf);
	(erf) = vpow2.f32 v34  }
0xd6: {  	v24 =	vld [tilespmem:s9+$0x4310];
	v38 =	vadd.f32 $1.000000000e+00, v38;
	v39 =	vpop (erf)  }
0xd7: {  	v25 =	vld [tilespmem:s9+$0x2320];
	v39 =	vadd.f32 $1.000000000e+00, v39;
	v41 =	vpop (erf)  }
0xd8: {  	v40 =	vld [tilespmem:s9+$0x4350];
	v41 =	vadd.f32 $1.000000000e+00, v41;
	(erf) = vrcp.f32 v38;
	v56 =	vpop (erf)  }
0xd9: {  	v21 =	vld [tilespmem:s9+$0x2330];
	v38 =	vadd.f32 $1.000000000e+00, v56;
	(erf) = vrcp.f32 v39;
	v57 =	vpop (erf)  }
0xda: {  	v61 =	vld [tilespmem:s9+$0xA320];
	v22 =	vadd.f32 v22, v27;
	v27 =	vadd.f32 $1.000000000e+00, v57;
	(erf) = vrcp.f32 v41  }
0xdb: {  	v59 =	vld [tilespmem:s9+$0xA310];
	v23 =	vadd.f32 v24, v23;
	(erf) = vrcp.f32 v38  }
0xdc: {  	v22 =	vadd.f32 v44, v22;
	v25 =	vadd.f32 v53, v25;
	v58 =	vpop (erf);
	(erf) = vrcp.f32 v27;
	v27 =	vld [tilespmem:s9+$0xA330]  }
0xdd: {  	v35 =	vld [tilespmem:s9+$0x2340];
	v34 =	vadd.f32 v40, v55;
	v24 =	vadd.f32 $1.000000000e+00, v58;
	v60 =	vpop (erf)  }
0xde: {  	v37 =	vld [tilespmem:s9+$0x4340];
	v20 =	vmul.f32 v20, v5;
	v21 =	vadd.f32 v54, v21;
	v62 =	vadd.f32 $1.000000000e+00, v60;
	v40 =	vpop (erf)  }
0xdf: {  	v42 =	vld [tilespmem:s9+$0x2360];
	v25 =	vadd.f32 v61, v25;
	(erf) = vrcp.f32 v24;
	v28 =	vadd.f32 $1.000000000e+00, v40  }
0xe0: {  	v43 =	vld [tilespmem:s9+$0x4360];
	v23 =	vadd.f32 v59, v23;
	v48 =	vmul.f32 $1.442695020e+00, v22;
	(erf) = vrcp.f32 v62  }
0xe1: {  	v24 =	vld [tilespmem:s9+$0xA340];
	(erf) = vrcp.f32 v28;
	v21 =	vadd.f32 v27, v21;
	v27 =	vmul.f32 $1.442695020e+00, v25  }
0xe2: {  	v45 =	vld [tilespmem:s9+$0xA350];
	v49 =	vmul.f32 $1.442695020e+00, v23;
	(erf) = vpow2.f32 v48  }
0xe3: {  	v46 =	vld [tilespmem:s9+$0xA360];
	v18 =	vmul.f32 v18, v3;
	v50 =	vpop (erf)  }
0xe4: {  	v5 =	vsub.f32 v5, v20;
	v63 =	vadd.f32 v37, v35;
	v52 =	vpop (erf);
	(erf) = vpow2.f32 v49  }
0xe5: {  	v3 =	vsub.f32 v3, v18;
	v51 =	vmul.f32 $1.442695020e+00, v21;
	(erf) = vpow2.f32 v27;
	v27 =	vpop (erf)  }
0xe6: {  	v47 =	vadd.f32 v43, v42;
	v20 =	vmul.f32 v29, v10;
	v24 =	vadd.f32 v24, v63;
	v55 =	vpop (erf)  }
0xe7: {  	v26 =	vmul.f32 v26, v8;
	v34 =	vadd.f32 v45, v34;
	(erf) = vpow2.f32 v51;
	v57 =	vpop (erf)  }
0xe8: {  	v37 =	vadd.f32 v46, v47;
	v18 =	vmul.f32 v32, v7;
	v53 =	vmul.f32 $1.442695020e+00, v24;
	v58 =	vpop (erf)  }
0xe9: {  	v10 =	vsub.f32 v10, v20;
	v20 =	vmul.f32 v30, v6;
	v54 =	vmul.f32 $1.442695020e+00, v34;
	v59 =	vpop (erf)  }
0xea: {  	v56 =	vmul.f32 $1.442695020e+00, v37;
	(erf) = vpow2.f32 v53;
	v60 =	vpop (erf)  }
0xeb: {  	[tilespmem:s12+$0x2300] =	vst v5;
	v8 =	vsub.f32 v8, v26;
	v5 =	vsub.f32 v7, v18;
	(erf) = vpow2.f32 v54;
	v26 =	vpop (erf)  }
0xec: {  	v36 =	vmul.f32 v36, v9;
	(erf) = vpow2.f32 v56;
	v7 =	vadd.f32 $1.000000000e+00, v26;
	_ =	sdelay $0x1  }
0xed: {  	[tilespmem:s12+$0x2310] =	vst v3;
	v3 =	vmul.f32 v33, v4;
	v9 =	vsub.f32 v9, v36;
	v18 =	vpop (erf)  }
0xee: {  	v6 =	vsub.f32 v6, v20;
	v20 =	vpop (erf)  }
0xef: {  	v3 =	vsub.f32 v4, v3;
	[tilespmem:s8+$0x2370] =	vst v9;
	v9 =	vmul.f32 v50, v13;
	(erf) = vrcp.f32 v7;
	v7 =	vpop (erf)  }
0xf0: {  	v18 =	vadd.f32 $1.000000000e+00, v18;
	v4 =	vadd.f32 $1.000000000e+00, v7  }
0xf1: {  	v20 =	vadd.f32 $1.000000000e+00, v20  }
0xf2: {  	[tilespmem:s12+$0x2340] =	vst v5;
	v5 =	vmul.f32 v52, v12;
	(erf) = vrcp.f32 v18;
	v7 =	vpop (erf)  }
0xf3: {  	[tilespmem:s12+$0x2330] =	vst v8;
	v8 =	vsub.f32 v13, v9;
	(erf) = vrcp.f32 v20;
	v7 =	vadd.f32 $1.000000000e+00, v7;
	v9 =	vpop (erf)  }
0xf4: {  	[tilespmem:s12+$0x2350] =	vst v6;
	v6 =	vmul.f32 v60, v19;
	v9 =	vadd.f32 $1.000000000e+00, v9;
	(erf) = vrcp.f32 v4;
	v4 =	vpop (erf)  }
0xf5: {  	[tilespmem:s12+$0x2360] =	vst v3;
	v3 =	vmul.f32 v27, v11;
	(erf) = vrcp.f32 v7;
	v4 =	vadd.f32 $1.000000000e+00, v4  }
0xf6: {  	v6 =	vsub.f32 v19, v6;
	v7 =	vmul.f32 v55, v14;
	(erf) = vrcp.f32 v9  }
0xf7: {  	v5 =	vsub.f32 v12, v5;
	(erf) = vrcp.f32 v4;
	v4 =	vmul.f32 v57, v15  }
0xf8: {  	v3 =	vsub.f32 v11, v3;
	[tilespmem:s9+$0x2370] =	vst v6;
	v6 =	vsub.f32 v14, v7  }
0xf9: {  	[tilespmem:s8+$0x2310] =	vst v5;
	v5 =	vmul.f32 v58, v16;
	v7 =	vmul.f32 v59, v17  }
0xfa: {  	[tilespmem:s8+$0x2320] =	vst v3;
	v3 =	vsub.f32 v15, v4  }
0xfb: {  	v5 =	vsub.f32 v16, v5;
	[tilespmem:s8+$0x2330] =	vst v6;
	v4 =	vpop (erf)  }
0xfc: {  	[tilespmem:s8+$0x2340] =	vst v3;
	v3 =	vsub.f32 v17, v7;
	v6 =	vpop (erf)  }
0xfd: {  	[tilespmem:s12+$0x2320] =	vst v10;
	v4 =	vmul.f32 v4, v22;
	v7 =	vpop (erf)  }
0xfe: {  	[tilespmem:s8+$0x2300] =	vst v8;
	v6 =	vmul.f32 v6, v23;
	v7 =	vmul.f32 v7, v25  }
0xff: {  	[tilespmem:s8+$0x2350] =	vst v5;
	v5 =	vpop (erf);
	v4 =	vsub.f32 v22, v4  }
0x100: {  	[tilespmem:s8+$0x2360] =	vst v3;
	v3 =	vpop (erf);
	v5 =	vmul.f32 v5, v21;
	v6 =	vsub.f32 v23, v6  }
0x101: {  	v8 =	vpop (erf);
	[tilespmem:s9+$0x2300] =	vst v4;
	v3 =	vmul.f32 v3, v24;
	v4 =	vsub.f32 v25, v7  }
0x102: {  	v8 =	vmul.f32 v8, v34;
	[tilespmem:s9+$0x2310] =	vst v6;
	v5 =	vsub.f32 v21, v5;
	v7 =	vpop (erf)  }
0x103: {  	[tilespmem:s9+$0x2320] =	vst v4;
	v3 =	vsub.f32 v24, v3;
	v6 =	vmul.f32 v7, v37  }
0x104: {  	[tilespmem:s9+$0x2330] =	vst v5;
	v4 =	vsub.f32 v34, v8  }
0x105: {  	[tilespmem:s9+$0x2340] =	vst v3;
	v3 =	vsub.f32 v37, v6  }
0x106: {  	[tilespmem:s9+$0x2350] =	vst v4  }
0x107: {  	[tilespmem:s9+$0x2360] =	vst v3  }
0x108: {  	[spmem:s2] =	stream.indirect.scatter.add.f32 [tilespmem:s25], [sflag:$0x4], $0x80, s17, s13, $0xb8;
	[tilespmem:$0x1FF00] =	vst v63  }
0x109: {  	_ =	swait.ge [sflag:s26], $0x2000  }
0x10a: {  	[sflag:s26] =	ssyncset.done $0x0  }
0x10b: {  	s8 =	simm.s32 @!p0 $0x3;
	[sflag:s26] =	ssyncadd.s32 $0xFFFFE000  }
0x10c: {  	_ =	swait.ge @!p0 [sflag:s8], $0x80  }
0x10d: {  	[sflag:s8] =	ssyncset.done @!p0 $0x0  }
0x10e: {  	[sflag:s8] =	ssyncadd.s32 @!p0 $0xFFFFFF80  }
0x10f: {  	v3 =	vld @!p0 [tilespmem:$0x0]  }
0x110: {  	v7 =	vld @!p0 [tilespmem:$0x40]  }
0x111: {  	v4 =	vld @!p0 [tilespmem:$0x10]  }
0x112: {  	v5 =	vld @!p0 [tilespmem:$0x20]  }
0x113: {  	v6 =	vld @!p0 [tilespmem:$0x30];
	_ =	sdelay $0x1  }
0x114: {  	v3 =	vadd.s32 @!p0 v0, v3;
	[tilespmem:$0x100] =	vst @!p0 v7  }
0x115: {  	[tilespmem:$0x200] =	vst @!p0 v3;
	v3 =	vadd.s32 @!p0 v0, v4;
	v4 =	vld @!p0 [tilespmem:$0x50]  }
0x116: {  	[tilespmem:$0x210] =	vst @!p0 v3;
	v3 =	vadd.s32 @!p0 v0, v5  }
0x117: {  	v5 =	vld @!p0 [tilespmem:$0x60];
	[tilespmem:$0x220] =	vst @!p0 v3;
	v3 =	vadd.s32 @!p0 v0, v6  }
0x118: {  	[tilespmem:$0x230] =	vst @!p0 v3;
	v3 =	vadd.s32 @!p0 v1, v7  }
0x119: {  	[tilespmem:$0x240] =	vst @!p0 v3;
	v3 =	vld @!p0 [tilespmem:$0x70]  }
0x11a: {  	v6 =	vadd.s32 @!p0 v1, v4;
	[tilespmem:$0x110] =	vst @!p0 v4  }
0x11b: {  	[tilespmem:$0x250] =	vst @!p0 v6  }
0x11c: {  	v4 =	vadd.s32 @!p0 v1, v5;
	[tilespmem:$0x120] =	vst @!p0 v5  }
0x11d: {  	[tilespmem:$0x260] =	vst @!p0 v4  }
0x11e: {  	v4 =	vadd.s32 @!p0 v1, v3;
	[tilespmem:$0x130] =	vst @!p0 v3  }
0x11f: {  	s10 =	simm.s32 @!p0 $0x300;
	s9 =	simm.s32 @!p0 $0x200;
	s8 =	simm.s32 @!p0 $0x80;
	[tilespmem:$0x270] =	vst @!p0 v4  }
0x120: {  	[tilespmem:s10], [sflag:$0x1] =	stream.indirect.gather @!p0 [hbm4b:s5+s8], $0x80, s9, s8, $0xb8;
	[tilespmem:$0x1FF00] =	vst v63  }
0x121: {  	s9 =	sshll.u32 @!p0 s24, $0xD  }
0x122: {  	s9 =	sadd.s32 @!p0 s15, s9  }
0x123: {  	s9 =	sshrl.u32 @!p0 s9, $0x3  }
0x124: {  	s12 =	simm.s32 @!p0 $0x8300;
	s10 =	simm.s32 @!p0 $0x0;
	s9 =	sadd.s32 @!p0 s6, s9  }
0x125: {  	[tilespmem:s12], [sflag:$0x1] =	stream.linear.gather @!p0 [hbm4b:s9+s10], $0x2000, $0x38;
	[tilespmem:$0x1FF00] =	vst v63  }
0x126: {  	s9 =	sadd.s32 @!p0 s23, s19  }
0x127: {  	s9 =	sshll.u32 @!p0 s9, $0x4  }
0x128: {  	s9 =	sadd.s32 @!p0 s4, s9  }
0x129: {  	[tilespmem:s8], [sflag:$0x3] =	stream.linear.gather @!p0 [hbm4b:s9+s10], $0x80, $0x38;
	[tilespmem:$0x1FF00] =	vst v63  }
0x12a: {  	_ =	swait.ge [sflag:s18], $0x4000  }
0x12b: {  	[sflag:s18] =	ssyncset.done $0x0  }
0x12c: {  	[sflag:s18] =	ssyncadd.s32 $0xFFFFC000  }
0x12d: {  	_ =	swait.ge [sflag:s18], $0x2000  }
0x12e: {  	[sflag:s18] =	ssyncset.done $0x0  }
0x12f: {  	s12 =	simm.s32 $0xFFFFE000;
	[sflag:s18] =	ssyncadd.s32 $0xFFFFE000  }
0x130: {  	v3 =	vld [tilespmem:s12+$0x6370]  }
0x131: {  	v4 =	vld [tilespmem:s12+$0x8370]  }
0x132: {  	v5 =	vld [tilespmem:s12+$0x6300]  }
0x133: {  	v6 =	vld [tilespmem:s12+$0xC370]  }
0x134: {  	v7 =	vld [tilespmem:s12+$0x8300]  }
0x135: {  	v8 =	vld [tilespmem:s12+$0x6310]  }
0x136: {  	v9 =	vld [tilespmem:s12+$0x8310]  }
0x137: {  	v10 =	vld [tilespmem:s12+$0x8320];
	v3 =	vadd.f32 v4, v3  }
0x138: {  	v12 =	vld [tilespmem:s12+$0x8330]  }
0x139: {  	v13 =	vld [tilespmem:s12+$0x6340];
	v11 =	vadd.f32 v6, v3  }
0x13a: {  	v14 =	vld [tilespmem:s12+$0x8340]  }
0x13b: {  	v15 =	vld [tilespmem:s12+$0x6350];
	v3 =	vmul.f32 $1.442695020e+00, v11  }
0x13c: {  	v16 =	vld [tilespmem:s12+$0x8350]  }
0x13d: {  	v17 =	vld [tilespmem:s12+$0x6360];
	(erf) = vpow2.f32 v3  }
0x13e: {  	v18 =	vld [tilespmem:s12+$0x8360]  }
0x13f: {  	v19 =	vld [tilespmem:s12+$0xC310]  }
0x140: {  	v20 =	vld [tilespmem:s12+$0xC320]  }
0x141: {  	v22 =	vld [tilespmem:s12+$0xC350]  }
0x142: {  	v3 =	vld [tilespmem:s12+$0xC300]  }
0x143: {  	v4 =	vld [tilespmem:s12+$0x6320]  }
0x144: {  	s8 =	simm.s32 $0xFFFFE080;
	v6 =	vld [tilespmem:s12+$0x6330]  }
0x145: {  	v23 =	vld [tilespmem:s8+$0x6370];
	v5 =	vadd.f32 v7, v5  }
0x146: {  	v7 =	vld [tilespmem:s12+$0xC330];
	v8 =	vadd.f32 v9, v8;
	v13 =	vadd.f32 v14, v13;
	v21 =	vpop (erf)  }
0x147: {  	v9 =	vld [tilespmem:s12+$0xC340];
	v5 =	vadd.f32 v3, v5;
	v21 =	vadd.f32 $1.000000000e+00, v21  }
0x148: {  	v4 =	vadd.f32 v10, v4;
	v3 =	vadd.f32 v19, v8;
	v19 =	vld [tilespmem:s12+$0xC360]  }
0x149: {  	v6 =	vadd.f32 v12, v6;
	v8 =	vmul.f32 $1.442695020e+00, v5;
	(erf) = vrcp.f32 v21;
	v21 =	vld [tilespmem:s8+$0x8370]  }
0x14a: {  	v10 =	vadd.f32 v20, v4;
	v4 =	vadd.f32 v16, v15  }
0x14b: {  	v14 =	vld [tilespmem:s8+$0xC370];
	v16 =	vadd.f32 v18, v17;
	v24 =	vmul.f32 $1.442695020e+00, v3;
	(erf) = vpow2.f32 v8  }
0x14c: {  	v17 =	vmul.f32 $1.442695020e+00, v10;
	v8 =	vadd.f32 v7, v6;
	v7 =	vadd.f32 v9, v13  }
0x14d: {  	v6 =	vadd.f32 v22, v4;
	v4 =	vadd.f32 v19, v16;
	(erf) = vpow2.f32 v24  }
0x14e: {  	v9 =	vmul.f32 $1.442695020e+00, v8;
	(erf) = vpow2.f32 v17;
	v20 =	vadd.f32 v21, v23  }
0x14f: {  	v17 =	vmul.f32 $1.442695020e+00, v6;
	v21 =	vmul.f32 $1.442695020e+00, v7  }
0x150: {  	(erf) = vpow2.f32 v9;
	v9 =	vadd.f32 v14, v20;
	v14 =	vmul.f32 $1.442695020e+00, v4;
	_ =	sdelay $0x1  }
0x151: {  	v18 =	vld [tilespmem:s8+$0x8310];
	(erf) = vpow2.f32 v21  }
0x152: {  	v13 =	vld [tilespmem:s8+$0x6310];
	(erf) = vpow2.f32 v17;
	v17 =	vpop (erf)  }
0x153: {  	v16 =	vld [tilespmem:s8+$0x6320];
	v22 =	vmul.f32 $1.442695020e+00, v9;
	(erf) = vpow2.f32 v14;
	v14 =	vpop (erf)  }
0x154: {  	v19 =	vld [tilespmem:s8+$0x8320];
	v14 =	vadd.f32 $1.000000000e+00, v14  }
0x155: {  	v25 =	vld [tilespmem:s8+$0x6350];
	(erf) = vpow2.f32 v22  }
0x156: {  	v12 =	vld [tilespmem:s8+$0x6300];
	(erf) = vrcp.f32 v14;
	v14 =	vmul.f32 v17, v11  }
0x157: {  	v15 =	vld [tilespmem:s8+$0x8300]  }
0x158: {  	v20 =	vld [tilespmem:s8+$0x6330];
	v22 =	vpop (erf)  }
0x159: {  	v18 =	vadd.f32 v18, v13;
	v62 =	vadd.f32 v19, v16;
	v21 =	vld [tilespmem:s8+$0x8330];
	v13 =	vpop (erf)  }
0x15a: {  	v24 =	vld [tilespmem:s8+$0x8340];
	v13 =	vadd.f32 $1.000000000e+00, v13;
	v11 =	vsub.f32 v11, v14;
	v14 =	vpop (erf)  }
0x15b: {  	v23 =	vld [tilespmem:s8+$0x6340];
	v22 =	vadd.f32 $1.000000000e+00, v22;
	v16 =	vadd.f32 $1.000000000e+00, v14  }
0x15c: {  	v26 =	vld [tilespmem:s8+$0x8350]  }
0x15d: {  	v27 =	vld [tilespmem:s8+$0x8360];
	v12 =	vadd.f32 v15, v12;
	(erf) = vrcp.f32 v22;
	v15 =	vpop (erf)  }
0x15e: {  	v61 =	vld [tilespmem:s8+$0xC300];
	(erf) = vrcp.f32 v13;
	v14 =	vadd.f32 v21, v20;
	v20 =	vadd.f32 $1.000000000e+00, v15;
	v13 =	vpop (erf)  }
0x15f: {  	v63 =	vld [tilespmem:s8+$0xC320];
	v13 =	vadd.f32 $1.000000000e+00, v13;
	(erf) = vrcp.f32 v16;
	v16 =	vpop (erf)  }
0x160: {  	v19 =	vld [tilespmem:s8+$0xC310];
	v15 =	vadd.f32 v24, v23;
	(erf) = vrcp.f32 v20;
	v24 =	vadd.f32 $1.000000000e+00, v16  }
0x161: {  	v17 =	vld [tilespmem:s8+$0x6360];
	(erf) = vrcp.f32 v13  }
0x162: {  	v21 =	vld [tilespmem:s8+$0xC330];
	(erf) = vrcp.f32 v24  }
0x163: {  	v22 =	vld [tilespmem:s8+$0xC340];
	v13 =	vadd.f32 v61, v12;
	v20 =	vpop (erf)  }
0x164: {  	v23 =	vld [tilespmem:s8+$0xC350];
	v16 =	vadd.f32 v26, v25;
	v26 =	vadd.f32 $1.000000000e+00, v20  }
0x165: {  	s9 =	simm.s32 $0xFFFFE100;
	[tilespmem:s12+$0x6370] =	vst v11;
	v11 =	vadd.f32 v63, v62;
	v12 =	vadd.f32 v19, v18;
	v20 =	vpop (erf);
	v24 =	vld [tilespmem:s8+$0xC360]  }
0x166: {  	s10 =	simm.s32 $0xFFFF8600;
	v17 =	vadd.f32 v27, v17;
	v19 =	vld [tilespmem:s9+$0x6370];
	v25 =	vmul.f32 $1.442695020e+00, v13;
	v18 =	vpop (erf);
	(erf) = vrcp.f32 v26  }
.LBB2_7:
0x167: {  	p0 =	sne.s32 s10, $0xFFFFFE00;
	v26 =	vld [tilespmem:s9+$0x8370];
	v27 =	vmul.f32 $1.442695020e+00, v12;
	v21 =	vadd.f32 v21, v14;
	v14 =	vmul.f32 v20, v5;
	v20 =	vpop (erf)  }
0x168: {  	v28 =	vld [tilespmem:s9+$0x6300];
	v29 =	vmul.f32 $1.442695020e+00, v11;
	v22 =	vadd.f32 v22, v15;
	(erf) = vpow2.f32 v25;
	v15 =	vpop (erf)  }
0x169: {  	v25 =	vld [tilespmem:s9+$0xC370];
	v33 =	vmul.f32 $1.442695020e+00, v21;
	v23 =	vadd.f32 v23, v16;
	(erf) = vpow2.f32 v27;
	v16 =	vpop (erf)  }
0x16a: {  	v27 =	vld [tilespmem:s9+$0x8300];
	v31 =	vmul.f32 $1.442695020e+00, v22;
	v17 =	vadd.f32 v24, v17;
	(erf) = vpow2.f32 v29;
	v24 =	vpop (erf)  }
0x16b: {  	v14 =	vsub.f32 v5, v14;
	v29 =	vld [tilespmem:s9+$0x6310];
	v32 =	vmul.f32 $1.442695020e+00, v23;
	(erf) = vpow2.f32 v33;
	v30 =	vpop (erf)  }
0x16c: {  	v5 =	vmovc v13;
	v33 =	vld [tilespmem:s9+$0x8310];
	v19 =	vadd.f32 v26, v19;
	v26 =	vmul.f32 $1.442695020e+00, v17;
	(erf) = vpow2.f32 v31  }
0x16d: {  	v13 =	vld [tilespmem:s9+$0x6320];
	(erf) = vpow2.f32 v32;
	[tilespmem:s12+$0x6300] =	vst v14;
	v14 =	vmul.f32 v18, v3  }
0x16e: {  	v20 =	vmul.f32 v20, v10;
	v18 =	vld [tilespmem:s9+$0x8320];
	v19 =	vadd.f32 v25, v19;
	(erf) = vpow2.f32 v26  }
0x16f: {  	v15 =	vmul.f32 v15, v8;
	v16 =	vmul.f32 v16, v7;
	v25 =	vadd.f32 v27, v28;
	v26 =	vld [tilespmem:s9+$0x6330];
	v27 =	vpop (erf)  }
0x170: {  	v34 =	vsub.f32 v3, v14;
	v3 =	vmovc v12;
	v28 =	vld [tilespmem:s9+$0x8330];
	v31 =	vmul.f32 $1.442695020e+00, v19;
	v27 =	vmul.f32 v27, v9  }
0x171: {  	v24 =	vmul.f32 v24, v6;
	v30 =	vmul.f32 v30, v4;
	v12 =	vadd.f32 v33, v29;
	v29 =	vld [tilespmem:s9+$0x6340];
	v32 =	vpop (erf)  }
0x172: {  	v33 =	vld [tilespmem:s9+$0x8340];
	(erf) = vpow2.f32 v31;
	v31 =	vadd.f32 $1.000000000e+00, v32;
	v35 =	vsub.f32 v9, v27;
	v9 =	vpop (erf);
	[tilespmem:s12+$0x6310] =	vst v34  }
0x173: {  	v18 =	vadd.f32 v18, v13;
	v13 =	vld [tilespmem:s9+$0x6350];
	v32 =	vadd.f32 $1.000000000e+00, v9;
	v14 =	vpop (erf);
	v9 =	vmov v19  }
0x174: {  	v10 =	vsub.f32 v10, v20;
	v19 =	vld [tilespmem:s9+$0x8350];
	v34 =	vadd.f32 $1.000000000e+00, v14;
	[tilespmem:s8+$0x6370] =	vst v35;
	(erf) = vrcp.f32 v31;
	v27 =	vpop (erf)  }
0x175: {  	v14 =	vadd.f32 v28, v26;
	v20 =	vld [tilespmem:s9+$0x6360];
	v35 =	vadd.f32 $1.000000000e+00, v27;
	(erf) = vrcp.f32 v32;
	v27 =	vpop (erf)  }
0x176: {  	v28 =	vld [tilespmem:s9+$0x8360];
	v27 =	vadd.f32 $1.000000000e+00, v27;
	(erf) = vrcp.f32 v34;
	v31 =	vpop (erf);
	[tilespmem:s12+$0x6320] =	vst v10;
	v34 =	vsub.f32 v8, v15  }
0x177: {  	v32 =	vld [tilespmem:s9+$0xC300];
	v15 =	vadd.f32 v33, v29;
	v33 =	vadd.f32 $1.000000000e+00, v31;
	(erf) = vrcp.f32 v35;
	v26 =	vpop (erf)  }
0x178: {  	v8 =	vmovc v21;
	v29 =	vld [tilespmem:s9+$0xC310];
	v26 =	vadd.f32 $1.000000000e+00, v26;
	(erf) = vrcp.f32 v27;
	[tilespmem:s12+$0x6330] =	vst v34;
	v27 =	vsub.f32 v7, v16;
	v7 =	vmovc v22  }
0x179: {  	v10 =	vmovc v11;
	v31 =	vld [tilespmem:s9+$0xC320];
	v16 =	vadd.f32 v19, v13;
	(erf) = vrcp.f32 v33;
	v13 =	vsub.f32 v6, v24;
	v6 =	vmovc v23  }
.Ltmp2:
0x17a: {  	v11 =	vsub.f32 v4, v30;
	v4 =	vmov v17;
	v21 =	vld [tilespmem:s9+$0xC330];
	(erf) = vrcp.f32 v26;
	[tilespmem:s12+$0x6340] =	vst v27;
	(pc) =	sbr.rel @p0 .LBB2_7-.Ltmp2, $4  }
0x17b: {  	v22 =	vld [tilespmem:s9+$0xC340];
	v17 =	vadd.f32 v28, v20;
	v19 =	vpop (erf);
	[tilespmem:s12+$0x6350] =	vst v13  }
0x17c: {  	v13 =	vadd.f32 v32, v25;
	v23 =	vld [tilespmem:s9+$0xC350];
	v26 =	vadd.f32 $1.000000000e+00, v19;
	[tilespmem:s12+$0x6360] =	vst v11;
	s12 =	smov.u32 s8;
	s8 =	smov.u32 s9  }
0x17d: {  	s9 =	sshra.s32 s10, $0x2;
	v12 =	vadd.f32 v29, v12;
	v24 =	vld [tilespmem:s8+$0xC360];
	v20 =	vpop (erf)  }
0x17e: {  	s10 =	sadd.s32 $0x200, s10;
	v19 =	vld [tilespmem:s9+$0x6370];
	v25 =	vmul.f32 $1.442695020e+00, v13;
	v11 =	vadd.f32 v31, v18;
	(erf) = vrcp.f32 v26;
	v18 =	vpop (erf)  }
0x17f: {  	v26 =	vld [tilespmem:s9+$0x8370]  }
0x180: {  	v27 =	vld [tilespmem:s9+$0x6300]  }
0x181: {  	v53 =	vld [tilespmem:s9+$0xC370]  }
0x182: {  	v14 =	vadd.f32 v21, v14;
	v54 =	vld [tilespmem:s9+$0x8300]  }
0x183: {  	v28 =	vmul.f32 $1.442695020e+00, v12;
	v56 =	vld [tilespmem:s9+$0x6310];
	v29 =	vmul.f32 $1.442695020e+00, v11;
	v15 =	vadd.f32 v22, v15  }
0x184: {  	v58 =	vld [tilespmem:s9+$0x8310];
	(erf) = vpow2.f32 v25;
	v55 =	vmul.f32 $1.442695020e+00, v14;
	v16 =	vadd.f32 v23, v16  }
0x185: {  	v59 =	vld [tilespmem:s9+$0x6320];
	(erf) = vpow2.f32 v28;
	v57 =	vmul.f32 $1.442695020e+00, v15;
	v19 =	vadd.f32 v26, v19  }
0x186: {  	v60 =	vld [tilespmem:s9+$0x8320];
	v17 =	vadd.f32 v24, v17;
	(erf) = vpow2.f32 v29;
	v30 =	vmul.f32 $1.442695020e+00, v16  }
0x187: {  	v61 =	vld [tilespmem:s9+$0x6330];
	v29 =	vpop (erf);
	(erf) = vpow2.f32 v55;
	v19 =	vadd.f32 v53, v19  }
0x188: {  	v62 =	vld [tilespmem:s9+$0x8330];
	v31 =	vmul.f32 $1.442695020e+00, v17;
	v26 =	vpop (erf);
	(erf) = vpow2.f32 v57  }
0x189: {  	v35 =	vld [tilespmem:s9+$0x6340];
	v32 =	vpop (erf);
	(erf) = vpow2.f32 v30;
	v34 =	vmul.f32 $1.442695020e+00, v19  }
0x18a: {  	v37 =	vld [tilespmem:s9+$0x8340];
	v30 =	vpop (erf);
	(erf) = vpow2.f32 v31  }
0x18b: {  	v63 =	vld [tilespmem:s9+$0x6350];
	v33 =	vpop (erf);
	(erf) = vpow2.f32 v34  }
0x18c: {  	v40 =	vld [tilespmem:s9+$0x8350];
	v36 =	vpop (erf)  }
0x18d: {  	v44 =	vld [tilespmem:s9+$0xC300];
	v22 =	vadd.f32 v54, v27;
	v38 =	vpop (erf)  }
0x18e: {  	v52 =	vld [tilespmem:s9+$0xC310];
	v20 =	vmul.f32 v20, v5;
	v23 =	vadd.f32 v58, v56;
	v38 =	vadd.f32 $1.000000000e+00, v38;
	v39 =	vpop (erf)  }
0x18f: {  	v42 =	vld [tilespmem:s9+$0x6360];
	v18 =	vmul.f32 v18, v3;
	v25 =	vadd.f32 v60, v59;
	v39 =	vadd.f32 $1.000000000e+00, v39;
	v41 =	vpop (erf)  }
0x190: {  	v55 =	vld [tilespmem:s9+$0xC320];
	v21 =	vadd.f32 v62, v61;
	v41 =	vadd.f32 $1.000000000e+00, v41;
	(erf) = vrcp.f32 v38;
	v48 =	vpop (erf)  }
0x191: {  	v58 =	vadd.f32 v37, v35;
	v59 =	vld [tilespmem:s9+$0xC340];
	v38 =	vadd.f32 $1.000000000e+00, v48;
	(erf) = vrcp.f32 v39;
	v49 =	vpop (erf)  }
0x192: {  	v57 =	vld [tilespmem:s9+$0xC330];
	v22 =	vadd.f32 v44, v22;
	v50 =	vadd.f32 $1.000000000e+00, v49;
	(erf) = vrcp.f32 v41;
	v51 =	vpop (erf)  }
0x193: {  	v43 =	vld [tilespmem:s9+$0x8360];
	v23 =	vadd.f32 v52, v23;
	v53 =	vadd.f32 $1.000000000e+00, v51;
	(erf) = vrcp.f32 v38;
	v54 =	vpop (erf)  }
0x194: {  	v61 =	vld [tilespmem:s9+$0xC350];
	v44 =	vmul.f32 $1.442695020e+00, v22;
	v56 =	vadd.f32 $1.000000000e+00, v54;
	(erf) = vrcp.f32 v50;
	v60 =	vpop (erf)  }
0x195: {  	v62 =	vld [tilespmem:s9+$0xC360];
	v45 =	vmul.f32 $1.442695020e+00, v23;
	(erf) = vrcp.f32 v53;
	v28 =	vadd.f32 $1.000000000e+00, v60  }
0x196: {  	v25 =	vadd.f32 v55, v25;
	v24 =	vadd.f32 v59, v58;
	(erf) = vrcp.f32 v56  }
0x197: {  	v34 =	vadd.f32 v40, v63;
	v21 =	vadd.f32 v57, v21;
	(erf) = vrcp.f32 v28  }
0x198: {  	v63 =	vadd.f32 v43, v42;
	v46 =	vmul.f32 $1.442695020e+00, v25;
	(erf) = vpow2.f32 v44  }
0x199: {  	v34 =	vadd.f32 v61, v34;
	v48 =	vmul.f32 $1.442695020e+00, v21;
	v47 =	vpop (erf);
	(erf) = vpow2.f32 v45  }
0x19a: {  	v37 =	vadd.f32 v62, v63;
	v50 =	vmul.f32 $1.442695020e+00, v24;
	v49 =	vpop (erf);
	(erf) = vpow2.f32 v46  }
0x19b: {  	v52 =	vmul.f32 $1.442695020e+00, v34;
	v51 =	vpop (erf);
	(erf) = vpow2.f32 v48  }
0x19c: {  	v54 =	vmul.f32 $1.442695020e+00, v37;
	v53 =	vpop (erf);
	(erf) = vpow2.f32 v50  }
0x19d: {  	v3 =	vsub.f32 v3, v18;
	v26 =	vmul.f32 v26, v8;
	v55 =	vpop (erf);
	(erf) = vpow2.f32 v52  }
0x19e: {  	v58 =	vmul.f32 v29, v10;
	v56 =	vpop (erf);
	(erf) = vpow2.f32 v54  }
0x19f: {  	[tilespmem:s12+$0x6310] =	vst v3;
	v3 =	vmul.f32 v33, v4;
	v36 =	vmul.f32 v36, v9;
	v57 =	vpop (erf)  }
0x1a0: {  	v5 =	vsub.f32 v5, v20;
	v8 =	vsub.f32 v8, v26;
	v60 =	vpop (erf)  }
0x1a1: {  	v59 =	vmul.f32 v32, v7;
	v10 =	vsub.f32 v10, v58;
	v3 =	vsub.f32 v4, v3;
	v62 =	vpop (erf)  }
0x1a2: {  	v9 =	vsub.f32 v9, v36;
	v61 =	vmul.f32 v30, v6;
	v30 =	vadd.f32 $1.000000000e+00, v62;
	v32 =	vpop (erf)  }
0x1a3: {  	[tilespmem:s12+$0x6300] =	vst v5;
	v63 =	vsub.f32 v7, v59;
	v18 =	vadd.f32 $1.000000000e+00, v32;
	v36 =	vpop (erf)  }
0x1a4: {  	[tilespmem:s12+$0x6330] =	vst v8;
	v6 =	vsub.f32 v6, v61;
	v20 =	vadd.f32 $1.000000000e+00, v36;
	(erf) = vrcp.f32 v30;
	v42 =	vpop (erf)  }
0x1a5: {  	[tilespmem:s12+$0x6320] =	vst v10;
	v41 =	vmul.f32 v47, v13;
	v43 =	vadd.f32 $1.000000000e+00, v42;
	(erf) = vrcp.f32 v18;
	v44 =	vpop (erf)  }
0x1a6: {  	[tilespmem:s12+$0x6360] =	vst v3;
	v47 =	vmul.f32 v49, v12;
	v7 =	vadd.f32 $1.000000000e+00, v44;
	(erf) = vrcp.f32 v20;
	v46 =	vpop (erf)  }
0x1a7: {  	[tilespmem:s8+$0x6370] =	vst v9;
	v3 =	vmul.f32 v51, v11;
	v9 =	vadd.f32 $1.000000000e+00, v46;
	(erf) = vrcp.f32 v43;
	v48 =	vpop (erf)  }
0x1a8: {  	[tilespmem:s12+$0x6340] =	vst v63;
	v45 =	vsub.f32 v13, v41;
	v4 =	vadd.f32 $1.000000000e+00, v48;
	(erf) = vrcp.f32 v7  }
0x1a9: {  	[tilespmem:s12+$0x6350] =	vst v6;
	v51 =	vmul.f32 v55, v15;
	v3 =	vsub.f32 v11, v3;
	(erf) = vrcp.f32 v9  }
0x1aa: {  	v5 =	vsub.f32 v12, v47;
	[tilespmem:s8+$0x6300] =	vst v45;
	v50 =	vmul.f32 v53, v14;
	(erf) = vrcp.f32 v4  }
0x1ab: {  	v54 =	vmul.f32 v57, v17;
	[tilespmem:s8+$0x6320] =	vst v3;
	v3 =	vsub.f32 v15, v51;
	v49 =	vmul.f32 v60, v19  }
0x1ac: {  	[tilespmem:s8+$0x6310] =	vst v5;
	v52 =	vmul.f32 v56, v16;
	v53 =	vsub.f32 v14, v50  }
0x1ad: {  	[tilespmem:s8+$0x6340] =	vst v3;
	v3 =	vsub.f32 v17, v54;
	v6 =	vsub.f32 v19, v49;
	v55 =	vpop (erf)  }
0x1ae: {  	v5 =	vsub.f32 v16, v52;
	[tilespmem:s8+$0x6330] =	vst v53;
	v56 =	vpop (erf);
	v4 =	vmul.f32 v55, v22  }
0x1af: {  	[tilespmem:s9+$0x6370] =	vst v6;
	v57 =	vpop (erf);
	v6 =	vmul.f32 v56, v23  }
0x1b0: {  	[tilespmem:s8+$0x6350] =	vst v5;
	v58 =	vpop (erf);
	v4 =	vsub.f32 v22, v4;
	v7 =	vmul.f32 v57, v25  }
0x1b1: {  	[tilespmem:s8+$0x6360] =	vst v3;
	v3 =	vpop (erf);
	v5 =	vmul.f32 v58, v21;
	v6 =	vsub.f32 v23, v6  }
0x1b2: {  	v59 =	vpop (erf);
	[tilespmem:s9+$0x6300] =	vst v4;
	v3 =	vmul.f32 v3, v24;
	v60 =	vsub.f32 v25, v7  }
0x1b3: {  	v61 =	vpop (erf);
	v8 =	vmul.f32 v59, v34;
	[tilespmem:s9+$0x6310] =	vst v6;
	v5 =	vsub.f32 v21, v5  }
0x1b4: {  	v62 =	vmul.f32 v61, v37;
	[tilespmem:s9+$0x6320] =	vst v60;
	v3 =	vsub.f32 v24, v3  }
0x1b5: {  	[tilespmem:s9+$0x6330] =	vst v5;
	v63 =	vsub.f32 v34, v8  }
0x1b6: {  	s22 =	sadd.s32 $0x1, s22;
	[tilespmem:s9+$0x6340] =	vst v3;
	v3 =	vsub.f32 v37, v62  }
0x1b7: {  	p0 =	sne.s32 s22, $0x50;
	[tilespmem:s9+$0x6350] =	vst v63  }
.Ltmp3:
0x1b8: {  	[tilespmem:s9+$0x6360] =	vst v3;
	(pc) =	sbr.rel @p0 .LBB2_4-.Ltmp3, $4  }
0x1b9: {  	[spmem:s2] =	stream.indirect.scatter.add.f32 [tilespmem:s1], [sflag:$0x4], $0x80, s20, s13, $0xb8;
	[tilespmem:$0x1FF00] =	vst v63  }
0x1ba: {  	_ =	swait.ge [sflag:s26], $0x2000  }
0x1bb: {  	[sflag:s26] =	ssyncset.done $0x0  }
0x1bc: {  	[sflag:s26] =	ssyncadd.s32 $0xFFFFE000  }
0x1bd: {  	[bflag:$0x0] =	sbarrier.arrive $0xFFFF  }
0x1be: {  	[tilespmem:s25], [sflag:$0x4] =	stream.linear.gather [spmem:s7], $0x4000, $0x38;
	[tilespmem:$0x1FF00] =	vst v63  }
0x1bf: {  	_ =	swait.ge [sflag:s26], $0x4000  }
0x1c0: {  	[sflag:s26] =	ssyncset.done $0x0  }
0x1c1: {  	s10 =	rddreg [dreg:$0x8];
	[sflag:s26] =	ssyncadd.s32 $0xFFFFC000  }
0x1c2: {  	[hbm4b:s10+s3] =	stream.linear.scatter [tilespmem:s25], [sflag:$0x4], $0x4000, $0x38;
	[tilespmem:$0x1FF00] =	vst v63  }
0x1c3: {  	_ =	swait.ge [sflag:s26], $0x4000  }
0x1c4: {  	[sflag:s26] =	ssyncset.done $0x0  }
0x1c5: {  	[sflag:s26] =	ssyncadd.s32 $0xFFFFC000  }
0x1c6: {  	[tilespmem:s25], [sflag:$0x4] =	stream.linear.gather [spmem:s11], $0x4000, $0x38;
	[tilespmem:$0x1FF00] =	vst v63  }
0x1c7: {  	_ =	swait.ge [sflag:s26], $0x4000  }
0x1c8: {  	[sflag:s26] =	ssyncset.done $0x0  }
0x1c9: {  	s22 =	smov.u32 s11;
	s11 =	rddreg [dreg:$0x9];
	[sflag:s26] =	ssyncadd.s32 $0xFFFFC000  }
0x1ca: {  	[hbm4b:s11+s3] =	stream.linear.scatter [tilespmem:s25], [sflag:$0x4], $0x4000, $0x38;
	[tilespmem:$0x1FF00] =	vst v63  }
0x1cb: {  	_ =	swait.ge [sflag:s26], $0x4000  }
0x1cc: {  	[sflag:s26] =	ssyncset.done $0x0  }
0x1cd: {  	s23 =	rddreg [dreg:$0x3];
	[sflag:s26] =	ssyncadd.s32 $0xFFFFC000  }
0x1ce: {  	[tilespmem:s25], [sflag:$0x4] =	stream.linear.gather [spmem:s23], $0x4000, $0x38;
	[tilespmem:$0x1FF00] =	vst v63  }
0x1cf: {  	_ =	swait.ge [sflag:s26], $0x4000  }
0x1d0: {  	[sflag:s26] =	ssyncset.done $0x0  }
0x1d1: {  	s12 =	rddreg [dreg:$0xa];
	[sflag:s26] =	ssyncadd.s32 $0xFFFFC000  }
0x1d2: {  	[hbm4b:s12+s3] =	stream.linear.scatter [tilespmem:s25], [sflag:$0x4], $0x4000, $0x38;
	[tilespmem:$0x1FF00] =	vst v63  }
0x1d3: {  	_ =	swait.ge [sflag:s26], $0x4000  }
0x1d4: {  	[sflag:s26] =	ssyncset.done $0x0  }
0x1d5: {  	s8 =	rddreg [dreg:$0x4];
	[sflag:s26] =	ssyncadd.s32 $0xFFFFC000  }
0x1d6: {  	[tilespmem:s25], [sflag:$0x4] =	stream.linear.gather [spmem:s8], $0x4000, $0x38;
	[tilespmem:$0x1FF00] =	vst v63  }
0x1d7: {  	_ =	swait.ge [sflag:s26], $0x4000  }
0x1d8: {  	[sflag:s26] =	ssyncset.done $0x0  }
0x1d9: {  	s9 =	rddreg [dreg:$0xb];
	[sflag:s26] =	ssyncadd.s32 $0xFFFFC000  }
0x1da: {  	[hbm4b:s9+s3] =	stream.linear.scatter [tilespmem:s25], [sflag:$0x4], $0x4000, $0x38;
	[tilespmem:$0x1FF00] =	vst v63  }
0x1db: {  	_ =	swait.ge [sflag:s26], $0x4000  }
0x1dc: {  	[sflag:s26] =	ssyncset.done $0x0  }
0x1dd: {  	s10 =	rddreg [dreg:$0x5];
	[sflag:s26] =	ssyncadd.s32 $0xFFFFC000  }
0x1de: {  	[tilespmem:s25], [sflag:$0x4] =	stream.linear.gather [spmem:s10], $0x3C00, $0x38;
	[tilespmem:$0x1FF00] =	vst v63  }
0x1df: {  	_ =	swait.ge [sflag:s26], $0x3C00  }
0x1e0: {  	[sflag:s26] =	ssyncset.done $0x0  }
0x1e1: {  	s11 =	rddreg [dreg:$0xc];
	[sflag:s26] =	ssyncadd.s32 $0xFFFFC400  }
0x1e2: {  	[hbm4b:s11+s3] =	stream.linear.scatter [tilespmem:s25], [sflag:$0x4], $0x3C00, $0x38;
	[tilespmem:$0x1FF00] =	vst v63  }
0x1e3: {  	_ =	swait.ge [sflag:s26], $0x3C00  }
0x1e4: {  	s21 =	sadd.s32 $0x1, s21;
	s12 =	rddreg [dreg:$0xd]  }
0x1e5: {  	p0 =	sne.s32 s21, s12  }
.Ltmp4:
0x1e6: {  	_ = 	snop;
	(pc) =	sbr.rel @p0 .LBB2_1-.Ltmp4, $3  }
0x1e7: {  	_ =	sdelay $0x1  }
0x1e8: {  	[sflag:s26] =	ssyncset.done $0x0  }
0x1e9: {  	s24 =	smov.u32 s7;
	[sflag:s26] =	ssyncadd.s32 $0xFFFFC400  }
0x1ea: {  	_ =	sfence.sel $0x180000  }
0x1eb: {  	[bflag:$0x0] =	sbarrier.arrive $0xFFFF  }
0x1ec: {  	_ =	strace $0x90000047  }
0x1ed: {  	s0 =	stileid.u32;
	[bflag:$0x2] =	sbarrier.arrive $0xFFFF  }
0x1ee: {  	p0 =	sne.s32 s0, $0x0;
	s0 =	rddreg [dreg:$0x2]  }
0x1ef: {  	s0 =	sadd.s32 @!p0 $0x100000, s0  }
0x1f0: {  	[sflag:s0] =	ssyncadd.tile.s32 @!p0 $0x1;
	_ =	shalt  }
.Lfunc_end2:
_tile_overlayer_lowered:
.L_overlay_start_2:
0x1f1: {  	(tag) =	ssettag $0x2  }
0x1f2: {  	s0 =	rddreg [dreg:$0x0];
	s2 =	stileid.u32  }
0x1f3: {  	s1 =	rddreg [dreg:$0x1];
	p0 =	sne.s32 s2, $0x0  }
0x1f4: {  	s3 =	rddreg [dreg:$0x2];
	[bflag:$0x3] =	sbarrier.arrive $0xFFFF;
	s2 =	simm.s32 @!p0 $0x1C04  }
0x1f5: {  	[timem:s3], [sflag:s2] =	dma.local @!p0 [hbm:s0], s1  }
0x1f6: {  	s0 =	simm.s32 @!p0 $0x4  }
0x1f7: {  	_ =	swait.ge @!p0 [sflag:s0], s1  }
0x1f8: {  	s1 =	ssub.s32 @!p0 $0x0, s1;
	[sflag:s0] =	ssyncset.done @!p0 $0x0  }
0x1f9: {  	[sflag:s0] =	ssyncadd.s32 @!p0 s1  }
0x1fa: {  	[bflag:$0x3] =	sbarrier.arrive $0xFFFF  }
0x1fb: {  	_ =	shalt  }

</sc_bundles>
